<compile_context>
chip_gen: v7x
topology: tpu7x:2x2x1
jax: 0.10.2.dev20260603
libtpu: 0.0.44.dev20260713+nightly
codegen_flags: <defaults>
</compile_context>

<pallas_src>
import functools

import jax
import jax.numpy as jnp
from jax import lax
from jax.experimental import pallas as pl

_K = 100
_BLK = 512
_G = 16
_TIE_MARGIN = 18


def _score_gmax_kernel(q_ref, e_ref, s_ref, gm_ref, *, x_total):
    j = pl.program_id(0)
    s = jnp.dot(q_ref[...], e_ref[...], preferred_element_type=jnp.float32)
    col = j * _BLK + lax.broadcasted_iota(jnp.int32, s.shape, 1)
    s = jnp.where(col < x_total, s, -jnp.inf)
    s_ref[...] = s

    b = s.shape[0]
    m = jnp.max(jnp.reshape(s, (b, _BLK // _G, _G)), axis=2)
    m4 = jnp.concatenate([m, m, m, m], axis=1)
    q = j % 4
    lane = lax.broadcasted_iota(jnp.int32, (b, 128), 1)
    quarter_mask = (lane >= q * 32) & (lane < (q + 1) * 32)

    @pl.when(q == 0)
    def _():
        gm_ref[...] = jnp.full((b, 128), -jnp.inf, jnp.float32)

    gm_ref[...] = jnp.where(quarter_mask, m4, gm_ref[...])


def kernel(query_embeddings, item_embeddings_t, item_ids, invalid_ids, k):
    b, d = query_embeddings.shape
    x = item_embeddings_t.shape[1]
    n_blocks = (x + _BLK - 1) // _BLK
    x_pad = n_blocks * _BLK
    n_groups = x_pad // _G
    kp = min(_K + invalid_ids.shape[1], item_ids.shape[1])
    k2 = min(kp + _TIE_MARGIN, n_groups)

    e_pad = jnp.pad(item_embeddings_t, ((0, 0), (0, x_pad - x)))

    scores, gmax = pl.pallas_call(
        functools.partial(_score_gmax_kernel, x_total=x),
        grid=(n_blocks,),
        in_specs=[
            pl.BlockSpec((b, d), lambda j: (0, 0)),
            pl.BlockSpec((d, _BLK), lambda j: (0, j)),
        ],
        out_specs=[
            pl.BlockSpec((b, _BLK), lambda j: (0, j)),
            pl.BlockSpec((b, 128), lambda j: (0, j // 4)),
        ],
        out_shape=[
            jax.ShapeDtypeStruct((b, x_pad), jnp.float32),
            jax.ShapeDtypeStruct((b, n_groups), jnp.float32),
        ],
    )(query_embeddings, e_pad)

    top_g = lax.top_k(gmax, k2)[1]
    s3 = jnp.reshape(scores, (b, n_groups, _G))
    cand_val = jnp.reshape(
        jnp.take_along_axis(s3, top_g[:, :, None], axis=1), (b, k2 * _G))
    cand_col = jnp.reshape(
        top_g[:, :, None] * _G + jnp.arange(_G, dtype=jnp.int32)[None, None, :],
        (b, k2 * _G))

    top_vals, top_pos = lax.top_k(cand_val, kp)
    top_cols = jnp.take_along_axis(cand_col, top_pos, axis=1)

    o1 = jnp.argsort(top_cols, axis=1, stable=True)
    v1 = jnp.take_along_axis(top_vals, o1, axis=1)
    c1 = jnp.take_along_axis(top_cols, o1, axis=1)
    o2 = jnp.argsort(-v1, axis=1, stable=True)
    top_vals = jnp.take_along_axis(v1, o2, axis=1)
    top_cols = jnp.take_along_axis(c1, o2, axis=1)

    top_ids = jnp.take(item_ids[0], top_cols)

    valid = ~jnp.any(top_ids[:, :, None] == invalid_ids[:, None, :], axis=2)
    valid = jnp.logical_and(
        valid, jnp.cumsum(valid.astype(jnp.int32), axis=1) <= k
    )
    off = jnp.argsort(~valid, axis=1)[:, :_K]
    out_scores = jnp.take_along_axis(top_vals, off, axis=1)
    out_ids = jnp.take_along_axis(top_ids, off, axis=1)
    return (out_ids, out_scores)

# --- scband reference (transcript-rebuilt; emitter-appended) ---
"""Pipeline reference for scband-candidate-index-90907277787717 (READ-ONLY COPY).

The authoritative reference and input builder live on the scoring server;
editing this copy changes nothing except your own understanding.
"""

import jax, jax.numpy as jnp
import numpy as np

B = 1024
D = 128
X = 100000
K = 100
N_INV = 10


def setup_inputs(seed: int = 0) -> dict:
    key = jax.random.key(seed)
    k1, k2, k3 = jax.random.split(key, 3)
    query_embeddings = jax.random.normal(k1, (B, D), dtype=jnp.float32)
    # CandidateIndex stores embeddings (1, X, D) transposed to (D, X)
    item_embeddings_t = jax.random.normal(k2, (D, X), dtype=jnp.float32)
    item_ids = jnp.arange(X, dtype=jnp.int32).reshape(1, X)
    invalid_ids = jax.random.randint(k3, (B, N_INV), 0, X, dtype=jnp.int32)
    return {
        "query_embeddings": query_embeddings,
        "item_embeddings_t": item_embeddings_t,
        "item_ids": item_ids,
        "invalid_ids": invalid_ids,
        "k": K,
    }


def reference(query_embeddings, item_embeddings_t, item_ids, invalid_ids, k):
    # CandidateIndex.get_top_k_outputs with a brute-force MIPS TopKModule.
    max_num_invalid_ids = invalid_ids.shape[1]
    num_objects = item_ids.shape[1]
    k_prime = min(K + max_num_invalid_ids, num_objects)

    # TopKModule: dense dot-product scores, then exact top-k (sorted=True)
    scores = jnp.matmul(query_embeddings, item_embeddings_t)  # (B, X)
    top_k_prime_scores, top_idx = jax.lax.top_k(scores, k_prime)  # (B, k')
    top_k_prime_ids = jnp.take(item_ids[0], top_idx)  # (B, k')

    # Filter invalid ids per row, keep first k valid entries (order preserved)
    id_is_valid = ~jnp.any(
        top_k_prime_ids[:, :, None] == invalid_ids[:, None, :], axis=2
    )  # (B, k')
    id_is_valid = jnp.logical_and(
        id_is_valid, jnp.cumsum(id_is_valid.astype(jnp.int32), axis=1) <= k
    )
    # stable argsort: valid positions (False after ~) come first, in order ->
    # equivalent to torch.nonzero(...)[1].view(-1, k)
    top_k_rowwise_offsets = jnp.argsort(~id_is_valid, axis=1)[:, :K]  # (B, k)
    top_k_scores = jnp.take_along_axis(top_k_prime_scores, top_k_rowwise_offsets, axis=1)
    top_k_ids = jnp.take_along_axis(top_k_prime_ids, top_k_rowwise_offsets, axis=1)
    return (top_k_ids, top_k_scores)

if __name__ == "__main__":
    import jax
    _d = setup_inputs()
    print(jax.jit(kernel)(*tuple(_d.values())))

</pallas_src>

<mosaic_0001>
module attributes {stable_mosaic.version = 14 : i64} {
  func.func @_score_gmax_kernel(%arg0: i32, %arg1: memref<1024x128xf32, #tpu.memory_space<vmem>>, %arg2: memref<128x512xf32, #tpu.memory_space<vmem>>, %arg3: memref<1024x512xf32, #tpu.memory_space<vmem>>, %arg4: memref<1024x128xf32, #tpu.memory_space<vmem>>) attributes {dimension_semantics = [#tpu.dimension_semantics<arbitrary>], iteration_bounds = array<i64: 196>, scalar_prefetch = 0 : i64, scratch_operands = 0 : i64, tpu.core_type = #tpu.core_type<tc>, window_params = [{pipeline_mode = #tpu.pipeline_mode<synchronous>, transform_indices = @transform_0, window_bounds = array<i64: 1024, 128>}, {transform_indices = @transform_1, window_bounds = array<i64: 128, 512>}, {transform_indices = @transform_2, window_bounds = array<i64: 1024, 512>}, {transform_indices = @transform_3, window_bounds = array<i64: 1024, 128>}]} {
    %get3A = arith.constant 0 : index
    %get3A_0 = arith.constant 0 : index
    %get3A_1 = vector.load %arg1[%get3A, %get3A_0] : memref<1024x128xf32, #tpu.memory_space<vmem>>, vector<1024x128xf32>
    %get3A_2 = arith.constant 0 : index
    %get3A_3 = arith.constant 0 : index
    %get3A_4 = vector.load %arg2[%get3A_2, %get3A_3] : memref<128x512xf32, #tpu.memory_space<vmem>>, vector<128x512xf32>
    %dot_general3A = arith.constant dense<0.000000e+00> : vector<1024x512xf32>
    %dot_general3A_5 = tpu.matmul %get3A_1, %get3A_4, %dot_general3A {dimension_numbers = #tpu.dot_dimension_numbers<[1], [0], [0], [1], [0, 0, 1, 1], [], []>, transpose_lhs_hint = false} : vector<1024x128xf32>, vector<128x512xf32>, vector<1024x512xf32> -> vector<1024x512xf32>
    %mul3A = arith.constant 512 : i32
    %mul3A_6 = arith.muli %arg0, %mul3A : i32
    %iota3A = tpu.iota {dimensions = array<i32: 1>} : vector<1024x512xi32>
    %add3A = vector.broadcast %mul3A_6 : i32 to vector<1024x512xi32>
    %add3A_7 = arith.addi %add3A, %iota3A : vector<1024x512xi32>
    %lt3A = arith.constant 100000 : i32
    %lt3A_8 = vector.broadcast %lt3A : i32 to vector<1024x512xi32>
    %lt3A_9 = arith.cmpi slt, %add3A_7, %lt3A_8 : vector<1024x512xi32>
    %jit3A = arith.constant 0xFF800000 : f32
    %broadcast_in_dim3A = vector.broadcast %jit3A : f32 to vector<1024x512xf32>
    %select_n3A = arith.select %lt3A_9, %dot_general3A_5, %broadcast_in_dim3A : vector<1024x512xi1>, vector<1024x512xf32>
    %swap3A = arith.constant 0 : index
    %swap3A_10 = arith.constant 0 : index
    %swap3A_11 = vector.load %arg3[%swap3A, %swap3A_10] : memref<1024x512xf32, #tpu.memory_space<vmem>>, vector<1024x512xf32>
    tpu.vector_store %arg3[%swap3A, %swap3A_10], %select_n3A {strides = array<i32>} : memref<1024x512xf32, #tpu.memory_space<vmem>>, vector<1024x512xf32>,
    %reshape3A = vector.shape_cast %select_n3A : vector<1024x512xf32> to vector<1024x32x16xf32>
    %reduce_max3A = arith.constant dense<0xFF800000> : vector<1024x32xf32>
    %reduce_max3A_12 = vector.multi_reduction <maximumf>, %reshape3A, %reduce_max3A [2] : vector<1024x32x16xf32> to vector<1024x32xf32>
    %concatenate3A = tpu.concatenate %reduce_max3A_12, %reduce_max3A_12, %reduce_max3A_12, %reduce_max3A_12 in 1 : vector<1024x32xf32>, vector<1024x32xf32>, vector<1024x32xf32>, vector<1024x32xf32> -> vector<1024x128xf32>
    %jit3A_13 = arith.constant 4 : i32
    %eq3A = arith.constant 0 : i32
    %eq3A_14 = arith.cmpi eq, %jit3A_13, %eq3A : i32
    %jit3A_15 = arith.constant 1 : i32
    %select_n3A_16 = arith.select %eq3A_14, %jit3A_15, %jit3A_13 : i32
    %rem3A = arith.remsi %arg0, %select_n3A_16 : i32
    %ne3A = arith.constant 0 : i32
    %ne3A_17 = arith.cmpi ne, %rem3A, %ne3A : i32
    %lt3A_18 = arith.constant 0 : i32
    %lt3A_19 = arith.cmpi slt, %rem3A, %lt3A_18 : i32
    %lt3A_20 = arith.constant 0 : i32
    %lt3A_21 = arith.cmpi slt, %select_n3A_16, %lt3A_20 : i32
    %ne3A_22 = arith.xori %lt3A_19, %lt3A_21 : i1
    %and3A = arith.andi %ne3A_22, %ne3A_17 : i1
    %add3A_23 = arith.addi %rem3A, %select_n3A_16 : i32
    %select_n3A_24 = arith.select %and3A, %add3A_23, %rem3A : i32
    %iota3A_25 = tpu.iota {dimensions = array<i32: 1>} : vector<1024x128xi32>
    %mul3A_26 = arith.constant 32 : i32
    %mul3A_27 = arith.muli %select_n3A_24, %mul3A_26 : i32
    %ge3A = vector.broadcast %mul3A_27 : i32 to vector<1024x128xi32>
    %ge3A_28 = arith.cmpi sge, %iota3A_25, %ge3A : vector<1024x128xi32>
    %add3A_29 = arith.constant 1 : i32
    %add3A_30 = arith.addi %select_n3A_24, %add3A_29 : i32
    %mul3A_31 = arith.constant 32 : i32
    %mul3A_32 = arith.muli %add3A_30, %mul3A_31 : i32
    %lt3A_33 = vector.broadcast %mul3A_32 : i32 to vector<1024x128xi32>
    %lt3A_34 = arith.cmpi slt, %iota3A_25, %lt3A_33 : vector<1024x128xi32>
    %and3A_35 = arith.andi %ge3A_28, %lt3A_34 : vector<1024x128xi1>
    %eq3A_36 = arith.constant 0 : i32
    %eq3A_37 = arith.cmpi eq, %select_n3A_24, %eq3A_36 : i32
    %convert_element_type3A = arith.extui %eq3A_37 : i1 to i32
    %cond3A = arith.constant 0 : i32
    %cond3A_38 = arith.cmpi ne, %convert_element_type3A, %cond3A : i32
    scf.if %cond3A_38 {
      %broadcast_in_dim3A_46 = arith.constant 0xFF800000 : f32
      %broadcast_in_dim3A_47 = vector.broadcast %broadcast_in_dim3A_46 : f32 to vector<1024x128xf32>
      %swap3A_48 = arith.constant 0 : index
      %swap3A_49 = arith.constant 0 : index
      %swap3A_50 = vector.load %arg4[%swap3A_48, %swap3A_49] : memref<1024x128xf32, #tpu.memory_space<vmem>>, vector<1024x128xf32>
      tpu.vector_store %arg4[%swap3A_48, %swap3A_49], %broadcast_in_dim3A_47 {strides = array<i32>} : memref<1024x128xf32, #tpu.memory_space<vmem>>, vector<1024x128xf32>,
    } else {
    }
    %get3A_39 = arith.constant 0 : index
    %get3A_40 = arith.constant 0 : index
    %get3A_41 = vector.load %arg4[%get3A_39, %get3A_40] : memref<1024x128xf32, #tpu.memory_space<vmem>>, vector<1024x128xf32>
    %select_n3A_42 = arith.select %and3A_35, %concatenate3A, %get3A_41 : vector<1024x128xi1>, vector<1024x128xf32>
    %swap3A_43 = arith.constant 0 : index
    %swap3A_44 = arith.constant 0 : index
    %swap3A_45 = vector.load %arg4[%swap3A_43, %swap3A_44] : memref<1024x128xf32, #tpu.memory_space<vmem>>, vector<1024x128xf32>
    tpu.vector_store %arg4[%swap3A_43, %swap3A_44], %select_n3A_42 {strides = array<i32>} : memref<1024x128xf32, #tpu.memory_space<vmem>>, vector<1024x128xf32>,
    return
  }
  func.func @transform_0(%arg0: i32) -> (i32, i32) {
    %c0_i32 = arith.constant 0 : i32
    %c0_i32_0 = arith.constant 0 : i32
    %c0_i32_1 = arith.constant 0 : i32
    return %c0_i32, %c0_i32_0 : i32, i32
  }
  func.func @transform_1(%arg0: i32) -> (i32, i32) {
    %c0_i32 = arith.constant 0 : i32
    %c0_i32_0 = arith.constant 0 : i32
    return %c0_i32, %arg0 : i32, i32
  }
  func.func @transform_2(%arg0: i32) -> (i32, i32) {
    %c0_i32 = arith.constant 0 : i32
    %c0_i32_0 = arith.constant 0 : i32
    return %c0_i32, %arg0 : i32, i32
  }
  func.func @transform_3(%arg0: i32) -> (i32, i32) {
    %jit3A = arith.constant 4 : i32
    %div3A = arith.divsi %arg0, %jit3A : i32
    %sign3A = arith.constant 0 : i32
    %sign3A_0 = arith.cmpi sgt, %arg0, %sign3A : i32
    %sign3A_1 = arith.extui %sign3A_0 : i1 to i32
    %sign3A_2 = arith.constant 0 : i32
    %sign3A_3 = arith.cmpi slt, %arg0, %sign3A_2 : i32
    %sign3A_4 = arith.extui %sign3A_3 : i1 to i32
    %sign3A_5 = arith.subi %sign3A_1, %sign3A_4 : i32
    %sign3A_6 = arith.constant 0 : i32
    %sign3A_7 = arith.cmpi sgt, %jit3A, %sign3A_6 : i32
    %sign3A_8 = arith.extui %sign3A_7 : i1 to i32
    %sign3A_9 = arith.constant 0 : i32
    %sign3A_10 = arith.cmpi slt, %jit3A, %sign3A_9 : i32
    %sign3A_11 = arith.extui %sign3A_10 : i1 to i32
    %sign3A_12 = arith.subi %sign3A_8, %sign3A_11 : i32
    %ne3A = arith.cmpi ne, %sign3A_5, %sign3A_12 : i32
    %rem3A = arith.remsi %arg0, %jit3A : i32
    %ne3A_13 = arith.constant 0 : i32
    %ne3A_14 = arith.cmpi ne, %rem3A, %ne3A_13 : i32
    %and3A = arith.andi %ne3A, %ne3A_14 : i1
    %sub3A = arith.constant 1 : i32
    %sub3A_15 = arith.subi %div3A, %sub3A : i32
    %select_n3A = arith.select %and3A, %sub3A_15, %div3A : i32
    %c0_i32 = arith.constant 0 : i32
    %c0_i32_16 = arith.constant 0 : i32
    return %c0_i32, %select_n3A : i32, i32
  }
}

</mosaic_0001>

<sc_bundles>
// kernel: gather_offload_async_start.1
scs
__scs_entry_jumppad:
0x0: {  	(pc) =	sbr.rel $0x88, $3  }
0x1: {  	(tag) =	ssettag $0x0;
	lr =	simm.s32 $0x1  }
0x2: {  	[smem:$0x3F9C] =	sst lr;
	_ =	strace $0xD0000000  }
0x3: {  	_ = 	snop  }
0x4: {  	_ = 	snop  }
0x5: {  	_ = 	snop  }
0x6: {  	_ = 	snop  }
0x7: {  	_ = 	snop  }
__scs_overlays_trampoline_lowered:
0x8: {  	[smem:$0x3FAB] =	sst s0  }
0x9: {  	[smem:$0x3FAC] =	sst s1  }
0xa: {  	[smem:$0x3FAD] =	sst s2  }
0xb: {  	[smem:$0x3FAE] =	sst s3  }
0xc: {  	[smem:$0x3FAF] =	sst s4  }
0xd: {  	[smem:$0x3FB0] =	sst s5  }
0xe: {  	[smem:$0x3FB1] =	sst s6  }
0xf: {  	[smem:$0x3FB2] =	sst s7  }
0x10: {  	[smem:$0x3FB3] =	sst s8  }
0x11: {  	[smem:$0x3FB4] =	sst s9;
	s0 =	simm.s32 @!p0 $0x0  }
0x12: {  	s1 =	sld [smem:$0x3F9A];
	s0 =	simm.s32 @p0 $0x1  }
0x13: {  	[smem:$0x3FB5] =	sst s0;
	s0 =	simm.s32 @!p1 $0x0  }
0x14: {  	s2 =	sld [smem:$0x3F99];
	s0 =	simm.s32 @p1 $0x1  }
0x15: {  	[smem:$0x3FB6] =	sst s0;
	s0 =	simm.s32 @!p2 $0x0  }
0x16: {  	s3 =	sld [smem:$0x3FDB];
	s0 =	simm.s32 @p2 $0x1  }
0x17: {  	s4 =	simm.s32 $0x1BF5;
	[smem:$0x3FB8] =	sst s0  }
0x18: {  	s0 =	sld [smem:$0x3F9B];
	_ =	swait.ge [sflag:s4], $0x0  }
0x19: {  	s7 =	sld [smem:$0x3F9C]  }
0x1a: {  	s8 =	sadd.s32 $0xFFFFE003, lr  }
0x1b: {  	s9 =	sadd.s32 $0xFFFFFEF7, lr;
	s5 =	simm.s32 $0xFFFFFFFF;
	p2 =	slt.u32 s8, $0xFFFFF086  }
0x1c: {  	p1 =	slt.u32 s9, $0xF7A;
	s5 =	simm.s32 @!p2 $0x0  }
0x1d: {  	s5 =	simm.s32 @p1 $0x1;
	p0 =	seq.s32 s7, s2  }
0x1e: {  	s7 =	smul.u32 @!p0 $0xF7A, s2;
	p2 =	seq.s32 @!p0 s5, $0x0  }
0x1f: {  	s9 =	smul.u32 $0xF7A, s1;
	s8 =	simm.s32 @!p0 $0x1BF5;
	p2 =	por !p2, p0  }
0x20: {  	[sflag:s8] =	ssyncset.s32 @!p0 $0xFFFFF086;
	s6 =	sadd.s32 @!p0 s3, s7;
	s7 =	simm.s32 @!p0 $0x108  }
0x21: {  	s3 =	sadd.s32 s3, s9;
	s6 =	sadd.s32 @!p0 $0x88, s6;
	s7 =	simm.s32 @p2 $0x1082  }
0x22: {  	[simem:s7], [sflag:s8] =	dma.local @!p0 [hbm:s6], $0xF7A  }
0x23: {  	s9 =	sor.u32 $0xD0000000, s2;
	s6 =	simm.s32 $0x108;
	_ =	swait.ge @!p0 [sflag:s8], $0x0  }
0x24: {  	s3 =	sadd.s32 $0x88, s3;
	s6 =	simm.s32 @!p1 $0x1082;
	[sflag:s4] =	ssyncset.s32 $0xFFFFF086  }
0x25: {  	[simem:s6], [sflag:s4] =	dma.local [hbm:s3], $0xF7A  }
0x26: {  	[smem:$0x3F9C] =	sst s1;
	(tag) =	ssettag s2;
	_ =	strace s9  }
0x27: {  	s1 =	sld [smem:$0x3FAC]  }
0x28: {  	s2 =	sld [smem:$0x3FAD]  }
0x29: {  	s4 =	sld [smem:$0x3FAF]  }
0x2a: {  	p0 =	seq.s32 s5, $0x0;
	s5 =	sld [smem:$0x3FB0]  }
0x2b: {  	s6 =	sld [smem:$0x3FB1]  }
0x2c: {  	s7 =	sld [smem:$0x3FB2]  }
0x2d: {  	s3 =	simm.s32 $0x108;
	s8 =	sld [smem:$0x3FB3]  }
0x2e: {  	s3 =	simm.s32 @!p0 $0x1082;
	s9 =	sld [smem:$0x3FB4]  }
0x2f: {  	lr =	sadd.s32 s0, s3;
	s0 =	sld [smem:$0x3FAB]  }
0x30: {  	s3 =	sld [smem:$0x3FAE]  }
0x31: {  	[smem:$0x3FB7] =	sst s10  }
0x32: {  	s10 =	sld [smem:$0x3FB5];
	_ =	sdelay $0x3  }
0x33: {  	p0 =	seq.s32 s10, $0x1;
	s10 =	sld [smem:$0x3FB7];
	_ =	sdelay $0x3  }
0x34: {  	[smem:$0x3FB7] =	sst s10  }
0x35: {  	s10 =	sld [smem:$0x3FB6];
	_ =	sdelay $0x3  }
0x36: {  	p1 =	seq.s32 s10, $0x1;
	s10 =	sld [smem:$0x3FB7];
	_ =	sdelay $0x3  }
0x37: {  	[smem:$0x3FB7] =	sst s10  }
0x38: {  	s10 =	sld [smem:$0x3FB8]  }
0x39: {  	_ = 	snop;
	(pc) =	sbr.ind lr, $3  }
0x3a: {  	_ = 	snop  }
0x3b: {  	_ = 	snop  }
0x3c: {  	p2 =	seq.s32 s10, $0x1;
	s10 =	sld [smem:$0x3FB7]  }
0x3d: {  	_ =	shalt  }
0x3e: {  	_ =	shalt  }
0x3f: {  	_ =	shalt  }
0x40: {  	_ =	shalt  }
0x41: {  	_ =	shalt  }
0x42: {  	_ =	shalt  }
0x43: {  	_ =	shalt  }
0x44: {  	_ =	shalt  }
0x45: {  	_ =	shalt  }
0x46: {  	_ =	shalt  }
0x47: {  	_ =	shalt  }
0x48: {  	_ =	shalt  }
0x49: {  	_ =	shalt  }
0x4a: {  	_ =	shalt  }
0x4b: {  	_ =	shalt  }
0x4c: {  	_ =	shalt  }
0x4d: {  	_ =	shalt  }
0x4e: {  	_ =	shalt  }
0x4f: {  	_ =	shalt  }
0x50: {  	_ =	shalt  }
0x51: {  	_ =	shalt  }
0x52: {  	_ =	shalt  }
0x53: {  	_ =	shalt  }
0x54: {  	_ =	shalt  }
0x55: {  	_ =	shalt  }
0x56: {  	_ =	shalt  }
0x57: {  	_ =	shalt  }
0x58: {  	_ =	shalt  }
0x59: {  	_ =	shalt  }
0x5a: {  	_ =	shalt  }
0x5b: {  	_ =	shalt  }
0x5c: {  	_ =	shalt  }
0x5d: {  	_ =	shalt  }
0x5e: {  	_ =	shalt  }
0x5f: {  	_ =	shalt  }
0x60: {  	_ =	shalt  }
0x61: {  	_ =	shalt  }
0x62: {  	_ =	shalt  }
0x63: {  	_ =	shalt  }
0x64: {  	_ =	shalt  }
0x65: {  	_ =	shalt  }
0x66: {  	_ =	shalt  }
0x67: {  	_ =	shalt  }
0x68: {  	_ =	shalt  }
0x69: {  	_ =	shalt  }
0x6a: {  	_ =	shalt  }
0x6b: {  	_ =	shalt  }
0x6c: {  	_ =	shalt  }
0x6d: {  	_ =	shalt  }
0x6e: {  	_ =	shalt  }
0x6f: {  	_ =	shalt  }
0x70: {  	_ =	shalt  }
0x71: {  	_ =	shalt  }
0x72: {  	_ =	shalt  }
0x73: {  	_ =	shalt  }
0x74: {  	_ =	shalt  }
0x75: {  	_ =	shalt  }
0x76: {  	_ =	shalt  }
0x77: {  	_ =	shalt  }
0x78: {  	_ =	shalt  }
0x79: {  	_ =	shalt  }
0x7a: {  	_ =	shalt  }
0x7b: {  	_ =	shalt  }
0x7c: {  	_ =	shalt  }
0x7d: {  	_ =	shalt  }
0x7e: {  	_ =	shalt  }
0x7f: {  	_ =	shalt  }
0x80: {  	_ =	shalt  }
0x81: {  	_ =	shalt  }
0x82: {  	_ =	shalt  }
0x83: {  	_ =	shalt  }
0x84: {  	_ =	shalt  }
0x85: {  	_ =	shalt  }
0x86: {  	_ =	shalt  }
0x87: {  	_ =	shalt  }
.Lfunc_end0:
.L_simem_size_0:
called_computation.2_lowered:
.L_overlay_start_0:
0x88: {  	s2 =	sld [smem:$0x3FD9]  }
0x89: {  	s3 =	sld [smem:$0x3FFE];
	_ =	sdelay $0x1  }
0x8a: {  	s1 =	srdreg.scid  }
0x8b: {  	s0 =	sand.u32 $0x1, s1  }
0x8c: {  	s16 =	sshll.u32 s0, $0xA;
	s2 =	sadd.s32 s3, s2  }
0x8d: {  	s2 =	sadd.s32 s2, s16  }
0x8e: {  	[smem:$0x3FC3] =	sst s2  }
0x8f: {  	_ = 	snop  }
0x90: {  	(tm) =	ssettm $0x1  }
0x91: {  	s17 =	sld [smem:$0x3FFB];
	_ =	sdelay $0x3  }
0x92: {  	_ =	strace s17  }
0x93: {  	s2 =	sld [smem:$0x3FFC];
	_ =	sdelay $0x3  }
0x94: {  	_ =	strace s2  }
0x95: {  	s2 =	sld [smem:$0x3FFD];
	_ =	sdelay $0x3  }
0x96: {  	_ =	strace s2  }
0x97: {  	_ =	strace $0x8FFFFFFF  }
0x98: {  	s18 =	sld [smem:$0x3FDB];
	_ =	sdelay $0x1  }
0x99: {  	s19 =	simm.s32 $_scs_section_size  }
0x9a: {  	s4 =	simm.s32 $_size__tile_overlayer_lowered;
	s5 =	simm.s32 $_tile_overlayer_lowered  }
0x9b: {  	s22 =	simm.s32 $0x1BFF;
	s21 =	sshll.u32 s5, $0x1;
	s2 =	sadd.s32 s19, s18  }
0x9c: {  	s6 =	simm.s32 $0x0;
	s20 =	sshll.u32 s4, $0x1;
	s4 =	sadd.s32 s21, s2  }
0x9d: {  	[timem:s6], [sflag:s22] =	dma.local [hbm:s4], s20  }
0x9e: {  	_ =	swait.ge [sflag:s22], s20  }
0x9f: {  	s3 =	ssub.s32 $0x0, s20;
	[sflag:s22] =	ssyncset.done $0x0  }
0xa0: {  	[sflag:s22] =	ssyncadd.s32 s3;
	_ =	sdelay $0x1  }
0xa1: {  	s23 =	simm.s32 $0x1B8B  }
0xa2: {  	_ =	swait.ge [sflag:s23], $0x1  }
0xa3: {  	[sflag:s23] =	ssyncset.done $0x0  }
0xa4: {  	s25 =	simm.s32 $0x1B8E;
	s24 =	sld [smem:$0x3FFE];
	[sflag:s23] =	ssyncadd.s32 $0xFFFFFFFF  }
0xa5: {  	s26 =	simm.s32 $execute0_lowered;
	[smem:$0x3FD2] =	sst s25  }
0xa6: {  	s4 =	sshll.u32 s26, $0x1;
	_ =	strace $0x80000049;
	[dreg:$0x1] =	wrdreg $0xFFFFFFFF  }
0xa7: {  	s28 =	simm.s32 $_size_execute0_lowered;
	s2 =	sadd.s32 s2, s4;
	[dreg:$0x0] =	wrdreg $0x0  }
0xa8: {  	s4 =	sshll.u32 s28, $0x1;
	[dreg:$0x2] =	wrdreg s2  }
0xa9: {  	[dreg:$0x3] =	wrdreg s4  }
0xaa: {  	[dreg:$0x4] =	wrdreg $0xC0  }
0xab: {  	_ =	task [dreg:s6], $0x5FFFF  }
0xac: {  	[dreg:$0x1] =	wrdreg $0xFFFFFFFF  }
0xad: {  	[dreg:$0x0] =	wrdreg $0x60  }
0xae: {  	[dreg:$0x2] =	wrdreg s24  }
0xaf: {  	[dreg:$0x3] =	wrdreg $0x9  }
0xb0: {  	_ =	task.clear_ibuf [dreg:s6], $0x4FFFF;
	_ =	strace $0x90000049  }
0xb1: {  	s29 =	simm.s32 $0x9;
	_ =	strace $0x8000004B  }
0xb2: {  	_ =	swait.ge [sflag:s29], $0x1  }
0xb3: {  	[sflag:s29] =	ssyncadd.s32 $0xFFFFFFFF  }
0xb4: {  	_ =	strace $0x9000004B  }
0xb5: {  	_ =	sfence  }
0xb6: {  	s30 =	sld [smem:$0x0];
	_ =	sdelay $0x2  }
0xb7: {  	s31 =	sshll.u32 s1, $0xD;
	s1 =	sshrl.u32 s1, $0x2  }
0xb8: {  	s3 =	sand.u32 $0x4000, s31;
	s1 =	sadd.s32 s1, s30  }
0xb9: {  	s0 =	sor.u32 s3, s0;
	s1 =	sshll.u32 s1, $0x11  }
0xba: {  	s0 =	sor.u32 s1, s0  }
0xbb: {  	s0 =	sadd.s32 $0x8F2B, s0  }
0xbc: {  	[sflag:s0] =	ssyncadd.remote.s32 $0x1  }
0xbd: {  	_ =	sfence.sel $0xFFFF  }
0xbe: {  	[dreg:$0x0] =	wrdreg $0xFFFFFFFF;
	(pc) =	sbr.abs _section_cstart, $3  }
0xbf: {  	[dreg:$0x1] =	wrdreg $0xFFFFFFFF  }
0xc0: {  	_ =	task.clear_ibuf [dreg:s6], $0x2FFFF;
	_ =	strace $0x9FFFFFFF  }
0xc1: {  	(tm) =	ssettm $0x7FFFFFFF  }
tec
execute0_lowered:
.L_overlay_start_1:
0x0: {  	(tag) =	ssettag $0x1  }
0x1: {  	s0 =	srdreg.scid  }
0x2: {  	s9 =	rddreg [dreg:$0x0];
	s1 =	stileid.u32  }
0x3: {  	s5 =	simm.s32 $0x1;
	s6 =	simm.s32 $0x2;
	s10 =	simm.s32 $0x3  }
0x4: {  	s14 =	simm.s32 $0x0;
	s13 =	simm.s32 $0x0;
	s2 =	sshll.u32 s0, $0xB  }
0x5: {  	s0 =	rddreg [dreg:$0x1];
	s3 =	sshll.u32 s1, $0xC;
	s4 =	sand.u32 $0x800, s2  }
0x6: {  	_ =	strace $0x8000004A;
	s2 =	sadd.s32 $0xC4000, s9;
	s3 =	sor.u32 s3, s4  }
0x7: {  	[sflag:s5] =	ssyncpa.u1 $0x0;
	s4 =	sadd.s32 $0xD04000, s9;
	s7 =	ssub.s32 $0x20000, s3  }
.Ltmp0:
0x8: {  	[sflag:s6] =	ssyncpa.u1 $0x0;
	s8 =	sand.u32 $0xF800, s7;
	(pc) =	sbr.rel .LBB2_1-.Ltmp0, $4  }
0x9: {  	[sflag:s10] =	ssyncpa.u1 $0x0;
	p0 =	sne.s32 s8, $0x0;
	s8 =	simm.s32 $0x1  }
0xa: {  	s12 =	smov.u32 s3;
	s11 =	sshrl.u32 s7, $0x10;
	s8 =	simm.s32 @!p0 $0x0  }
0xb: {  	s7 =	sadd.s32 $0xD08000, s9;
	s9 =	sadd.s32 $0xD28000, s9;
	s8 =	sadd.s32 s8, s11  }
0xc: {  	vm0 =	vmmov $0xffff;
	v0 =	vlaneseq.u32;
	p0 =	por $0x0, $0x0;
	s11 =	simm.s32 $0x0;
	s10 =	sadd.s32 $0x1, s8  }
.LBB2_4:
0xd: {  	_ =	sdelay $0x1  }
0xe: {  	(ifvalue) =	ssetifvalue $0x7FFFFFFF  }
0xf: {  	s17 =	sshll.u32 s14, $0x3;
	(ifvalue) =	ssetifvalue $0x7FFFFFFF  }
0x10: {  	[tilespmem:s23], [sflag:$0x1] =	stream.indirect_vreg.gather [hbm4b:s2+s11], $0x1, v1, vm0, $0x4038;
	[tilespmem:$0x11000] =	vst v63  }
0x11: {  	s30 =	sand.u32 $0x78, s14;
	s17 =	sand.u32 $0xFFFFFC00, s17  }
0x12: {  	_ =	swait.ge [sflag:s5], $0x8000;
	s14 =	sor.u32 s30, s17  }
0x13: {  	[sflag:s5] =	ssyncset.done $0x0;
	s14 =	sshrl.u32 s14, $0x3  }
0x14: {  	[sflag:s5] =	ssyncadd.s32 $0xFFFF8000;
	s31 =	sadd.s32 s7, s14  }
0x15: {  	[hbm:s31] =	stream.linear.scatter [tilespmem:s16], [sflag:$0x3], $0x4000, $0x38;
	[tilespmem:$0x11000] =	vst v63  }
0x16: {  	s15 =	sadd.s32 $0x5000, s15;
	s14 =	sadd.s32 s14, s9  }
0x17: {  	[hbm:s14] =	stream.linear.scatter [tilespmem:s15], [sflag:$0x3], $0x4000, $0x38;
	[tilespmem:$0x11000] =	vst v63  }
.LBB2_5:
0x18: {  	s16 =	sadd.s32 $0x10000, s12  }
0x19: {  	p2 =	sgt.s32 s16, $0x1FFFF  }
0x1a: {  	s16 =	smov.u32 @p2 s3;
	p2 =	sne.s32 s13, s10  }
.Ltmp1:
0x1b: {  	p1 =	slt.u32 s13, $0x2;
	(pc) =	sbr.rel @!p2 .LBB2_6-.Ltmp1, $4  }
0x1c: {  	s15 =	simm.s32 @!p1 $0x3  }
0x1d: {  	s17 =	sadd.s32 $0x1, s13;
	_ =	swait.ge @!p1 [sflag:s15], $0x8000  }
0x1e: {  	s14 =	smov.u32 s12;
	p0 =	por !p0, !p0;
	[sflag:s15] =	ssyncset.done @!p1 $0x0  }
0x1f: {  	s13 =	smov.u32 s17;
	s12 =	smov.u32 s16;
	[sflag:s15] =	ssyncadd.s32 @!p1 $0xFFFF8000  }
.LBB2_1:
0x20: {  	p1 =	sge.u32 s13, s8  }
0x21: {  	s15 =	sxor.u32 @!p1 $0xFFFFFFFF, s13  }
0x22: {  	s31 =	sadd.s32 $0xFFFFFFFF, s13;
	s16 =	sshrl.u32 @!p1 s12, $0x3;
	s15 =	sshll.u32 @!p1 s15, $0xB  }
0x23: {  	s17 =	sand.u32 @!p1 $0x7, s12;
	s16 =	sadd.s32 @!p1 s4, s16;
	s15 =	sand.u32 @!p1 $0x800, s15  }
0x24: {  	[tilespmem:s15], [sflag:$0x2] =	stream.linear.gather @!p1 [hbm4b:s16+s17], $0x800, $0x38;
	[tilespmem:$0x11000] =	vst v63  }
0x25: {  	p1 =	sge.u32 s31, s8  }
.Ltmp2:
0x26: {  	_ = 	snop;
	(pc) =	sbr.rel @p1 .LBB2_5-.Ltmp2, $1  }
0x27: {  	_ =	sdelay $0x3  }
0x28: {  	s15 =	simm.s32 $0x1;
	_ =	swait.ge [sflag:s6], $0x800  }
0x29: {  	s15 =	simm.s32 @!p0 $0x0;
	[sflag:s6] =	ssyncset.done $0x0  }
0x2a: {  	s19 =	sshll.u32 s15, $0xB;
	[sflag:s6] =	ssyncadd.s32 $0xFFFFF800  }
0x2b: {  	v1 =	vld.msk [tilespmem:s19+$0x0 ss:$0x1], $0xffff;
	_ =	sdelay $0x3  }
0x2c: {  	s20 =	ssub.s32 $0x20000, s14  }
0x2d: {  	p1 =	slt.s32 s20, $0x800;
	v2 =	vshrl.u32 v1, $0xA  }
0x2e: {  	s20 =	simm.s32 @!p1 $0x800;
	v3 =	vand.u32 $0x3FF, v1;
	vm1 =	veq.s32 v1, $0x80000000;
	v1 =	vand.u32 $0x1FFF, v2  }
0x2f: {  	p1 =	sgt.s32 s20, $0x0;
	s15 =	smov.u32 s20;
	v2 =	vmul.u32 $0x18800, v3;
	v1 =	vsel vm1, $0xFFFFFFFF, v1  }
0x30: {  	s15 =	simm.s32 @!p1 $0x0;
	v3 =	vshll.u32 v1, $0x3  }
0x31: {  	s15 =	smin.u32 s15, $0x10;
	v2 =	vsel vm1, $0xFFFE7800, v2;
	v3 =	vand.u32 $0xFFFFFC00, v3  }
0x32: {  	v4 =	vmov s15;
	v1 =	vand.u32 $0x7F, v1;
	v2 =	vadd.s32 v2, v3  }
0x33: {  	vm1 =	vgt.u32 v4, v0;
	v1 =	vor.u32 v1, v2  }
0x34: {  	s26 =	sshll.u32 s13, $0xF;
	v2 =	vnsel vm1, $0x7FFFFFFF, v1  }
0x35: {  	s18 =	simm.s32 $0x0;
	s15 =	sand.u32 $0x8000, s26  }
0x36: {  	s17 =	simm.s32 $0x0;
	s18 =	sand.u32 $0x3C00, s18;
	s16 =	sor.u32 $0x1000, s15;
	v3 =	vor.u32 $0x80, v1  }
0x37: {  	s21 =	sand.u32 $0x70, s17;
	(ifvalue) =	ssetifvalue $0x7FFFFFFF;
	s18 =	sadd.s32 s18, s16;
	v3 =	vnsel vm1, $0x7FFFFFFF, v3  }
0x38: {  	(ifvalue) =	ssetifvalue $0x7FFFFFFF;
	s21 =	sadd.s32 s21, s18  }
0x39: {  	v51 =	vor.u32 $0x100, v1;
	[tilespmem:s21], [sflag:$0x1] =	stream.indirect_vreg.gather [hbm4b:s2+s11], $0x1, v2, vm0, $0x4038;
	[tilespmem:$0x11000] =	vst v63  }
0x3a: {  	v2 =	vnsel vm1, $0x7FFFFFFF, v51;
	(ifvalue) =	ssetifvalue $0x7FFFFFFF  }
0x3b: {  	s18 =	sadd.s32 $0x80, s21;
	(ifvalue) =	ssetifvalue $0x7FFFFFFF  }
0x3c: {  	v52 =	vor.u32 $0x180, v1;
	[tilespmem:s18], [sflag:$0x1] =	stream.indirect_vreg.gather [hbm4b:s2+s11], $0x1, v3, vm0, $0x4038;
	[tilespmem:$0x11000] =	vst v63  }
0x3d: {  	v3 =	vnsel vm1, $0x7FFFFFFF, v52;
	(ifvalue) =	ssetifvalue $0x7FFFFFFF  }
0x3e: {  	s28 =	sadd.s32 $0x100, s21;
	(ifvalue) =	ssetifvalue $0x7FFFFFFF  }
0x3f: {  	v53 =	vor.u32 $0x200, v1;
	[tilespmem:s28], [sflag:$0x1] =	stream.indirect_vreg.gather [hbm4b:s2+s11], $0x1, v2, vm0, $0x4038;
	[tilespmem:$0x11000] =	vst v63  }
0x40: {  	v2 =	vnsel vm1, $0x7FFFFFFF, v53;
	(ifvalue) =	ssetifvalue $0x7FFFFFFF  }
0x41: {  	s29 =	sadd.s32 $0x180, s21;
	(ifvalue) =	ssetifvalue $0x7FFFFFFF  }
0x42: {  	v54 =	vor.u32 $0x280, v1;
	[tilespmem:s29], [sflag:$0x1] =	stream.indirect_vreg.gather [hbm4b:s2+s11], $0x1, v3, vm0, $0x4038;
	[tilespmem:$0x11000] =	vst v63  }
0x43: {  	v3 =	vnsel vm1, $0x7FFFFFFF, v54;
	(ifvalue) =	ssetifvalue $0x7FFFFFFF  }
0x44: {  	s30 =	sadd.s32 $0x200, s21;
	(ifvalue) =	ssetifvalue $0x7FFFFFFF  }
0x45: {  	v55 =	vor.u32 $0x300, v1;
	[tilespmem:s30], [sflag:$0x1] =	stream.indirect_vreg.gather [hbm4b:s2+s11], $0x1, v2, vm0, $0x4038;
	[tilespmem:$0x11000] =	vst v63  }
0x46: {  	v2 =	vnsel vm1, $0x7FFFFFFF, v55;
	(ifvalue) =	ssetifvalue $0x7FFFFFFF  }
0x47: {  	s31 =	sand.u32 $0x7, s17;
	s22 =	sadd.s32 $0x280, s21;
	(ifvalue) =	ssetifvalue $0x7FFFFFFF  }
0x48: {  	v56 =	vor.u32 $0x380, v1;
	[tilespmem:s22], [sflag:$0x1] =	stream.indirect_vreg.gather [hbm4b:s2+s11], $0x1, v3, vm0, $0x4038;
	[tilespmem:$0x11000] =	vst v63  }
0x49: {  	s18 =	sshll.u32 s31, $0x4;
	v3 =	vnsel vm1, $0x7FFFFFFF, v56;
	(ifvalue) =	ssetifvalue $0x7FFFFFFF  }
0x4a: {  	s23 =	sadd.s32 $0x300, s21;
	s18 =	sadd.s32 $0x0, s18;
	(ifvalue) =	ssetifvalue $0x7FFFFFFF  }
0x4b: {  	v57 =	vadd.s32 $0xC400, v1;
	[tilespmem:s23], [sflag:$0x1] =	stream.indirect_vreg.gather [hbm4b:s2+s11], $0x1, v2, vm0, $0x4038;
	[tilespmem:$0x11000] =	vst v63  }
0x4c: {  	s18 =	sor.u32 $0x380, s18;
	v2 =	vnsel vm1, $0x7FFFFFFF, v57;
	(ifvalue) =	ssetifvalue $0x7FFFFFFF  }
0x4d: {  	s18 =	sadd.s32 s18, s16;
	(ifvalue) =	ssetifvalue $0x7FFFFFFF  }
0x4e: {  	v58 =	vadd.s32 $0xC480, v1;
	[tilespmem:s18], [sflag:$0x1] =	stream.indirect_vreg.gather [hbm4b:s2+s11], $0x1, v3, vm0, $0x4038;
	[tilespmem:$0x11000] =	vst v63  }
0x4f: {  	v3 =	vnsel vm1, $0x7FFFFFFF, v58;
	(ifvalue) =	ssetifvalue $0x7FFFFFFF  }
0x50: {  	s24 =	sadd.s32 $0x4000, s21;
	(ifvalue) =	ssetifvalue $0x7FFFFFFF  }
0x51: {  	v59 =	vadd.s32 $0xC500, v1;
	[tilespmem:s24], [sflag:$0x1] =	stream.indirect_vreg.gather [hbm4b:s2+s11], $0x1, v2, vm0, $0x4038;
	[tilespmem:$0x11000] =	vst v63  }
0x52: {  	v2 =	vnsel vm1, $0x7FFFFFFF, v59;
	(ifvalue) =	ssetifvalue $0x7FFFFFFF  }
0x53: {  	s25 =	sadd.s32 $0x4080, s21;
	(ifvalue) =	ssetifvalue $0x7FFFFFFF  }
0x54: {  	v60 =	vadd.s32 $0xC580, v1;
	[tilespmem:s25], [sflag:$0x1] =	stream.indirect_vreg.gather [hbm4b:s2+s11], $0x1, v3, vm0, $0x4038;
	[tilespmem:$0x11000] =	vst v63  }
0x55: {  	v3 =	vnsel vm1, $0x7FFFFFFF, v60;
	(ifvalue) =	ssetifvalue $0x7FFFFFFF  }
0x56: {  	s26 =	sadd.s32 $0x4100, s21;
	(ifvalue) =	ssetifvalue $0x7FFFFFFF  }
0x57: {  	v61 =	vadd.s32 $0xC600, v1;
	[tilespmem:s26], [sflag:$0x1] =	stream.indirect_vreg.gather [hbm4b:s2+s11], $0x1, v2, vm0, $0x4038;
	[tilespmem:$0x11000] =	vst v63  }
0x58: {  	v2 =	vnsel vm1, $0x7FFFFFFF, v61;
	(ifvalue) =	ssetifvalue $0x7FFFFFFF  }
0x59: {  	s28 =	sadd.s32 $0x4180, s21;
	(ifvalue) =	ssetifvalue $0x7FFFFFFF  }
0x5a: {  	v62 =	vadd.s32 $0xC680, v1;
	[tilespmem:s28], [sflag:$0x1] =	stream.indirect_vreg.gather [hbm4b:s2+s11], $0x1, v3, vm0, $0x4038;
	[tilespmem:$0x11000] =	vst v63  }
0x5b: {  	v3 =	vnsel vm1, $0x7FFFFFFF, v62;
	(ifvalue) =	ssetifvalue $0x7FFFFFFF  }
0x5c: {  	s29 =	sadd.s32 $0x4200, s21;
	(ifvalue) =	ssetifvalue $0x7FFFFFFF  }
0x5d: {  	v63 =	vadd.s32 $0xC700, v1;
	[tilespmem:s29], [sflag:$0x1] =	stream.indirect_vreg.gather [hbm4b:s2+s11], $0x1, v2, vm0, $0x4038;
	[tilespmem:$0x11000] =	vst v63  }
0x5e: {  	s19 =	sadd.s32 $0x10, s19;
	s20 =	sadd.s32 $0xFFFFFFF0, s20;
	v2 =	vnsel vm1, $0x7FFFFFFF, v63;
	(ifvalue) =	ssetifvalue $0x7FFFFFFF  }
0x5f: {  	s31 =	sadd.s32 $0x4300, s21;
	s30 =	sadd.s32 $0x4280, s21;
	(ifvalue) =	ssetifvalue $0x7FFFFFFF  }
0x60: {  	[tilespmem:s30], [sflag:$0x1] =	stream.indirect_vreg.gather [hbm4b:s2+s11], $0x1, v3, vm0, $0x4038;
	[tilespmem:$0x11000] =	vst v63  }
0x61: {  	v1 =	vadd.s32 $0xC780, v1;
	s22 =	simm.s32 $0x0;
	s23 =	sadd.s32 $0x4380, s21;
	(ifvalue) =	ssetifvalue $0x7FFFFFFF  }
0x62: {  	v1 =	vnsel vm1, $0x7FFFFFFF, v1;
	s21 =	simm.s32 $0xFFFFC080;
	s18 =	simm.s32 $0x10;
	(ifvalue) =	ssetifvalue $0x7FFFFFFF  }
0x63: {  	[tilespmem:s31], [sflag:$0x1] =	stream.indirect_vreg.gather [hbm4b:s2+s11], $0x1, v2, vm0, $0x4038;
	[tilespmem:$0x11000] =	vst v63  }
.LBB2_3:
0x64: {  	(ifvalue) =	ssetifvalue $0x7FFFFFFF  }
0x65: {  	s17 =	sadd.s32 $0x80, s17;
	s22 =	sadd.s32 $0x1, s22;
	s24 =	smov.u32 s18  }
0x66: {  	p1 =	sne.s32 s18, $0x7F0;
	s18 =	sadd.s32 $0x10, s18;
	(ifvalue) =	ssetifvalue $0x7FFFFFFF  }
0x67: {  	[tilespmem:s23], [sflag:$0x1] =	stream.indirect_vreg.gather [hbm4b:s2+s11], $0x1, v1, vm0, $0x4038;
	[tilespmem:$0x11000] =	vst v63  }
0x68: {  	v1 =	vld.msk [tilespmem:s19+$0x0 ss:$0x1], $0xffff;
	_ =	sdelay $0x5  }
0x69: {  	p2 =	sgt.s32 s20, $0x0;
	s23 =	smov.u32 s20;
	v2 =	vand.u32 $0x3FF, v1;
	v3 =	vshrl.u32 v1, $0xA  }
0x6a: {  	s23 =	simm.s32 @!p2 $0x0;
	vm1 =	veq.s32 v1, $0x80000000;
	v1 =	vand.u32 $0x1FFF, v3;
	v2 =	vmul.u32 $0x18800, v2  }
0x6b: {  	s23 =	smin.u32 s23, $0x10;
	v1 =	vsel vm1, $0xFFFFFFFF, v1  }
0x6c: {  	v4 =	vmov s23;
	v3 =	vand.u32 $0x7F, v1;
	v1 =	vshll.u32 v1, $0x3  }
0x6d: {  	v2 =	vsel vm1, $0xFFFE7800, v2;
	vm1 =	vgt.u32 v4, v0;
	v1 =	vand.u32 $0xFFFFFC00, v1  }
0x6e: {  	v1 =	vadd.s32 v2, v1  }
0x6f: {  	s23 =	sadd.s32 $0x4000, s21;
	v1 =	vor.u32 v3, v1  }
0x70: {  	s23 =	sand.u32 $0x3C00, s23;
	v2 =	vnsel vm1, $0x7FFFFFFF, v1;
	v3 =	vor.u32 $0x80, v1;
	v4 =	vor.u32 $0x100, v1  }
0x71: {  	s24 =	sand.u32 $0x70, s24;
	s23 =	sadd.s32 s23, s16;
	v5 =	vor.u32 $0x180, v1;
	v3 =	vnsel vm1, $0x7FFFFFFF, v3;
	v4 =	vnsel vm1, $0x7FFFFFFF, v4;
	(ifvalue) =	ssetifvalue $0x7FFFFFFF  }
0x72: {  	s23 =	sadd.s32 s24, s23;
	v6 =	vor.u32 $0x200, v1;
	v7 =	vor.u32 $0x280, v1;
	v5 =	vnsel vm1, $0x7FFFFFFF, v5;
	(ifvalue) =	ssetifvalue $0x7FFFFFFF  }
0x73: {  	v8 =	vor.u32 $0x300, v1;
	v6 =	vnsel vm1, $0x7FFFFFFF, v6;
	v7 =	vnsel vm1, $0x7FFFFFFF, v7  }
0x74: {  	v9 =	vor.u32 $0x380, v1;
	v10 =	vadd.s32 $0xC400, v1;
	v8 =	vnsel vm1, $0x7FFFFFFF, v8  }
0x75: {  	[tilespmem:s23], [sflag:$0x1] =	stream.indirect_vreg.gather [hbm4b:s2+s11], $0x1, v2, vm0, $0x4038;
	v2 =	vnsel vm1, $0x7FFFFFFF, v9;
	v9 =	vnsel vm1, $0x7FFFFFFF, v10;
	v10 =	vadd.s32 $0xC480, v1;
	[tilespmem:$0x11000] =	vst v63  }
0x76: {  	v11 =	vadd.s32 $0xC500, v1;
	v12 =	vadd.s32 $0xC580, v1;
	(ifvalue) =	ssetifvalue $0x7FFFFFFF;
	v10 =	vnsel vm1, $0x7FFFFFFF, v10  }
0x77: {  	s24 =	sadd.s32 $0x80, s23;
	v13 =	vadd.s32 $0xC600, v1;
	v11 =	vnsel vm1, $0x7FFFFFFF, v11;
	v12 =	vnsel vm1, $0x7FFFFFFF, v12;
	(ifvalue) =	ssetifvalue $0x7FFFFFFF  }
0x78: {  	v14 =	vadd.s32 $0xC700, v1;
	[tilespmem:s24], [sflag:$0x1] =	stream.indirect_vreg.gather [hbm4b:s2+s11], $0x1, v3, vm0, $0x4038;
	v3 =	vnsel vm1, $0x7FFFFFFF, v13;
	v13 =	vadd.s32 $0xC680, v1;
	[tilespmem:$0x11000] =	vst v63  }
0x79: {  	v14 =	vnsel vm1, $0x7FFFFFFF, v14;
	v1 =	vadd.s32 $0xC780, v1;
	(ifvalue) =	ssetifvalue $0x7FFFFFFF;
	v13 =	vnsel vm1, $0x7FFFFFFF, v13  }
0x7a: {  	s24 =	sadd.s32 $0x100, s23;
	v1 =	vnsel vm1, $0x7FFFFFFF, v1;
	(ifvalue) =	ssetifvalue $0x7FFFFFFF  }
0x7b: {  	[tilespmem:s24], [sflag:$0x1] =	stream.indirect_vreg.gather [hbm4b:s2+s11], $0x1, v4, vm0, $0x4038;
	[tilespmem:$0x11000] =	vst v63  }
0x7c: {  	(ifvalue) =	ssetifvalue $0x7FFFFFFF  }
0x7d: {  	s24 =	sadd.s32 $0x180, s23;
	(ifvalue) =	ssetifvalue $0x7FFFFFFF  }
0x7e: {  	[tilespmem:s24], [sflag:$0x1] =	stream.indirect_vreg.gather [hbm4b:s2+s11], $0x1, v5, vm0, $0x4038;
	[tilespmem:$0x11000] =	vst v63  }
0x7f: {  	(ifvalue) =	ssetifvalue $0x7FFFFFFF  }
0x80: {  	s24 =	sadd.s32 $0x200, s23;
	(ifvalue) =	ssetifvalue $0x7FFFFFFF  }
0x81: {  	[tilespmem:s24], [sflag:$0x1] =	stream.indirect_vreg.gather [hbm4b:s2+s11], $0x1, v6, vm0, $0x4038;
	[tilespmem:$0x11000] =	vst v63  }
0x82: {  	(ifvalue) =	ssetifvalue $0x7FFFFFFF  }
0x83: {  	s25 =	sadd.s32 $0x280, s23;
	s24 =	sand.u32 $0x7, s22;
	(ifvalue) =	ssetifvalue $0x7FFFFFFF  }
0x84: {  	[tilespmem:s25], [sflag:$0x1] =	stream.indirect_vreg.gather [hbm4b:s2+s11], $0x1, v7, vm0, $0x4038;
	[tilespmem:$0x11000] =	vst v63  }
0x85: {  	s24 =	sshll.u32 s24, $0x4;
	(ifvalue) =	ssetifvalue $0x7FFFFFFF  }
0x86: {  	s24 =	sadd.s32 s24, s17;
	s25 =	sadd.s32 $0x300, s23;
	(ifvalue) =	ssetifvalue $0x7FFFFFFF  }
0x87: {  	[tilespmem:s25], [sflag:$0x1] =	stream.indirect_vreg.gather [hbm4b:s2+s11], $0x1, v8, vm0, $0x4038;
	[tilespmem:$0x11000] =	vst v63  }
0x88: {  	s24 =	sor.u32 $0x380, s24;
	(ifvalue) =	ssetifvalue $0x7FFFFFFF  }
0x89: {  	s24 =	sadd.s32 s24, s16;
	(ifvalue) =	ssetifvalue $0x7FFFFFFF  }
0x8a: {  	[tilespmem:s24], [sflag:$0x1] =	stream.indirect_vreg.gather [hbm4b:s2+s11], $0x1, v2, vm0, $0x4038;
	[tilespmem:$0x11000] =	vst v63  }
0x8b: {  	(ifvalue) =	ssetifvalue $0x7FFFFFFF  }
0x8c: {  	s24 =	sadd.s32 $0x4000, s23;
	(ifvalue) =	ssetifvalue $0x7FFFFFFF  }
0x8d: {  	[tilespmem:s24], [sflag:$0x1] =	stream.indirect_vreg.gather [hbm4b:s2+s11], $0x1, v9, vm0, $0x4038;
	[tilespmem:$0x11000] =	vst v63  }
0x8e: {  	(ifvalue) =	ssetifvalue $0x7FFFFFFF  }
0x8f: {  	s24 =	sadd.s32 $0x4080, s23;
	(ifvalue) =	ssetifvalue $0x7FFFFFFF  }
0x90: {  	[tilespmem:s24], [sflag:$0x1] =	stream.indirect_vreg.gather [hbm4b:s2+s11], $0x1, v10, vm0, $0x4038;
	[tilespmem:$0x11000] =	vst v63  }
0x91: {  	(ifvalue) =	ssetifvalue $0x7FFFFFFF  }
0x92: {  	s24 =	sadd.s32 $0x4100, s23;
	(ifvalue) =	ssetifvalue $0x7FFFFFFF  }
0x93: {  	[tilespmem:s24], [sflag:$0x1] =	stream.indirect_vreg.gather [hbm4b:s2+s11], $0x1, v11, vm0, $0x4038;
	[tilespmem:$0x11000] =	vst v63  }
0x94: {  	(ifvalue) =	ssetifvalue $0x7FFFFFFF  }
0x95: {  	s25 =	sadd.s32 $0x4200, s23;
	s24 =	sadd.s32 $0x4180, s23;
	(ifvalue) =	ssetifvalue $0x7FFFFFFF  }
0x96: {  	[tilespmem:s24], [sflag:$0x1] =	stream.indirect_vreg.gather [hbm4b:s2+s11], $0x1, v12, vm0, $0x4038;
	[tilespmem:$0x11000] =	vst v63  }
0x97: {  	(ifvalue) =	ssetifvalue $0x7FFFFFFF  }
0x98: {  	s24 =	sadd.s32 $0x4280, s23;
	(ifvalue) =	ssetifvalue $0x7FFFFFFF  }
0x99: {  	[tilespmem:s25], [sflag:$0x1] =	stream.indirect_vreg.gather [hbm4b:s2+s11], $0x1, v3, vm0, $0x4038;
	[tilespmem:$0x11000] =	vst v63  }
0x9a: {  	(ifvalue) =	ssetifvalue $0x7FFFFFFF  }
.Ltmp3:
0x9b: {  	s25 =	sadd.s32 $0x4300, s23;
	(ifvalue) =	ssetifvalue $0x7FFFFFFF;
	(pc) =	sbr.rel @p1 .LBB2_3-.Ltmp3, $4  }
0x9c: {  	[tilespmem:s24], [sflag:$0x1] =	stream.indirect_vreg.gather [hbm4b:s2+s11], $0x1, v13, vm0, $0x4038;
	[tilespmem:$0x11000] =	vst v63  }
0x9d: {  	s20 =	sadd.s32 $0xFFFFFFF0, s20;
	s19 =	sadd.s32 $0x10, s19;
	(ifvalue) =	ssetifvalue $0x7FFFFFFF  }
0x9e: {  	s21 =	sadd.s32 $0x80, s21;
	s23 =	sadd.s32 $0x4380, s23;
	(ifvalue) =	ssetifvalue $0x7FFFFFFF  }
0x9f: {  	[tilespmem:s25], [sflag:$0x1] =	stream.indirect_vreg.gather [hbm4b:s2+s11], $0x1, v14, vm0, $0x4038;
	[tilespmem:$0x11000] =	vst v63  }
.Ltmp4:
0xa0: {  	_ = 	snop;
	(pc) =	sbr.rel .LBB2_4-.Ltmp4, $1  }
0xa1: {  	_ =	sdelay $0x3  }
.LBB2_6:
0xa2: {  	_ =	sfence.sel $0x180000  }
0xa3: {  	s2 =	simm.s32 $0x2;
	[bflag:$0x0] =	sbarrier.arrive $0xFFFF  }
0xa4: {  	s30 =	simm.s32 $0x3;
	[sflag:s2] =	ssyncpa.u1 $0x1  }
0xa5: {  	s31 =	simm.s32 $0x1;
	[sflag:s30] =	ssyncpa.u1 $0x1  }
0xa6: {  	[sflag:s31] =	ssyncpa.u1 $0x1  }
0xa7: {  	p0 =	sne.s32 s1, $0x0;
	_ =	strace $0x9000004A  }
0xa8: {  	s0 =	sadd.s32 @!p0 $0x100000, s0;
	[bflag:$0x2] =	sbarrier.arrive $0xFFFF  }
0xa9: {  	[sflag:s0] =	ssyncadd.tile.s32 @!p0 $0x1;
	_ =	shalt  }
.Lfunc_end2:
_tile_overlayer_lowered:
.L_overlay_start_2:
0xaa: {  	(tag) =	ssettag $0x2  }
0xab: {  	s0 =	rddreg [dreg:$0x0];
	s2 =	stileid.u32  }
0xac: {  	s1 =	rddreg [dreg:$0x1];
	p0 =	sne.s32 s2, $0x0  }
0xad: {  	s3 =	rddreg [dreg:$0x2];
	[bflag:$0x3] =	sbarrier.arrive $0xFFFF;
	s2 =	simm.s32 @!p0 $0x1C01  }
0xae: {  	[timem:s3], [sflag:s2] =	dma.local @!p0 [hbm:s0], s1  }
0xaf: {  	s0 =	simm.s32 @!p0 $0x1  }
0xb0: {  	_ =	swait.ge @!p0 [sflag:s0], s1  }
0xb1: {  	s1 =	ssub.s32 @!p0 $0x0, s1;
	[sflag:s0] =	ssyncset.done @!p0 $0x0  }
0xb2: {  	[sflag:s0] =	ssyncadd.s32 @!p0 s1  }
0xb3: {  	[bflag:$0x3] =	sbarrier.arrive $0xFFFF  }
0xb4: {  	_ =	shalt  }

// kernel: gather_offload_async_start.2
scs
__scs_entry_jumppad:
0x0: {  	(pc) =	sbr.rel $0x88, $3  }
0x1: {  	(tag) =	ssettag $0x0;
	lr =	simm.s32 $0x1  }
0x2: {  	[smem:$0x3F9C] =	sst lr;
	_ =	strace $0xD0000000  }
0x3: {  	_ = 	snop  }
0x4: {  	_ = 	snop  }
0x5: {  	_ = 	snop  }
0x6: {  	_ = 	snop  }
0x7: {  	_ = 	snop  }
__scs_overlays_trampoline_lowered:
0x8: {  	[smem:$0x3FAB] =	sst s0  }
0x9: {  	[smem:$0x3FAC] =	sst s1  }
0xa: {  	[smem:$0x3FAD] =	sst s2  }
0xb: {  	[smem:$0x3FAE] =	sst s3  }
0xc: {  	[smem:$0x3FAF] =	sst s4  }
0xd: {  	[smem:$0x3FB0] =	sst s5  }
0xe: {  	[smem:$0x3FB1] =	sst s6  }
0xf: {  	[smem:$0x3FB2] =	sst s7  }
0x10: {  	[smem:$0x3FB3] =	sst s8  }
0x11: {  	[smem:$0x3FB4] =	sst s9;
	s0 =	simm.s32 @!p0 $0x0  }
0x12: {  	s1 =	sld [smem:$0x3F9A];
	s0 =	simm.s32 @p0 $0x1  }
0x13: {  	[smem:$0x3FB5] =	sst s0;
	s0 =	simm.s32 @!p1 $0x0  }
0x14: {  	s2 =	sld [smem:$0x3F99];
	s0 =	simm.s32 @p1 $0x1  }
0x15: {  	[smem:$0x3FB6] =	sst s0;
	s0 =	simm.s32 @!p2 $0x0  }
0x16: {  	s3 =	sld [smem:$0x3FDB];
	s0 =	simm.s32 @p2 $0x1  }
0x17: {  	s4 =	simm.s32 $0x1BF5;
	[smem:$0x3FB8] =	sst s0  }
0x18: {  	s0 =	sld [smem:$0x3F9B];
	_ =	swait.ge [sflag:s4], $0x0  }
0x19: {  	s7 =	sld [smem:$0x3F9C]  }
0x1a: {  	s8 =	sadd.s32 $0xFFFFE003, lr  }
0x1b: {  	s9 =	sadd.s32 $0xFFFFFEF7, lr;
	s5 =	simm.s32 $0xFFFFFFFF;
	p2 =	slt.u32 s8, $0xFFFFF086  }
0x1c: {  	p1 =	slt.u32 s9, $0xF7A;
	s5 =	simm.s32 @!p2 $0x0  }
0x1d: {  	s5 =	simm.s32 @p1 $0x1;
	p0 =	seq.s32 s7, s2  }
0x1e: {  	s7 =	smul.u32 @!p0 $0xF7A, s2;
	p2 =	seq.s32 @!p0 s5, $0x0  }
0x1f: {  	s9 =	smul.u32 $0xF7A, s1;
	s8 =	simm.s32 @!p0 $0x1BF5;
	p2 =	por !p2, p0  }
0x20: {  	[sflag:s8] =	ssyncset.s32 @!p0 $0xFFFFF086;
	s6 =	sadd.s32 @!p0 s3, s7;
	s7 =	simm.s32 @!p0 $0x108  }
0x21: {  	s3 =	sadd.s32 s3, s9;
	s6 =	sadd.s32 @!p0 $0x88, s6;
	s7 =	simm.s32 @p2 $0x1082  }
0x22: {  	[simem:s7], [sflag:s8] =	dma.local @!p0 [hbm:s6], $0xF7A  }
0x23: {  	s9 =	sor.u32 $0xD0000000, s2;
	s6 =	simm.s32 $0x108;
	_ =	swait.ge @!p0 [sflag:s8], $0x0  }
0x24: {  	s3 =	sadd.s32 $0x88, s3;
	s6 =	simm.s32 @!p1 $0x1082;
	[sflag:s4] =	ssyncset.s32 $0xFFFFF086  }
0x25: {  	[simem:s6], [sflag:s4] =	dma.local [hbm:s3], $0xF7A  }
0x26: {  	[smem:$0x3F9C] =	sst s1;
	(tag) =	ssettag s2;
	_ =	strace s9  }
0x27: {  	s1 =	sld [smem:$0x3FAC]  }
0x28: {  	s2 =	sld [smem:$0x3FAD]  }
0x29: {  	s4 =	sld [smem:$0x3FAF]  }
0x2a: {  	p0 =	seq.s32 s5, $0x0;
	s5 =	sld [smem:$0x3FB0]  }
0x2b: {  	s6 =	sld [smem:$0x3FB1]  }
0x2c: {  	s7 =	sld [smem:$0x3FB2]  }
0x2d: {  	s3 =	simm.s32 $0x108;
	s8 =	sld [smem:$0x3FB3]  }
0x2e: {  	s3 =	simm.s32 @!p0 $0x1082;
	s9 =	sld [smem:$0x3FB4]  }
0x2f: {  	lr =	sadd.s32 s0, s3;
	s0 =	sld [smem:$0x3FAB]  }
0x30: {  	s3 =	sld [smem:$0x3FAE]  }
0x31: {  	[smem:$0x3FB7] =	sst s10  }
0x32: {  	s10 =	sld [smem:$0x3FB5];
	_ =	sdelay $0x3  }
0x33: {  	p0 =	seq.s32 s10, $0x1;
	s10 =	sld [smem:$0x3FB7];
	_ =	sdelay $0x3  }
0x34: {  	[smem:$0x3FB7] =	sst s10  }
0x35: {  	s10 =	sld [smem:$0x3FB6];
	_ =	sdelay $0x3  }
0x36: {  	p1 =	seq.s32 s10, $0x1;
	s10 =	sld [smem:$0x3FB7];
	_ =	sdelay $0x3  }
0x37: {  	[smem:$0x3FB7] =	sst s10  }
0x38: {  	s10 =	sld [smem:$0x3FB8]  }
0x39: {  	_ = 	snop;
	(pc) =	sbr.ind lr, $3  }
0x3a: {  	_ = 	snop  }
0x3b: {  	_ = 	snop  }
0x3c: {  	p2 =	seq.s32 s10, $0x1;
	s10 =	sld [smem:$0x3FB7]  }
0x3d: {  	_ =	shalt  }
0x3e: {  	_ =	shalt  }
0x3f: {  	_ =	shalt  }
0x40: {  	_ =	shalt  }
0x41: {  	_ =	shalt  }
0x42: {  	_ =	shalt  }
0x43: {  	_ =	shalt  }
0x44: {  	_ =	shalt  }
0x45: {  	_ =	shalt  }
0x46: {  	_ =	shalt  }
0x47: {  	_ =	shalt  }
0x48: {  	_ =	shalt  }
0x49: {  	_ =	shalt  }
0x4a: {  	_ =	shalt  }
0x4b: {  	_ =	shalt  }
0x4c: {  	_ =	shalt  }
0x4d: {  	_ =	shalt  }
0x4e: {  	_ =	shalt  }
0x4f: {  	_ =	shalt  }
0x50: {  	_ =	shalt  }
0x51: {  	_ =	shalt  }
0x52: {  	_ =	shalt  }
0x53: {  	_ =	shalt  }
0x54: {  	_ =	shalt  }
0x55: {  	_ =	shalt  }
0x56: {  	_ =	shalt  }
0x57: {  	_ =	shalt  }
0x58: {  	_ =	shalt  }
0x59: {  	_ =	shalt  }
0x5a: {  	_ =	shalt  }
0x5b: {  	_ =	shalt  }
0x5c: {  	_ =	shalt  }
0x5d: {  	_ =	shalt  }
0x5e: {  	_ =	shalt  }
0x5f: {  	_ =	shalt  }
0x60: {  	_ =	shalt  }
0x61: {  	_ =	shalt  }
0x62: {  	_ =	shalt  }
0x63: {  	_ =	shalt  }
0x64: {  	_ =	shalt  }
0x65: {  	_ =	shalt  }
0x66: {  	_ =	shalt  }
0x67: {  	_ =	shalt  }
0x68: {  	_ =	shalt  }
0x69: {  	_ =	shalt  }
0x6a: {  	_ =	shalt  }
0x6b: {  	_ =	shalt  }
0x6c: {  	_ =	shalt  }
0x6d: {  	_ =	shalt  }
0x6e: {  	_ =	shalt  }
0x6f: {  	_ =	shalt  }
0x70: {  	_ =	shalt  }
0x71: {  	_ =	shalt  }
0x72: {  	_ =	shalt  }
0x73: {  	_ =	shalt  }
0x74: {  	_ =	shalt  }
0x75: {  	_ =	shalt  }
0x76: {  	_ =	shalt  }
0x77: {  	_ =	shalt  }
0x78: {  	_ =	shalt  }
0x79: {  	_ =	shalt  }
0x7a: {  	_ =	shalt  }
0x7b: {  	_ =	shalt  }
0x7c: {  	_ =	shalt  }
0x7d: {  	_ =	shalt  }
0x7e: {  	_ =	shalt  }
0x7f: {  	_ =	shalt  }
0x80: {  	_ =	shalt  }
0x81: {  	_ =	shalt  }
0x82: {  	_ =	shalt  }
0x83: {  	_ =	shalt  }
0x84: {  	_ =	shalt  }
0x85: {  	_ =	shalt  }
0x86: {  	_ =	shalt  }
0x87: {  	_ =	shalt  }
.Lfunc_end0:
.L_simem_size_0:
called_computation.3_lowered:
.L_overlay_start_0:
0x88: {  	s2 =	sld [smem:$0x3FD9]  }
0x89: {  	s3 =	sld [smem:$0x3FFE];
	_ =	sdelay $0x1  }
0x8a: {  	s1 =	srdreg.scid  }
0x8b: {  	s0 =	sand.u32 $0x1, s1  }
0x8c: {  	s16 =	sshll.u32 s0, $0xA;
	s2 =	sadd.s32 s3, s2  }
0x8d: {  	s2 =	sadd.s32 s2, s16  }
0x8e: {  	[smem:$0x3FC3] =	sst s2  }
0x8f: {  	_ = 	snop  }
0x90: {  	(tm) =	ssettm $0x1  }
0x91: {  	s17 =	sld [smem:$0x3FFB];
	_ =	sdelay $0x3  }
0x92: {  	_ =	strace s17  }
0x93: {  	s2 =	sld [smem:$0x3FFC];
	_ =	sdelay $0x3  }
0x94: {  	_ =	strace s2  }
0x95: {  	s2 =	sld [smem:$0x3FFD];
	_ =	sdelay $0x3  }
0x96: {  	_ =	strace s2  }
0x97: {  	_ =	strace $0x8FFFFFFF  }
0x98: {  	s18 =	sld [smem:$0x3FDB];
	_ =	sdelay $0x1  }
0x99: {  	s19 =	simm.s32 $_scs_section_size  }
0x9a: {  	s4 =	simm.s32 $_size__tile_overlayer_lowered;
	s5 =	simm.s32 $_tile_overlayer_lowered  }
0x9b: {  	s22 =	simm.s32 $0x1BFF;
	s21 =	sshll.u32 s5, $0x1;
	s2 =	sadd.s32 s19, s18  }
0x9c: {  	s6 =	simm.s32 $0x0;
	s20 =	sshll.u32 s4, $0x1;
	s4 =	sadd.s32 s21, s2  }
0x9d: {  	[timem:s6], [sflag:s22] =	dma.local [hbm:s4], s20  }
0x9e: {  	_ =	swait.ge [sflag:s22], s20  }
0x9f: {  	s3 =	ssub.s32 $0x0, s20;
	[sflag:s22] =	ssyncset.done $0x0  }
0xa0: {  	[sflag:s22] =	ssyncadd.s32 s3;
	_ =	sdelay $0x1  }
0xa1: {  	s23 =	simm.s32 $0x1B8B  }
0xa2: {  	_ =	swait.ge [sflag:s23], $0x1  }
0xa3: {  	[sflag:s23] =	ssyncset.done $0x0  }
0xa4: {  	s25 =	simm.s32 $0x1B8E;
	s24 =	sld [smem:$0x3FFE];
	[sflag:s23] =	ssyncadd.s32 $0xFFFFFFFF  }
0xa5: {  	s26 =	simm.s32 $execute0_lowered;
	[smem:$0x3FD2] =	sst s25  }
0xa6: {  	s4 =	sshll.u32 s26, $0x1;
	_ =	strace $0x8000004C;
	[dreg:$0x1] =	wrdreg $0xFFFFFFFF  }
0xa7: {  	s28 =	simm.s32 $_size_execute0_lowered;
	s2 =	sadd.s32 s2, s4;
	[dreg:$0x0] =	wrdreg $0x0  }
0xa8: {  	s4 =	sshll.u32 s28, $0x1;
	[dreg:$0x2] =	wrdreg s2  }
0xa9: {  	[dreg:$0x3] =	wrdreg s4  }
0xaa: {  	[dreg:$0x4] =	wrdreg $0xC0  }
0xab: {  	_ =	task [dreg:s6], $0x5FFFF  }
0xac: {  	[dreg:$0x1] =	wrdreg $0xFFFFFFFF  }
0xad: {  	[dreg:$0x0] =	wrdreg $0x60  }
0xae: {  	[dreg:$0x2] =	wrdreg s24  }
0xaf: {  	[dreg:$0x3] =	wrdreg $0x9  }
0xb0: {  	_ =	task.clear_ibuf [dreg:s6], $0x4FFFF;
	_ =	strace $0x9000004C  }
0xb1: {  	s29 =	simm.s32 $0x9;
	_ =	strace $0x8000004E  }
0xb2: {  	_ =	swait.ge [sflag:s29], $0x1  }
0xb3: {  	[sflag:s29] =	ssyncadd.s32 $0xFFFFFFFF  }
0xb4: {  	_ =	strace $0x9000004E  }
0xb5: {  	_ =	sfence  }
0xb6: {  	s30 =	sld [smem:$0x0];
	_ =	sdelay $0x2  }
0xb7: {  	s31 =	sshll.u32 s1, $0xD;
	s1 =	sshrl.u32 s1, $0x2  }
0xb8: {  	s3 =	sand.u32 $0x4000, s31;
	s1 =	sadd.s32 s1, s30  }
0xb9: {  	s0 =	sor.u32 s3, s0;
	s1 =	sshll.u32 s1, $0x11  }
0xba: {  	s0 =	sor.u32 s1, s0  }
0xbb: {  	s0 =	sadd.s32 $0x8F2B, s0  }
0xbc: {  	[sflag:s0] =	ssyncadd.remote.s32 $0x1  }
0xbd: {  	_ =	sfence.sel $0xFFFF  }
0xbe: {  	[dreg:$0x0] =	wrdreg $0xFFFFFFFF;
	(pc) =	sbr.abs _section_cstart, $3  }
0xbf: {  	[dreg:$0x1] =	wrdreg $0xFFFFFFFF  }
0xc0: {  	_ =	task.clear_ibuf [dreg:s6], $0x2FFFF;
	_ =	strace $0x9FFFFFFF  }
0xc1: {  	(tm) =	ssettm $0x7FFFFFFF  }
tec
execute0_lowered:
.L_overlay_start_1:
0x0: {  	(tag) =	ssettag $0x1  }
0x1: {  	s0 =	stileid.u32  }
0x2: {  	s1 =	srdreg.scid;
	s2 =	rddreg [dreg:$0x0]  }
0x3: {  	s5 =	simm.s32 $0x1;
	s8 =	simm.s32 $0x1;
	s9 =	simm.s32 $0x3  }
0x4: {  	s10 =	simm.s32 $0x0;
	s3 =	sand.u32 $0x1, s1;
	s4 =	sshll.u32 s0, $0x1  }
0x5: {  	s13 =	simm.s32 $0x0;
	s12 =	simm.s32 $0x0;
	s6 =	sor.u32 s4, s3  }
0x6: {  	s1 =	rddreg [dreg:$0x1];
	_ =	strace $0x8000004D;
	s4 =	smul.u32 $0xB00, s6  }
0x7: {  	s3 =	sadd.s32 $0x80000, s2;
	p0 =	slt.u32 s6, $0x9;
	s6 =	simm.s32 $0x16000  }
.Ltmp0:
0x8: {  	s6 =	simm.s32 @!p0 $0x0;
	s7 =	ssub.s32 $0x1B800, s4;
	(pc) =	sbr.rel .LBB2_1-.Ltmp0, $4  }
0x9: {  	s8 =	simm.s32 @!p0 $0x0;
	p0 =	sne.s32 s7, s6;
	s7 =	simm.s32 $0x1  }
0xa: {  	[sflag:s5] =	ssyncpa.u1 $0x0;
	s6 =	simm.s32 $0x2;
	s7 =	simm.s32 @!p0 $0x0  }
0xb: {  	s11 =	smov.u32 s4;
	[sflag:s6] =	ssyncpa.u1 $0x0;
	s7 =	sadd.s32 s8, s7  }
0xc: {  	vm0 =	vmmov $0xffff;
	s8 =	sadd.s32 $0x87800, s2;
	[sflag:s9] =	ssyncpa.u1 $0x0;
	s9 =	sadd.s32 $0x1, s7  }
.LBB2_4:
0xd: {  	vm1 =	veq.s32 v0, $0x80000000;
	v63 =	vand.u32 $0x3FF, v0;
	v2 =	vand.u32 $0x7FF, v2  }
0xe: {  	v0 =	vsel vm1, $0xFFFFFFFF, v63;
	v2 =	vsel vm1, $0xFFFFFFFF, v2  }
0xf: {  	v3 =	vshll.u32 v0, $0xB;
	v4 =	vshll.u32 v2, $0x3  }
0x10: {  	v0 =	vshll.u32 v0, $0x7;
	v3 =	vand.u32 $0xFFFFC000, v3;
	v4 =	vand.u32 $0xFFFFFC00, v4  }
0x11: {  	v0 =	vand.u32 $0x380, v0;
	v3 =	vadd.s32 v3, v4  }
0x12: {  	v2 =	vand.u32 $0x7F, v2;
	v0 =	vor.u32 v0, v3  }
0x13: {  	v0 =	vor.u32 v2, v0;
	_ =	sdelay $0x1  }
0x14: {  	(ifvalue) =	ssetifvalue $0x7FFFFFFF;
	s15 =	sadd.s32 $0x10, s15  }
0x15: {  	[tilespmem:s15], [sflag:$0x1] =	stream.indirect_vreg.gather [hbm4b:s2+s10], $0x1, v1, vm0, $0x4038;
	[tilespmem:$0x2C00] =	vst v63  }
0x16: {  	(ifvalue) =	ssetifvalue $0x7FFFFFFF;
	s15 =	sadd.s32 $0x10, s15  }
0x17: {  	[tilespmem:s15], [sflag:$0x1] =	stream.indirect_vreg.gather [hbm4b:s2+s10], $0x1, v0, vm0, $0x4038;
	[tilespmem:$0x2C00] =	vst v63  }
0x18: {  	_ =	swait.ge [sflag:s5], $0xB00  }
0x19: {  	s30 =	sshrl.u32 s13, $0x3;
	[sflag:s5] =	ssyncset.done $0x0  }
0x1a: {  	s31 =	sand.u32 $0x7, s13;
	s15 =	sadd.s32 s8, s30;
	[sflag:s5] =	ssyncadd.s32 $0xFFFFF500  }
0x1b: {  	[hbm4b:s15+s31] =	stream.linear.scatter [tilespmem:s14], [sflag:$0x3], $0xB00, $0x38;
	[tilespmem:$0x2C00] =	vst v63  }
.LBB2_5:
0x1c: {  	s15 =	sadd.s32 $0x16000, s11  }
0x1d: {  	p1 =	sgt.s32 s15, $0x1B7FF  }
0x1e: {  	s15 =	smov.u32 @p1 s4;
	p1 =	sne.s32 s12, s9  }
.Ltmp1:
0x1f: {  	p0 =	slt.u32 s12, $0x2;
	(pc) =	sbr.rel @!p1 .LBB2_6-.Ltmp1, $4  }
0x20: {  	s14 =	simm.s32 @!p0 $0x3  }
0x21: {  	_ =	swait.ge @!p0 [sflag:s14], $0xB00  }
0x22: {  	s16 =	sadd.s32 $0x1, s12;
	s13 =	smov.u32 s11;
	[sflag:s14] =	ssyncset.done @!p0 $0x0  }
0x23: {  	s12 =	smov.u32 s16;
	s11 =	smov.u32 s15;
	[sflag:s14] =	ssyncadd.s32 @!p0 $0xFFFFF500  }
.LBB2_1:
0x24: {  	p0 =	sge.u32 s12, s7  }
0x25: {  	s14 =	sxor.u32 @!p0 $0x1, s12  }
0x26: {  	s14 =	smul.u32 @!p0 $0x2C00, s14  }
0x27: {  	s31 =	sadd.s32 $0xFFFFFFFF, s12;
	s15 =	sshrl.u32 @!p0 s11, $0x3  }
0x28: {  	s16 =	sand.u32 @!p0 $0x7, s11;
	s15 =	sadd.s32 @!p0 s3, s15;
	s14 =	sshra.s32 @!p0 s14, $0x2  }
0x29: {  	[tilespmem:s14], [sflag:$0x2] =	stream.linear.gather @!p0 [hbm4b:s15+s16], $0xB00, $0x38;
	[tilespmem:$0x2C00] =	vst v63  }
0x2a: {  	p0 =	sge.u32 s31, s7  }
.Ltmp2:
0x2b: {  	_ = 	snop;
	(pc) =	sbr.rel @p0 .LBB2_5-.Ltmp2, $1  }
0x2c: {  	_ =	sdelay $0x3  }
0x2d: {  	s14 =	sand.u32 $0x1, s12  }
0x2e: {  	_ =	swait.ge [sflag:s6], $0xB00;
	p0 =	seq.s32 s14, $0x1;
	s14 =	simm.s32 $0xB00  }
0x2f: {  	[sflag:s6] =	ssyncset.done $0x0;
	s14 =	simm.s32 @!p0 $0x0  }
0x30: {  	[sflag:s6] =	ssyncadd.s32 $0xFFFFF500;
	(ifvalue) =	ssetifvalue $0x7FFFFFFF;
	v0 =	vld.msk [tilespmem:s14+$0x0 ss:$0x1], $0xffff;
	_ =	sdelay $0x3  }
0x31: {  	s15 =	sadd.s32 $0x10, s14  }
0x32: {  	v2 =	vld.msk [tilespmem:s15+$0x0 ss:$0x1], $0xffff;
	v1 =	vshrl.u32 v0, $0xA  }
0x33: {  	vm1 =	veq.s32 v0, $0x80000000;
	v0 =	vand.u32 $0x3FF, v0;
	v1 =	vand.u32 $0x7FF, v1  }
0x34: {  	v0 =	vsel vm1, $0xFFFFFFFF, v0;
	v1 =	vsel vm1, $0xFFFFFFFF, v1  }
0x35: {  	v3 =	vshll.u32 v0, $0xB;
	v4 =	vshll.u32 v1, $0x3  }
0x36: {  	v0 =	vshll.u32 v0, $0x7;
	v3 =	vand.u32 $0xFFFFC000, v3;
	v4 =	vand.u32 $0xFFFFFC00, v4  }
0x37: {  	vm1 =	veq.s32 v2, $0x80000000;
	v0 =	vand.u32 $0x380, v0;
	v3 =	vadd.s32 v3, v4  }
0x38: {  	v1 =	vand.u32 $0x7F, v1;
	v0 =	vor.u32 v0, v3;
	v3 =	vshrl.u32 v2, $0xA  }
0x39: {  	s15 =	sadd.s32 $0x10, s15;
	v2 =	vand.u32 $0x3FF, v2;
	v1 =	vor.u32 v1, v0;
	v3 =	vand.u32 $0x7FF, v3  }
0x3a: {  	v0 =	vld.msk [tilespmem:s15+$0x0 ss:$0x1], $0xffff;
	v2 =	vsel vm1, $0xFFFFFFFF, v2;
	v3 =	vsel vm1, $0xFFFFFFFF, v3  }
0x3b: {  	v63 =	vshll.u32 v2, $0xB;
	v5 =	vshll.u32 v3, $0x3  }
0x3c: {  	v2 =	vshll.u32 v2, $0x7;
	v4 =	vand.u32 $0xFFFFC000, v63;
	v5 =	vand.u32 $0xFFFFFC00, v5  }
0x3d: {  	s14 =	sadd.s32 $0x1600, s14;
	(ifvalue) =	ssetifvalue $0x7FFFFFFF;
	v2 =	vand.u32 $0x380, v2;
	v4 =	vadd.s32 v4, v5  }
0x3e: {  	[tilespmem:s14], [sflag:$0x1] =	stream.indirect_vreg.gather [hbm4b:s2+s10], $0x1, v1, vm0, $0x4038;
	v1 =	vand.u32 $0x7F, v3;
	v3 =	vor.u32 v2, v4;
	[tilespmem:$0x2C00] =	vst v63  }
0x3f: {  	s16 =	simm.s32 $0x20;
	s17 =	sadd.s32 $0x10, s15;
	s15 =	smov.u32 s14;
	v2 =	vshrl.u32 v0, $0xA;
	v1 =	vor.u32 v1, v3  }
.LBB2_3:
0x40: {  	s16 =	sadd.s32 $0x10, s16;
	vm1 =	veq.s32 v0, $0x80000000;
	v3 =	vand.u32 $0x3FF, v0;
	v0 =	vld.msk [tilespmem:s17+$0x0 ss:$0x1], $0xffff;
	v2 =	vand.u32 $0x7FF, v2  }
0x41: {  	p0 =	slt.u32 s16, $0xAF0;
	v3 =	vsel vm1, $0xFFFFFFFF, v3;
	v2 =	vsel vm1, $0xFFFFFFFF, v2  }
.Ltmp3:
0x42: {  	v4 =	vshll.u32 v3, $0xB;
	v5 =	vshll.u32 v2, $0x3;
	(pc) =	sbr.rel @p0 .LBB2_3-.Ltmp3, $4  }
0x43: {  	s15 =	sadd.s32 $0x10, s15;
	v3 =	vshll.u32 v3, $0x7;
	v4 =	vand.u32 $0xFFFFC000, v4;
	v5 =	vand.u32 $0xFFFFFC00, v5;
	(ifvalue) =	ssetifvalue $0x7FFFFFFF  }
0x44: {  	v3 =	vand.u32 $0x380, v3;
	v4 =	vadd.s32 v4, v5;
	[tilespmem:s15], [sflag:$0x1] =	stream.indirect_vreg.gather [hbm4b:s2+s10], $0x1, v1, vm0, $0x4038;
	[tilespmem:$0x2C00] =	vst v63  }
0x45: {  	v1 =	vand.u32 $0x7F, v2;
	v3 =	vor.u32 v3, v4  }
0x46: {  	s17 =	sadd.s32 $0x10, s17;
	v2 =	vshrl.u32 v0, $0xA;
	v1 =	vor.u32 v1, v3  }
.Ltmp4:
0x47: {  	_ = 	snop;
	(pc) =	sbr.rel .LBB2_4-.Ltmp4, $1  }
0x48: {  	_ =	sdelay $0x3  }
.LBB2_6:
0x49: {  	_ =	sfence.sel $0x180000  }
0x4a: {  	s2 =	simm.s32 $0x2;
	[bflag:$0x0] =	sbarrier.arrive $0xFFFF  }
0x4b: {  	s30 =	simm.s32 $0x3;
	[sflag:s2] =	ssyncpa.u1 $0x1  }
0x4c: {  	s31 =	simm.s32 $0x1;
	[sflag:s30] =	ssyncpa.u1 $0x1  }
0x4d: {  	[sflag:s31] =	ssyncpa.u1 $0x1  }
0x4e: {  	p0 =	sne.s32 s0, $0x0;
	_ =	strace $0x9000004D  }
0x4f: {  	s0 =	sadd.s32 @!p0 $0x100000, s1;
	[bflag:$0x2] =	sbarrier.arrive $0xFFFF  }
0x50: {  	[sflag:s0] =	ssyncadd.tile.s32 @!p0 $0x1;
	_ =	shalt  }
.Lfunc_end2:
_tile_overlayer_lowered:
.L_overlay_start_2:
0x51: {  	(tag) =	ssettag $0x2  }
0x52: {  	s0 =	rddreg [dreg:$0x0];
	s2 =	stileid.u32  }
0x53: {  	s1 =	rddreg [dreg:$0x1];
	p0 =	sne.s32 s2, $0x0  }
0x54: {  	s3 =	rddreg [dreg:$0x2];
	[bflag:$0x3] =	sbarrier.arrive $0xFFFF;
	s2 =	simm.s32 @!p0 $0x1C01  }
0x55: {  	[timem:s3], [sflag:s2] =	dma.local @!p0 [hbm:s0], s1  }
0x56: {  	s0 =	simm.s32 @!p0 $0x1  }
0x57: {  	_ =	swait.ge @!p0 [sflag:s0], s1  }
0x58: {  	s1 =	ssub.s32 @!p0 $0x0, s1;
	[sflag:s0] =	ssyncset.done @!p0 $0x0  }
0x59: {  	[sflag:s0] =	ssyncadd.s32 @!p0 s1  }
0x5a: {  	[bflag:$0x3] =	sbarrier.arrive $0xFFFF  }
0x5b: {  	_ =	shalt  }

// kernel: gather_offload_async_start.3
scs
__scs_entry_jumppad:
0x0: {  	(pc) =	sbr.rel $0x88, $3  }
0x1: {  	(tag) =	ssettag $0x0;
	lr =	simm.s32 $0x1  }
0x2: {  	[smem:$0x3F9C] =	sst lr;
	_ =	strace $0xD0000000  }
0x3: {  	_ = 	snop  }
0x4: {  	_ = 	snop  }
0x5: {  	_ = 	snop  }
0x6: {  	_ = 	snop  }
0x7: {  	_ = 	snop  }
__scs_overlays_trampoline_lowered:
0x8: {  	[smem:$0x3FAB] =	sst s0  }
0x9: {  	[smem:$0x3FAC] =	sst s1  }
0xa: {  	[smem:$0x3FAD] =	sst s2  }
0xb: {  	[smem:$0x3FAE] =	sst s3  }
0xc: {  	[smem:$0x3FAF] =	sst s4  }
0xd: {  	[smem:$0x3FB0] =	sst s5  }
0xe: {  	[smem:$0x3FB1] =	sst s6  }
0xf: {  	[smem:$0x3FB2] =	sst s7  }
0x10: {  	[smem:$0x3FB3] =	sst s8  }
0x11: {  	[smem:$0x3FB4] =	sst s9;
	s0 =	simm.s32 @!p0 $0x0  }
0x12: {  	s1 =	sld [smem:$0x3F9A];
	s0 =	simm.s32 @p0 $0x1  }
0x13: {  	[smem:$0x3FB5] =	sst s0;
	s0 =	simm.s32 @!p1 $0x0  }
0x14: {  	s2 =	sld [smem:$0x3F99];
	s0 =	simm.s32 @p1 $0x1  }
0x15: {  	[smem:$0x3FB6] =	sst s0;
	s0 =	simm.s32 @!p2 $0x0  }
0x16: {  	s3 =	sld [smem:$0x3FDB];
	s0 =	simm.s32 @p2 $0x1  }
0x17: {  	s4 =	simm.s32 $0x1BF5;
	[smem:$0x3FB8] =	sst s0  }
0x18: {  	s0 =	sld [smem:$0x3F9B];
	_ =	swait.ge [sflag:s4], $0x0  }
0x19: {  	s7 =	sld [smem:$0x3F9C]  }
0x1a: {  	s8 =	sadd.s32 $0xFFFFE003, lr  }
0x1b: {  	s9 =	sadd.s32 $0xFFFFFEF7, lr;
	s5 =	simm.s32 $0xFFFFFFFF;
	p2 =	slt.u32 s8, $0xFFFFF086  }
0x1c: {  	p1 =	slt.u32 s9, $0xF7A;
	s5 =	simm.s32 @!p2 $0x0  }
0x1d: {  	s5 =	simm.s32 @p1 $0x1;
	p0 =	seq.s32 s7, s2  }
0x1e: {  	s7 =	smul.u32 @!p0 $0xF7A, s2;
	p2 =	seq.s32 @!p0 s5, $0x0  }
0x1f: {  	s9 =	smul.u32 $0xF7A, s1;
	s8 =	simm.s32 @!p0 $0x1BF5;
	p2 =	por !p2, p0  }
0x20: {  	[sflag:s8] =	ssyncset.s32 @!p0 $0xFFFFF086;
	s6 =	sadd.s32 @!p0 s3, s7;
	s7 =	simm.s32 @!p0 $0x108  }
0x21: {  	s3 =	sadd.s32 s3, s9;
	s6 =	sadd.s32 @!p0 $0x88, s6;
	s7 =	simm.s32 @p2 $0x1082  }
0x22: {  	[simem:s7], [sflag:s8] =	dma.local @!p0 [hbm:s6], $0xF7A  }
0x23: {  	s9 =	sor.u32 $0xD0000000, s2;
	s6 =	simm.s32 $0x108;
	_ =	swait.ge @!p0 [sflag:s8], $0x0  }
0x24: {  	s3 =	sadd.s32 $0x88, s3;
	s6 =	simm.s32 @!p1 $0x1082;
	[sflag:s4] =	ssyncset.s32 $0xFFFFF086  }
0x25: {  	[simem:s6], [sflag:s4] =	dma.local [hbm:s3], $0xF7A  }
0x26: {  	[smem:$0x3F9C] =	sst s1;
	(tag) =	ssettag s2;
	_ =	strace s9  }
0x27: {  	s1 =	sld [smem:$0x3FAC]  }
0x28: {  	s2 =	sld [smem:$0x3FAD]  }
0x29: {  	s4 =	sld [smem:$0x3FAF]  }
0x2a: {  	p0 =	seq.s32 s5, $0x0;
	s5 =	sld [smem:$0x3FB0]  }
0x2b: {  	s6 =	sld [smem:$0x3FB1]  }
0x2c: {  	s7 =	sld [smem:$0x3FB2]  }
0x2d: {  	s3 =	simm.s32 $0x108;
	s8 =	sld [smem:$0x3FB3]  }
0x2e: {  	s3 =	simm.s32 @!p0 $0x1082;
	s9 =	sld [smem:$0x3FB4]  }
0x2f: {  	lr =	sadd.s32 s0, s3;
	s0 =	sld [smem:$0x3FAB]  }
0x30: {  	s3 =	sld [smem:$0x3FAE]  }
0x31: {  	[smem:$0x3FB7] =	sst s10  }
0x32: {  	s10 =	sld [smem:$0x3FB5];
	_ =	sdelay $0x3  }
0x33: {  	p0 =	seq.s32 s10, $0x1;
	s10 =	sld [smem:$0x3FB7];
	_ =	sdelay $0x3  }
0x34: {  	[smem:$0x3FB7] =	sst s10  }
0x35: {  	s10 =	sld [smem:$0x3FB6];
	_ =	sdelay $0x3  }
0x36: {  	p1 =	seq.s32 s10, $0x1;
	s10 =	sld [smem:$0x3FB7];
	_ =	sdelay $0x3  }
0x37: {  	[smem:$0x3FB7] =	sst s10  }
0x38: {  	s10 =	sld [smem:$0x3FB8]  }
0x39: {  	_ = 	snop;
	(pc) =	sbr.ind lr, $3  }
0x3a: {  	_ = 	snop  }
0x3b: {  	_ = 	snop  }
0x3c: {  	p2 =	seq.s32 s10, $0x1;
	s10 =	sld [smem:$0x3FB7]  }
0x3d: {  	_ =	shalt  }
0x3e: {  	_ =	shalt  }
0x3f: {  	_ =	shalt  }
0x40: {  	_ =	shalt  }
0x41: {  	_ =	shalt  }
0x42: {  	_ =	shalt  }
0x43: {  	_ =	shalt  }
0x44: {  	_ =	shalt  }
0x45: {  	_ =	shalt  }
0x46: {  	_ =	shalt  }
0x47: {  	_ =	shalt  }
0x48: {  	_ =	shalt  }
0x49: {  	_ =	shalt  }
0x4a: {  	_ =	shalt  }
0x4b: {  	_ =	shalt  }
0x4c: {  	_ =	shalt  }
0x4d: {  	_ =	shalt  }
0x4e: {  	_ =	shalt  }
0x4f: {  	_ =	shalt  }
0x50: {  	_ =	shalt  }
0x51: {  	_ =	shalt  }
0x52: {  	_ =	shalt  }
0x53: {  	_ =	shalt  }
0x54: {  	_ =	shalt  }
0x55: {  	_ =	shalt  }
0x56: {  	_ =	shalt  }
0x57: {  	_ =	shalt  }
0x58: {  	_ =	shalt  }
0x59: {  	_ =	shalt  }
0x5a: {  	_ =	shalt  }
0x5b: {  	_ =	shalt  }
0x5c: {  	_ =	shalt  }
0x5d: {  	_ =	shalt  }
0x5e: {  	_ =	shalt  }
0x5f: {  	_ =	shalt  }
0x60: {  	_ =	shalt  }
0x61: {  	_ =	shalt  }
0x62: {  	_ =	shalt  }
0x63: {  	_ =	shalt  }
0x64: {  	_ =	shalt  }
0x65: {  	_ =	shalt  }
0x66: {  	_ =	shalt  }
0x67: {  	_ =	shalt  }
0x68: {  	_ =	shalt  }
0x69: {  	_ =	shalt  }
0x6a: {  	_ =	shalt  }
0x6b: {  	_ =	shalt  }
0x6c: {  	_ =	shalt  }
0x6d: {  	_ =	shalt  }
0x6e: {  	_ =	shalt  }
0x6f: {  	_ =	shalt  }
0x70: {  	_ =	shalt  }
0x71: {  	_ =	shalt  }
0x72: {  	_ =	shalt  }
0x73: {  	_ =	shalt  }
0x74: {  	_ =	shalt  }
0x75: {  	_ =	shalt  }
0x76: {  	_ =	shalt  }
0x77: {  	_ =	shalt  }
0x78: {  	_ =	shalt  }
0x79: {  	_ =	shalt  }
0x7a: {  	_ =	shalt  }
0x7b: {  	_ =	shalt  }
0x7c: {  	_ =	shalt  }
0x7d: {  	_ =	shalt  }
0x7e: {  	_ =	shalt  }
0x7f: {  	_ =	shalt  }
0x80: {  	_ =	shalt  }
0x81: {  	_ =	shalt  }
0x82: {  	_ =	shalt  }
0x83: {  	_ =	shalt  }
0x84: {  	_ =	shalt  }
0x85: {  	_ =	shalt  }
0x86: {  	_ =	shalt  }
0x87: {  	_ =	shalt  }
.Lfunc_end0:
.L_simem_size_0:
called_computation.4_lowered:
.L_overlay_start_0:
0x88: {  	s2 =	sld [smem:$0x3FD9]  }
0x89: {  	s3 =	sld [smem:$0x3FFE];
	_ =	sdelay $0x1  }
0x8a: {  	s1 =	srdreg.scid  }
0x8b: {  	s0 =	sand.u32 $0x1, s1  }
0x8c: {  	s16 =	sshll.u32 s0, $0xA;
	s2 =	sadd.s32 s3, s2  }
0x8d: {  	s2 =	sadd.s32 s2, s16  }
0x8e: {  	[smem:$0x3FC3] =	sst s2  }
0x8f: {  	_ = 	snop  }
0x90: {  	(tm) =	ssettm $0x1  }
0x91: {  	s17 =	sld [smem:$0x3FFB];
	_ =	sdelay $0x3  }
0x92: {  	_ =	strace s17  }
0x93: {  	s2 =	sld [smem:$0x3FFC];
	_ =	sdelay $0x3  }
0x94: {  	_ =	strace s2  }
0x95: {  	s2 =	sld [smem:$0x3FFD];
	_ =	sdelay $0x3  }
0x96: {  	_ =	strace s2  }
0x97: {  	_ =	strace $0x8FFFFFFF  }
0x98: {  	s18 =	sld [smem:$0x3FDB];
	_ =	sdelay $0x1  }
0x99: {  	s19 =	simm.s32 $_scs_section_size  }
0x9a: {  	s4 =	simm.s32 $_size__tile_overlayer_lowered;
	s5 =	simm.s32 $_tile_overlayer_lowered  }
0x9b: {  	s22 =	simm.s32 $0x1BFF;
	s21 =	sshll.u32 s5, $0x1;
	s2 =	sadd.s32 s19, s18  }
0x9c: {  	s6 =	simm.s32 $0x0;
	s20 =	sshll.u32 s4, $0x1;
	s4 =	sadd.s32 s21, s2  }
0x9d: {  	[timem:s6], [sflag:s22] =	dma.local [hbm:s4], s20  }
0x9e: {  	_ =	swait.ge [sflag:s22], s20  }
0x9f: {  	s3 =	ssub.s32 $0x0, s20;
	[sflag:s22] =	ssyncset.done $0x0  }
0xa0: {  	[sflag:s22] =	ssyncadd.s32 s3;
	_ =	sdelay $0x1  }
0xa1: {  	s23 =	simm.s32 $0x1B8B  }
0xa2: {  	_ =	swait.ge [sflag:s23], $0x1  }
0xa3: {  	[sflag:s23] =	ssyncset.done $0x0  }
0xa4: {  	s25 =	simm.s32 $0x1B8E;
	s24 =	sld [smem:$0x3FFE];
	[sflag:s23] =	ssyncadd.s32 $0xFFFFFFFF  }
0xa5: {  	s26 =	simm.s32 $execute0_lowered;
	[smem:$0x3FD2] =	sst s25  }
0xa6: {  	s4 =	sshll.u32 s26, $0x1;
	_ =	strace $0x80000061;
	[dreg:$0x1] =	wrdreg $0xFFFFFFFF  }
0xa7: {  	s28 =	simm.s32 $_size_execute0_lowered;
	s2 =	sadd.s32 s2, s4;
	[dreg:$0x0] =	wrdreg $0x0  }
0xa8: {  	s4 =	sshll.u32 s28, $0x1;
	[dreg:$0x2] =	wrdreg s2  }
0xa9: {  	[dreg:$0x3] =	wrdreg s4  }
0xaa: {  	[dreg:$0x4] =	wrdreg $0xC0  }
0xab: {  	_ =	task [dreg:s6], $0x5FFFF  }
0xac: {  	[dreg:$0x1] =	wrdreg $0xFFFFFFFF  }
0xad: {  	[dreg:$0x0] =	wrdreg $0x60  }
0xae: {  	[dreg:$0x2] =	wrdreg s24  }
0xaf: {  	[dreg:$0x3] =	wrdreg $0x9  }
0xb0: {  	_ =	task.clear_ibuf [dreg:s6], $0x4FFFF;
	_ =	strace $0x90000061  }
0xb1: {  	s29 =	simm.s32 $0x9;
	_ =	strace $0x80000063  }
0xb2: {  	_ =	swait.ge [sflag:s29], $0x1  }
0xb3: {  	[sflag:s29] =	ssyncadd.s32 $0xFFFFFFFF  }
0xb4: {  	_ =	strace $0x90000063  }
0xb5: {  	_ =	sfence  }
0xb6: {  	s30 =	sld [smem:$0x0];
	_ =	sdelay $0x2  }
0xb7: {  	s31 =	sshll.u32 s1, $0xD;
	s1 =	sshrl.u32 s1, $0x2  }
0xb8: {  	s3 =	sand.u32 $0x4000, s31;
	s1 =	sadd.s32 s1, s30  }
0xb9: {  	s0 =	sor.u32 s3, s0;
	s1 =	sshll.u32 s1, $0x11  }
0xba: {  	s0 =	sor.u32 s1, s0  }
0xbb: {  	s0 =	sadd.s32 $0x8F2B, s0  }
0xbc: {  	[sflag:s0] =	ssyncadd.remote.s32 $0x1  }
0xbd: {  	_ =	sfence.sel $0xFFFF  }
0xbe: {  	[dreg:$0x0] =	wrdreg $0xFFFFFFFF;
	(pc) =	sbr.abs _section_cstart, $3  }
0xbf: {  	[dreg:$0x1] =	wrdreg $0xFFFFFFFF  }
0xc0: {  	_ =	task.clear_ibuf [dreg:s6], $0x2FFFF;
	_ =	strace $0x9FFFFFFF  }
0xc1: {  	(tm) =	ssettm $0x7FFFFFFF  }
tec
execute0_lowered:
.L_overlay_start_1:
0x0: {  	(tag) =	ssettag $0x1  }
0x1: {  	s0 =	stileid.u32  }
0x2: {  	s1 =	srdreg.scid;
	s2 =	rddreg [dreg:$0x0]  }
0x3: {  	s5 =	simm.s32 $0x1;
	s8 =	simm.s32 $0x1;
	s9 =	simm.s32 $0x3  }
0x4: {  	s10 =	simm.s32 $0x0;
	s3 =	sand.u32 $0x1, s1;
	s4 =	sshll.u32 s0, $0x1  }
0x5: {  	s13 =	simm.s32 $0x0;
	s12 =	simm.s32 $0x0;
	s6 =	sor.u32 s4, s3  }
0x6: {  	s1 =	rddreg [dreg:$0x1];
	_ =	strace $0x80000062;
	s4 =	smul.u32 $0xA00, s6  }
0x7: {  	s3 =	sadd.s32 $0xB800, s2;
	p0 =	slt.u32 s6, $0x9;
	s6 =	simm.s32 $0x14000  }
.Ltmp0:
0x8: {  	s6 =	simm.s32 @!p0 $0x0;
	s7 =	ssub.s32 $0x19000, s4;
	(pc) =	sbr.rel .LBB2_1-.Ltmp0, $4  }
0x9: {  	s8 =	simm.s32 @!p0 $0x0;
	p0 =	sne.s32 s7, s6;
	s7 =	simm.s32 $0x1  }
0xa: {  	[sflag:s5] =	ssyncpa.u1 $0x0;
	s6 =	simm.s32 $0x2;
	s7 =	simm.s32 @!p0 $0x0  }
0xb: {  	s11 =	smov.u32 s4;
	[sflag:s6] =	ssyncpa.u1 $0x0;
	s7 =	sadd.s32 s8, s7  }
0xc: {  	vm0 =	vmmov $0xffff;
	s8 =	sadd.s32 $0x7800, s2;
	[sflag:s9] =	ssyncpa.u1 $0x0;
	s9 =	sadd.s32 $0x1, s7  }
.LBB2_4:
0xd: {  	v5 =	vshrl.u32 v1, $0xA;
	v6 =	vshll.u32 v1, $0x7  }
0xe: {  	vm1 =	veq.s32 v1, $0x80000000;
	v58 =	vand.u32 $0x7F, v5;
	v59 =	vand.u32 $0x1FF80, v6  }
0xf: {  	v1 =	vsel vm1, $0xFFFFFFFF, v58;
	v5 =	vsel vm1, $0xFFFFFF80, v59  }
0x10: {  	v3 =	vor.u32 v4, v3;
	v60 =	vand.u32 $0xFFFFFC00, v5;
	v61 =	vand.u32 $0xFFFFFC00, v1  }
0x11: {  	v2 =	vor.u32 v2, v3;
	v63 =	vand.u32 $0x380, v5;
	v62 =	vadd.s32 v61, v60  }
0x12: {  	v1 =	vand.u32 $0x7F, v1;
	v3 =	vor.u32 v63, v62  }
0x13: {  	v1 =	vor.u32 v1, v3  }
0x14: {  	[tilespmem:s17], [sflag:$0x1] =	stream.indirect_vreg.gather [hbm4b:s2+s10], $0x1, v0, vm0, $0x4038;
	[tilespmem:$0x2800] =	vst v63  }
0x15: {  	(ifvalue) =	ssetifvalue $0x7FFFFFFF  }
0x16: {  	[tilespmem:s15], [sflag:$0x1] =	stream.indirect_vreg.gather [hbm4b:s2+s10], $0x1, v2, vm0, $0x4038;
	[tilespmem:$0x2800] =	vst v63  }
0x17: {  	s29 =	sadd.s32 $0x10, s15;
	(ifvalue) =	ssetifvalue $0x7FFFFFFF  }
0x18: {  	[tilespmem:s29], [sflag:$0x1] =	stream.indirect_vreg.gather [hbm4b:s2+s10], $0x1, v1, vm0, $0x4038;
	[tilespmem:$0x2800] =	vst v63  }
0x19: {  	_ =	swait.ge [sflag:s5], $0xA00  }
0x1a: {  	s30 =	sshrl.u32 s13, $0x3;
	[sflag:s5] =	ssyncset.done $0x0  }
0x1b: {  	s31 =	sand.u32 $0x7, s13;
	s15 =	sadd.s32 s8, s30;
	[sflag:s5] =	ssyncadd.s32 $0xFFFFF600  }
0x1c: {  	[hbm4b:s15+s31] =	stream.linear.scatter [tilespmem:s14], [sflag:$0x3], $0xA00, $0x38;
	[tilespmem:$0x2800] =	vst v63  }
.LBB2_5:
0x1d: {  	s15 =	sadd.s32 $0x14000, s11  }
0x1e: {  	p1 =	sgt.s32 s15, $0x18FFF  }
0x1f: {  	s15 =	smov.u32 @p1 s4;
	p1 =	sne.s32 s12, s9  }
.Ltmp1:
0x20: {  	p0 =	slt.u32 s12, $0x2;
	(pc) =	sbr.rel @!p1 .LBB2_6-.Ltmp1, $4  }
0x21: {  	s14 =	simm.s32 @!p0 $0x3  }
0x22: {  	_ =	swait.ge @!p0 [sflag:s14], $0xA00  }
0x23: {  	s16 =	sadd.s32 $0x1, s12;
	s13 =	smov.u32 s11;
	[sflag:s14] =	ssyncset.done @!p0 $0x0  }
0x24: {  	s12 =	smov.u32 s16;
	s11 =	smov.u32 s15;
	[sflag:s14] =	ssyncadd.s32 @!p0 $0xFFFFF600  }
.LBB2_1:
0x25: {  	p0 =	sge.u32 s12, s7  }
0x26: {  	s14 =	sxor.u32 @!p0 $0x1, s12  }
0x27: {  	s14 =	smul.u32 @!p0 $0x2800, s14  }
0x28: {  	s31 =	sadd.s32 $0xFFFFFFFF, s12;
	s15 =	sshrl.u32 @!p0 s11, $0x3  }
0x29: {  	s16 =	sand.u32 @!p0 $0x7, s11;
	s15 =	sadd.s32 @!p0 s3, s15;
	s14 =	sshra.s32 @!p0 s14, $0x2  }
0x2a: {  	[tilespmem:s14], [sflag:$0x2] =	stream.linear.gather @!p0 [hbm4b:s15+s16], $0xA00, $0x38;
	[tilespmem:$0x2800] =	vst v63  }
0x2b: {  	p0 =	sge.u32 s31, s7  }
.Ltmp2:
0x2c: {  	_ = 	snop;
	(pc) =	sbr.rel @p0 .LBB2_5-.Ltmp2, $1  }
0x2d: {  	_ =	sdelay $0x3  }
0x2e: {  	s14 =	sand.u32 $0x1, s12  }
0x2f: {  	_ =	swait.ge [sflag:s6], $0xA00;
	p0 =	seq.s32 s14, $0x1;
	s14 =	simm.s32 $0xA00  }
0x30: {  	[sflag:s6] =	ssyncset.done $0x0;
	s14 =	simm.s32 @!p0 $0x0  }
0x31: {  	[sflag:s6] =	ssyncadd.s32 $0xFFFFF600;
	(ifvalue) =	ssetifvalue $0x7FFFFFFF;
	v0 =	vld.msk [tilespmem:s14+$0x0 ss:$0x1], $0xffff;
	_ =	sdelay $0x4  }
0x32: {  	s15 =	sadd.s32 $0x10, s14;
	v2 =	vshrl.u32 v0, $0xA;
	v3 =	vshll.u32 v0, $0x7  }
0x33: {  	v1 =	vld.msk [tilespmem:s15+$0x0 ss:$0x1], $0xffff;
	vm1 =	veq.s32 v0, $0x80000000;
	v0 =	vand.u32 $0x7F, v2;
	v2 =	vand.u32 $0x1FF80, v3  }
0x34: {  	v0 =	vsel vm1, $0xFFFFFFFF, v0;
	v2 =	vsel vm1, $0xFFFFFF80, v2  }
0x35: {  	v3 =	vand.u32 $0xFFFFFC00, v2;
	v4 =	vand.u32 $0xFFFFFC00, v0  }
0x36: {  	v2 =	vand.u32 $0x380, v2;
	v3 =	vadd.s32 v4, v3  }
0x37: {  	v0 =	vand.u32 $0x7F, v0;
	v2 =	vor.u32 v2, v3  }
0x38: {  	v5 =	vshll.u32 v1, $0x7;
	v4 =	vshrl.u32 v1, $0xA;
	v0 =	vor.u32 v0, v2  }
0x39: {  	vm1 =	veq.s32 v1, $0x80000000;
	v1 =	vand.u32 $0x7F, v4;
	v4 =	vand.u32 $0x1FF80, v5  }
0x3a: {  	s14 =	sor.u32 $0x1400, s14;
	s15 =	sadd.s32 $0x10, s15;
	v3 =	vsel vm1, $0xFFFFFFFF, v1;
	v4 =	vsel vm1, $0xFFFFFF80, v4  }
0x3b: {  	s16 =	simm.s32 $0x20;
	s17 =	smov.u32 s14;
	v1 =	vld.msk [tilespmem:s15+$0x0 ss:$0x1], $0xffff;
	v5 =	vand.u32 $0xFFFFFC00, v4;
	v6 =	vand.u32 $0xFFFFFC00, v3  }
0x3c: {  	s18 =	sadd.s32 $0x10, s15;
	(ifvalue) =	ssetifvalue $0x7FFFFFFF;
	s15 =	sadd.s32 $0x10, s14;
	v2 =	vand.u32 $0x7F, v3;
	v4 =	vand.u32 $0x380, v4;
	v3 =	vadd.s32 v6, v5  }
.LBB2_3:
0x3d: {  	[tilespmem:s17], [sflag:$0x1] =	stream.indirect_vreg.gather [hbm4b:s2+s10], $0x1, v0, vm0, $0x4038;
	[tilespmem:$0x2800] =	vst v63  }
0x3e: {  	s16 =	sadd.s32 $0x10, s16  }
0x3f: {  	v3 =	vor.u32 v4, v3;
	p0 =	slt.u32 s16, $0x9F0  }
.Ltmp3:
0x40: {  	v4 =	vshrl.u32 v1, $0xA;
	v5 =	vshll.u32 v1, $0x7;
	s17 =	smov.u32 s15;
	v0 =	vor.u32 v2, v3;
	v2 =	vmovc v1;
	v1 =	vld.msk [tilespmem:s18+$0x0 ss:$0x1], $0xffff;
	(pc) =	sbr.rel @p0 .LBB2_3-.Ltmp3, $4  }
0x41: {  	v3 =	vand.u32 $0x1FF80, v5;
	vm1 =	veq.s32 v2, $0x80000000;
	v2 =	vand.u32 $0x7F, v4  }
0x42: {  	v4 =	vsel vm1, $0xFFFFFFFF, v2;
	v5 =	vsel vm1, $0xFFFFFF80, v3  }
0x43: {  	v2 =	vand.u32 $0x7F, v4;
	v3 =	vand.u32 $0xFFFFFC00, v5;
	v4 =	vand.u32 $0xFFFFFC00, v4  }
0x44: {  	s15 =	sadd.s32 $0x10, s15;
	s18 =	sadd.s32 $0x10, s18;
	v3 =	vadd.s32 v4, v3;
	v4 =	vand.u32 $0x380, v5;
	(ifvalue) =	ssetifvalue $0x7FFFFFFF  }
.Ltmp4:
0x45: {  	_ = 	snop;
	(pc) =	sbr.rel .LBB2_4-.Ltmp4, $1  }
0x46: {  	_ =	sdelay $0x3  }
.LBB2_6:
0x47: {  	_ =	sfence.sel $0x180000  }
0x48: {  	s2 =	simm.s32 $0x2;
	[bflag:$0x0] =	sbarrier.arrive $0xFFFF  }
0x49: {  	s30 =	simm.s32 $0x3;
	[sflag:s2] =	ssyncpa.u1 $0x1  }
0x4a: {  	s31 =	simm.s32 $0x1;
	[sflag:s30] =	ssyncpa.u1 $0x1  }
0x4b: {  	[sflag:s31] =	ssyncpa.u1 $0x1  }
0x4c: {  	p0 =	sne.s32 s0, $0x0;
	_ =	strace $0x90000062  }
0x4d: {  	s0 =	sadd.s32 @!p0 $0x100000, s1;
	[bflag:$0x2] =	sbarrier.arrive $0xFFFF  }
0x4e: {  	[sflag:s0] =	ssyncadd.tile.s32 @!p0 $0x1;
	_ =	shalt  }
.Lfunc_end2:
_tile_overlayer_lowered:
.L_overlay_start_2:
0x4f: {  	(tag) =	ssettag $0x2  }
0x50: {  	s0 =	rddreg [dreg:$0x0];
	s2 =	stileid.u32  }
0x51: {  	s1 =	rddreg [dreg:$0x1];
	p0 =	sne.s32 s2, $0x0  }
0x52: {  	s3 =	rddreg [dreg:$0x2];
	[bflag:$0x3] =	sbarrier.arrive $0xFFFF;
	s2 =	simm.s32 @!p0 $0x1C01  }
0x53: {  	[timem:s3], [sflag:s2] =	dma.local @!p0 [hbm:s0], s1  }
0x54: {  	s0 =	simm.s32 @!p0 $0x1  }
0x55: {  	_ =	swait.ge @!p0 [sflag:s0], s1  }
0x56: {  	s1 =	ssub.s32 @!p0 $0x0, s1;
	[sflag:s0] =	ssyncset.done @!p0 $0x0  }
0x57: {  	[sflag:s0] =	ssyncadd.s32 @!p0 s1  }
0x58: {  	[bflag:$0x3] =	sbarrier.arrive $0xFFFF  }
0x59: {  	_ =	shalt  }

// kernel: gather_offload_async_start.4
scs
__scs_entry_jumppad:
0x0: {  	(pc) =	sbr.rel $0x88, $3  }
0x1: {  	(tag) =	ssettag $0x0;
	lr =	simm.s32 $0x1  }
0x2: {  	[smem:$0x3F9C] =	sst lr;
	_ =	strace $0xD0000000  }
0x3: {  	_ = 	snop  }
0x4: {  	_ = 	snop  }
0x5: {  	_ = 	snop  }
0x6: {  	_ = 	snop  }
0x7: {  	_ = 	snop  }
__scs_overlays_trampoline_lowered:
0x8: {  	[smem:$0x3FAB] =	sst s0  }
0x9: {  	[smem:$0x3FAC] =	sst s1  }
0xa: {  	[smem:$0x3FAD] =	sst s2  }
0xb: {  	[smem:$0x3FAE] =	sst s3  }
0xc: {  	[smem:$0x3FAF] =	sst s4  }
0xd: {  	[smem:$0x3FB0] =	sst s5  }
0xe: {  	[smem:$0x3FB1] =	sst s6  }
0xf: {  	[smem:$0x3FB2] =	sst s7  }
0x10: {  	[smem:$0x3FB3] =	sst s8  }
0x11: {  	[smem:$0x3FB4] =	sst s9;
	s0 =	simm.s32 @!p0 $0x0  }
0x12: {  	s1 =	sld [smem:$0x3F9A];
	s0 =	simm.s32 @p0 $0x1  }
0x13: {  	[smem:$0x3FB5] =	sst s0;
	s0 =	simm.s32 @!p1 $0x0  }
0x14: {  	s2 =	sld [smem:$0x3F99];
	s0 =	simm.s32 @p1 $0x1  }
0x15: {  	[smem:$0x3FB6] =	sst s0;
	s0 =	simm.s32 @!p2 $0x0  }
0x16: {  	s3 =	sld [smem:$0x3FDB];
	s0 =	simm.s32 @p2 $0x1  }
0x17: {  	s4 =	simm.s32 $0x1BF5;
	[smem:$0x3FB8] =	sst s0  }
0x18: {  	s0 =	sld [smem:$0x3F9B];
	_ =	swait.ge [sflag:s4], $0x0  }
0x19: {  	s7 =	sld [smem:$0x3F9C]  }
0x1a: {  	s8 =	sadd.s32 $0xFFFFE003, lr  }
0x1b: {  	s9 =	sadd.s32 $0xFFFFFEF7, lr;
	s5 =	simm.s32 $0xFFFFFFFF;
	p2 =	slt.u32 s8, $0xFFFFF086  }
0x1c: {  	p1 =	slt.u32 s9, $0xF7A;
	s5 =	simm.s32 @!p2 $0x0  }
0x1d: {  	s5 =	simm.s32 @p1 $0x1;
	p0 =	seq.s32 s7, s2  }
0x1e: {  	s7 =	smul.u32 @!p0 $0xF7A, s2;
	p2 =	seq.s32 @!p0 s5, $0x0  }
0x1f: {  	s9 =	smul.u32 $0xF7A, s1;
	s8 =	simm.s32 @!p0 $0x1BF5;
	p2 =	por !p2, p0  }
0x20: {  	[sflag:s8] =	ssyncset.s32 @!p0 $0xFFFFF086;
	s6 =	sadd.s32 @!p0 s3, s7;
	s7 =	simm.s32 @!p0 $0x108  }
0x21: {  	s3 =	sadd.s32 s3, s9;
	s6 =	sadd.s32 @!p0 $0x88, s6;
	s7 =	simm.s32 @p2 $0x1082  }
0x22: {  	[simem:s7], [sflag:s8] =	dma.local @!p0 [hbm:s6], $0xF7A  }
0x23: {  	s9 =	sor.u32 $0xD0000000, s2;
	s6 =	simm.s32 $0x108;
	_ =	swait.ge @!p0 [sflag:s8], $0x0  }
0x24: {  	s3 =	sadd.s32 $0x88, s3;
	s6 =	simm.s32 @!p1 $0x1082;
	[sflag:s4] =	ssyncset.s32 $0xFFFFF086  }
0x25: {  	[simem:s6], [sflag:s4] =	dma.local [hbm:s3], $0xF7A  }
0x26: {  	[smem:$0x3F9C] =	sst s1;
	(tag) =	ssettag s2;
	_ =	strace s9  }
0x27: {  	s1 =	sld [smem:$0x3FAC]  }
0x28: {  	s2 =	sld [smem:$0x3FAD]  }
0x29: {  	s4 =	sld [smem:$0x3FAF]  }
0x2a: {  	p0 =	seq.s32 s5, $0x0;
	s5 =	sld [smem:$0x3FB0]  }
0x2b: {  	s6 =	sld [smem:$0x3FB1]  }
0x2c: {  	s7 =	sld [smem:$0x3FB2]  }
0x2d: {  	s3 =	simm.s32 $0x108;
	s8 =	sld [smem:$0x3FB3]  }
0x2e: {  	s3 =	simm.s32 @!p0 $0x1082;
	s9 =	sld [smem:$0x3FB4]  }
0x2f: {  	lr =	sadd.s32 s0, s3;
	s0 =	sld [smem:$0x3FAB]  }
0x30: {  	s3 =	sld [smem:$0x3FAE]  }
0x31: {  	[smem:$0x3FB7] =	sst s10  }
0x32: {  	s10 =	sld [smem:$0x3FB5];
	_ =	sdelay $0x3  }
0x33: {  	p0 =	seq.s32 s10, $0x1;
	s10 =	sld [smem:$0x3FB7];
	_ =	sdelay $0x3  }
0x34: {  	[smem:$0x3FB7] =	sst s10  }
0x35: {  	s10 =	sld [smem:$0x3FB6];
	_ =	sdelay $0x3  }
0x36: {  	p1 =	seq.s32 s10, $0x1;
	s10 =	sld [smem:$0x3FB7];
	_ =	sdelay $0x3  }
0x37: {  	[smem:$0x3FB7] =	sst s10  }
0x38: {  	s10 =	sld [smem:$0x3FB8]  }
0x39: {  	_ = 	snop;
	(pc) =	sbr.ind lr, $3  }
0x3a: {  	_ = 	snop  }
0x3b: {  	_ = 	snop  }
0x3c: {  	p2 =	seq.s32 s10, $0x1;
	s10 =	sld [smem:$0x3FB7]  }
0x3d: {  	_ =	shalt  }
0x3e: {  	_ =	shalt  }
0x3f: {  	_ =	shalt  }
0x40: {  	_ =	shalt  }
0x41: {  	_ =	shalt  }
0x42: {  	_ =	shalt  }
0x43: {  	_ =	shalt  }
0x44: {  	_ =	shalt  }
0x45: {  	_ =	shalt  }
0x46: {  	_ =	shalt  }
0x47: {  	_ =	shalt  }
0x48: {  	_ =	shalt  }
0x49: {  	_ =	shalt  }
0x4a: {  	_ =	shalt  }
0x4b: {  	_ =	shalt  }
0x4c: {  	_ =	shalt  }
0x4d: {  	_ =	shalt  }
0x4e: {  	_ =	shalt  }
0x4f: {  	_ =	shalt  }
0x50: {  	_ =	shalt  }
0x51: {  	_ =	shalt  }
0x52: {  	_ =	shalt  }
0x53: {  	_ =	shalt  }
0x54: {  	_ =	shalt  }
0x55: {  	_ =	shalt  }
0x56: {  	_ =	shalt  }
0x57: {  	_ =	shalt  }
0x58: {  	_ =	shalt  }
0x59: {  	_ =	shalt  }
0x5a: {  	_ =	shalt  }
0x5b: {  	_ =	shalt  }
0x5c: {  	_ =	shalt  }
0x5d: {  	_ =	shalt  }
0x5e: {  	_ =	shalt  }
0x5f: {  	_ =	shalt  }
0x60: {  	_ =	shalt  }
0x61: {  	_ =	shalt  }
0x62: {  	_ =	shalt  }
0x63: {  	_ =	shalt  }
0x64: {  	_ =	shalt  }
0x65: {  	_ =	shalt  }
0x66: {  	_ =	shalt  }
0x67: {  	_ =	shalt  }
0x68: {  	_ =	shalt  }
0x69: {  	_ =	shalt  }
0x6a: {  	_ =	shalt  }
0x6b: {  	_ =	shalt  }
0x6c: {  	_ =	shalt  }
0x6d: {  	_ =	shalt  }
0x6e: {  	_ =	shalt  }
0x6f: {  	_ =	shalt  }
0x70: {  	_ =	shalt  }
0x71: {  	_ =	shalt  }
0x72: {  	_ =	shalt  }
0x73: {  	_ =	shalt  }
0x74: {  	_ =	shalt  }
0x75: {  	_ =	shalt  }
0x76: {  	_ =	shalt  }
0x77: {  	_ =	shalt  }
0x78: {  	_ =	shalt  }
0x79: {  	_ =	shalt  }
0x7a: {  	_ =	shalt  }
0x7b: {  	_ =	shalt  }
0x7c: {  	_ =	shalt  }
0x7d: {  	_ =	shalt  }
0x7e: {  	_ =	shalt  }
0x7f: {  	_ =	shalt  }
0x80: {  	_ =	shalt  }
0x81: {  	_ =	shalt  }
0x82: {  	_ =	shalt  }
0x83: {  	_ =	shalt  }
0x84: {  	_ =	shalt  }
0x85: {  	_ =	shalt  }
0x86: {  	_ =	shalt  }
0x87: {  	_ =	shalt  }
.Lfunc_end0:
.L_simem_size_0:
called_computation.5_lowered:
.L_overlay_start_0:
0x88: {  	s2 =	sld [smem:$0x3FD9]  }
0x89: {  	s3 =	sld [smem:$0x3FFE];
	_ =	sdelay $0x1  }
0x8a: {  	s1 =	srdreg.scid  }
0x8b: {  	s0 =	sand.u32 $0x1, s1  }
0x8c: {  	s14 =	sshll.u32 s0, $0xA;
	s2 =	sadd.s32 s3, s2  }
0x8d: {  	s2 =	sadd.s32 s2, s14  }
0x8e: {  	[smem:$0x3FC3] =	sst s2  }
0x8f: {  	_ = 	snop  }
0x90: {  	s2 =	sld [smem:$0x3FD0];
	_ =	sdelay $0x2  }
0x91: {  	s15 =	simm.s32 $0xA;
	s4 =	simm.s32 $0x10  }
0x92: {  	[smem:s4], [sflag:s15] =	dma.local [hbm:s2], $0x1  }
0x93: {  	_ =	swait.eq [sflag:s15], $0x1  }
0x94: {  	[sflag:s15] =	ssyncset.done $0x0  }
0x95: {  	[sflag:s15] =	ssyncadd.s32 $0xFFFFFFFF  }
0x96: {  	s16 =	sld [smem:$0x10];
	(tm) =	ssettm $0x1  }
0x97: {  	s17 =	sld [smem:$0x3FFB];
	_ =	sdelay $0x3  }
0x98: {  	_ =	strace s17  }
0x99: {  	s3 =	sld [smem:$0x3FFC];
	_ =	sdelay $0x3  }
0x9a: {  	_ =	strace s3  }
0x9b: {  	s3 =	sld [smem:$0x3FFD];
	_ =	sdelay $0x3  }
0x9c: {  	_ =	strace s3  }
0x9d: {  	_ =	strace $0x8FFFFFFF  }
0x9e: {  	s18 =	sld [smem:$0x3FDB];
	_ =	sdelay $0x1  }
0x9f: {  	s19 =	simm.s32 $_scs_section_size  }
0xa0: {  	s5 =	simm.s32 $_size__tile_overlayer_lowered;
	s6 =	simm.s32 $_tile_overlayer_lowered  }
0xa1: {  	s22 =	simm.s32 $0x1BFF;
	s21 =	sshll.u32 s6, $0x1;
	s3 =	sadd.s32 s19, s18  }
0xa2: {  	s7 =	simm.s32 $0x0;
	s20 =	sshll.u32 s5, $0x1;
	s5 =	sadd.s32 s21, s3  }
0xa3: {  	[timem:s7], [sflag:s22] =	dma.local [hbm:s5], s20  }
0xa4: {  	_ =	swait.ge [sflag:s22], s20  }
0xa5: {  	s4 =	ssub.s32 $0x0, s20;
	[sflag:s22] =	ssyncset.done $0x0  }
0xa6: {  	[sflag:s22] =	ssyncadd.s32 s4;
	_ =	sdelay $0x1  }
0xa7: {  	s23 =	simm.s32 $0x1B8B  }
0xa8: {  	_ =	swait.ge [sflag:s23], $0x1  }
0xa9: {  	[sflag:s23] =	ssyncset.done $0x0  }
0xaa: {  	s25 =	simm.s32 $0x1B8E;
	s24 =	sld [smem:$0x3FFE];
	[sflag:s23] =	ssyncadd.s32 $0xFFFFFFFF  }
0xab: {  	s26 =	simm.s32 $execute0_lowered;
	[smem:$0x3FD2] =	sst s25  }
0xac: {  	s5 =	sshll.u32 s26, $0x1;
	_ =	strace $0x8000005E;
	[dreg:$0x1] =	wrdreg $0xFFFFFFFF  }
0xad: {  	s28 =	simm.s32 $_size_execute0_lowered;
	s3 =	sadd.s32 s3, s5;
	[dreg:$0x0] =	wrdreg $0x0  }
0xae: {  	s5 =	sshll.u32 s28, $0x1;
	[dreg:$0x2] =	wrdreg s3  }
0xaf: {  	[dreg:$0x3] =	wrdreg s5  }
0xb0: {  	[dreg:$0x4] =	wrdreg $0xC0  }
0xb1: {  	_ =	task [dreg:s7], $0x5FFFF  }
0xb2: {  	[dreg:$0x1] =	wrdreg $0xFFFFFFFF  }
0xb3: {  	[dreg:$0x0] =	wrdreg $0x60  }
0xb4: {  	[dreg:$0x2] =	wrdreg s24  }
0xb5: {  	[dreg:$0x3] =	wrdreg s16  }
0xb6: {  	[dreg:$0x4] =	wrdreg $0x9  }
0xb7: {  	_ =	task.clear_ibuf [dreg:s7], $0x5FFFF;
	_ =	strace $0x9000005E  }
0xb8: {  	s29 =	simm.s32 $0x9;
	_ =	strace $0x80000060  }
0xb9: {  	_ =	swait.ge [sflag:s29], $0x1  }
0xba: {  	[sflag:s29] =	ssyncadd.s32 $0xFFFFFFFF  }
0xbb: {  	_ =	strace $0x90000060  }
0xbc: {  	_ =	sfence  }
0xbd: {  	s30 =	sld [smem:$0x0];
	_ =	sdelay $0x2  }
0xbe: {  	s31 =	sshll.u32 s1, $0xD;
	s1 =	sshrl.u32 s1, $0x2  }
0xbf: {  	s3 =	sand.u32 $0x4000, s31;
	s1 =	sadd.s32 s1, s30  }
0xc0: {  	s0 =	sor.u32 s3, s0;
	s1 =	sshll.u32 s1, $0x11  }
0xc1: {  	s0 =	sor.u32 s1, s0  }
0xc2: {  	s0 =	sadd.s32 $0x8F2B, s0  }
0xc3: {  	[sflag:s0] =	ssyncadd.remote.s32 $0x1  }
0xc4: {  	_ =	sfence.sel $0xFFFF  }
0xc5: {  	[dreg:$0x0] =	wrdreg $0xFFFFFFFF;
	(pc) =	sbr.abs _section_cstart, $3  }
0xc6: {  	[dreg:$0x1] =	wrdreg $0xFFFFFFFF  }
0xc7: {  	_ =	task.clear_ibuf [dreg:s7], $0x2FFFF;
	_ =	strace $0x9FFFFFFF  }
0xc8: {  	(tm) =	ssettm $0x7FFFFFFF  }
0xc9: {  	_ =	shalt  }
tec
execute0_lowered:
.L_overlay_start_1:
0x0: {  	(tag) =	ssettag $0x1  }
0x1: {  	s8 =	rddreg [dreg:$0x0];
	s0 =	stileid.u32  }
0x2: {  	s1 =	srdreg.scid;
	s2 =	rddreg [dreg:$0x1]  }
0x3: {  	s5 =	simm.s32 $0x1;
	s9 =	simm.s32 $0x1;
	s10 =	simm.s32 $0x3  }
0x4: {  	s13 =	simm.s32 $0x0;
	s3 =	sand.u32 $0x1, s1;
	s4 =	sshll.u32 s0, $0x1  }
0x5: {  	s12 =	simm.s32 $0x0;
	s1 =	rddreg [dreg:$0x2];
	s6 =	sor.u32 s4, s3  }
0x6: {  	_ =	strace $0x8000005F;
	s3 =	sadd.s32 $0x7800, s8;
	s4 =	smul.u32 $0xA00, s6  }
0x7: {  	[sflag:s5] =	ssyncpa.u1 $0x0;
	p0 =	slt.u32 s6, $0x9;
	s6 =	simm.s32 $0x14000  }
.Ltmp0:
0x8: {  	s6 =	simm.s32 @!p0 $0x0;
	s7 =	ssub.s32 $0x19000, s4;
	(pc) =	sbr.rel .LBB2_1-.Ltmp0, $4  }
0x9: {  	s9 =	simm.s32 @!p0 $0x0;
	p0 =	sne.s32 s7, s6;
	s7 =	simm.s32 $0x1  }
0xa: {  	s8 =	sadd.s32 $0xB800, s8;
	s6 =	simm.s32 $0x2;
	s7 =	simm.s32 @!p0 $0x0  }
0xb: {  	s11 =	smov.u32 s4;
	[sflag:s6] =	ssyncpa.u1 $0x0;
	s7 =	sadd.s32 s9, s7  }
0xc: {  	vm0 =	vmmov $0xffff;
	[sflag:s10] =	ssyncpa.u1 $0x0;
	s10 =	simm.s32 $0x0;
	s9 =	sadd.s32 $0x1, s7  }
.LBB2_4:
0xd: {  	v5 =	vshrl.u32 v1, $0xA;
	v6 =	vshll.u32 v1, $0x7  }
0xe: {  	vm1 =	veq.s32 v1, $0x80000000;
	v58 =	vand.u32 $0x7F, v5;
	v59 =	vand.u32 $0x1FF80, v6  }
0xf: {  	v1 =	vsel vm1, $0xFFFFFFFF, v58;
	v5 =	vsel vm1, $0xFFFFFF80, v59  }
0x10: {  	v3 =	vor.u32 v4, v3;
	v60 =	vand.u32 $0xFFFFFC00, v5;
	v61 =	vand.u32 $0xFFFFFC00, v1  }
0x11: {  	v2 =	vor.u32 v2, v3;
	v63 =	vand.u32 $0x380, v5;
	v62 =	vadd.s32 v61, v60  }
0x12: {  	v1 =	vand.u32 $0x7F, v1;
	v3 =	vor.u32 v63, v62  }
0x13: {  	v1 =	vor.u32 v1, v3  }
0x14: {  	[tilespmem:s17], [sflag:$0x1] =	stream.indirect_vreg.gather [hbm4b:s3+s10], $0x1, v0, vm0, $0x4038;
	[tilespmem:$0x2800] =	vst v63  }
0x15: {  	(ifvalue) =	ssetifvalue $0x7FFFFFFF  }
0x16: {  	[tilespmem:s15], [sflag:$0x1] =	stream.indirect_vreg.gather [hbm4b:s3+s10], $0x1, v2, vm0, $0x4038;
	[tilespmem:$0x2800] =	vst v63  }
0x17: {  	s29 =	sadd.s32 $0x10, s15;
	(ifvalue) =	ssetifvalue $0x7FFFFFFF  }
0x18: {  	[tilespmem:s29], [sflag:$0x1] =	stream.indirect_vreg.gather [hbm4b:s3+s10], $0x1, v1, vm0, $0x4038;
	[tilespmem:$0x2800] =	vst v63  }
0x19: {  	_ =	swait.ge [sflag:s5], $0xA00  }
0x1a: {  	s30 =	sshrl.u32 s13, $0x3;
	[sflag:s5] =	ssyncset.done $0x0  }
0x1b: {  	s31 =	sand.u32 $0x7, s13;
	s15 =	sadd.s32 s2, s30;
	[sflag:s5] =	ssyncadd.s32 $0xFFFFF600  }
0x1c: {  	[hbm4b:s15+s31] =	stream.linear.scatter [tilespmem:s14], [sflag:$0x3], $0xA00, $0x38;
	[tilespmem:$0x2800] =	vst v63  }
.LBB2_5:
0x1d: {  	s15 =	sadd.s32 $0x14000, s11  }
0x1e: {  	p1 =	sgt.s32 s15, $0x18FFF  }
0x1f: {  	s15 =	smov.u32 @p1 s4;
	p1 =	sne.s32 s12, s9  }
.Ltmp1:
0x20: {  	p0 =	slt.u32 s12, $0x2;
	(pc) =	sbr.rel @!p1 .LBB2_6-.Ltmp1, $4  }
0x21: {  	s14 =	simm.s32 @!p0 $0x3  }
0x22: {  	_ =	swait.ge @!p0 [sflag:s14], $0xA00  }
0x23: {  	s16 =	sadd.s32 $0x1, s12;
	s13 =	smov.u32 s11;
	[sflag:s14] =	ssyncset.done @!p0 $0x0  }
0x24: {  	s12 =	smov.u32 s16;
	s11 =	smov.u32 s15;
	[sflag:s14] =	ssyncadd.s32 @!p0 $0xFFFFF600  }
.LBB2_1:
0x25: {  	p0 =	sge.u32 s12, s7  }
0x26: {  	s14 =	sxor.u32 @!p0 $0x1, s12  }
0x27: {  	s14 =	smul.u32 @!p0 $0x2800, s14  }
0x28: {  	s31 =	sadd.s32 $0xFFFFFFFF, s12;
	s15 =	sshrl.u32 @!p0 s11, $0x3  }
0x29: {  	s16 =	sand.u32 @!p0 $0x7, s11;
	s15 =	sadd.s32 @!p0 s8, s15;
	s14 =	sshra.s32 @!p0 s14, $0x2  }
0x2a: {  	[tilespmem:s14], [sflag:$0x2] =	stream.linear.gather @!p0 [hbm4b:s15+s16], $0xA00, $0x38;
	[tilespmem:$0x2800] =	vst v63  }
0x2b: {  	p0 =	sge.u32 s31, s7  }
.Ltmp2:
0x2c: {  	_ = 	snop;
	(pc) =	sbr.rel @p0 .LBB2_5-.Ltmp2, $1  }
0x2d: {  	_ =	sdelay $0x3  }
0x2e: {  	s14 =	sand.u32 $0x1, s12  }
0x2f: {  	_ =	swait.ge [sflag:s6], $0xA00;
	p0 =	seq.s32 s14, $0x1;
	s14 =	simm.s32 $0xA00  }
0x30: {  	[sflag:s6] =	ssyncset.done $0x0;
	s14 =	simm.s32 @!p0 $0x0  }
0x31: {  	[sflag:s6] =	ssyncadd.s32 $0xFFFFF600;
	(ifvalue) =	ssetifvalue $0x7FFFFFFF;
	v0 =	vld.msk [tilespmem:s14+$0x0 ss:$0x1], $0xffff;
	_ =	sdelay $0x4  }
0x32: {  	s15 =	sadd.s32 $0x10, s14;
	v2 =	vshrl.u32 v0, $0xA;
	v3 =	vshll.u32 v0, $0x7  }
0x33: {  	v1 =	vld.msk [tilespmem:s15+$0x0 ss:$0x1], $0xffff;
	vm1 =	veq.s32 v0, $0x80000000;
	v0 =	vand.u32 $0x7F, v2;
	v2 =	vand.u32 $0x1FF80, v3  }
0x34: {  	v0 =	vsel vm1, $0xFFFFFFFF, v0;
	v2 =	vsel vm1, $0xFFFFFF80, v2  }
0x35: {  	v3 =	vand.u32 $0xFFFFFC00, v2;
	v4 =	vand.u32 $0xFFFFFC00, v0  }
0x36: {  	v2 =	vand.u32 $0x380, v2;
	v3 =	vadd.s32 v4, v3  }
0x37: {  	v0 =	vand.u32 $0x7F, v0;
	v2 =	vor.u32 v2, v3  }
0x38: {  	v5 =	vshll.u32 v1, $0x7;
	v4 =	vshrl.u32 v1, $0xA;
	v0 =	vor.u32 v0, v2  }
0x39: {  	vm1 =	veq.s32 v1, $0x80000000;
	v1 =	vand.u32 $0x7F, v4;
	v4 =	vand.u32 $0x1FF80, v5  }
0x3a: {  	s14 =	sor.u32 $0x1400, s14;
	s15 =	sadd.s32 $0x10, s15;
	v3 =	vsel vm1, $0xFFFFFFFF, v1;
	v4 =	vsel vm1, $0xFFFFFF80, v4  }
0x3b: {  	s16 =	simm.s32 $0x20;
	s17 =	smov.u32 s14;
	v1 =	vld.msk [tilespmem:s15+$0x0 ss:$0x1], $0xffff;
	v5 =	vand.u32 $0xFFFFFC00, v4;
	v6 =	vand.u32 $0xFFFFFC00, v3  }
0x3c: {  	s18 =	sadd.s32 $0x10, s15;
	(ifvalue) =	ssetifvalue $0x7FFFFFFF;
	s15 =	sadd.s32 $0x10, s14;
	v2 =	vand.u32 $0x7F, v3;
	v4 =	vand.u32 $0x380, v4;
	v3 =	vadd.s32 v6, v5  }
.LBB2_3:
0x3d: {  	[tilespmem:s17], [sflag:$0x1] =	stream.indirect_vreg.gather [hbm4b:s3+s10], $0x1, v0, vm0, $0x4038;
	[tilespmem:$0x2800] =	vst v63  }
0x3e: {  	s16 =	sadd.s32 $0x10, s16  }
0x3f: {  	v3 =	vor.u32 v4, v3;
	p0 =	slt.u32 s16, $0x9F0  }
.Ltmp3:
0x40: {  	v4 =	vshrl.u32 v1, $0xA;
	v5 =	vshll.u32 v1, $0x7;
	s17 =	smov.u32 s15;
	v0 =	vor.u32 v2, v3;
	v2 =	vmovc v1;
	v1 =	vld.msk [tilespmem:s18+$0x0 ss:$0x1], $0xffff;
	(pc) =	sbr.rel @p0 .LBB2_3-.Ltmp3, $4  }
0x41: {  	v3 =	vand.u32 $0x1FF80, v5;
	vm1 =	veq.s32 v2, $0x80000000;
	v2 =	vand.u32 $0x7F, v4  }
0x42: {  	v4 =	vsel vm1, $0xFFFFFFFF, v2;
	v5 =	vsel vm1, $0xFFFFFF80, v3  }
0x43: {  	v2 =	vand.u32 $0x7F, v4;
	v3 =	vand.u32 $0xFFFFFC00, v5;
	v4 =	vand.u32 $0xFFFFFC00, v4  }
0x44: {  	s15 =	sadd.s32 $0x10, s15;
	s18 =	sadd.s32 $0x10, s18;
	v3 =	vadd.s32 v4, v3;
	v4 =	vand.u32 $0x380, v5;
	(ifvalue) =	ssetifvalue $0x7FFFFFFF  }
.Ltmp4:
0x45: {  	_ = 	snop;
	(pc) =	sbr.rel .LBB2_4-.Ltmp4, $1  }
0x46: {  	_ =	sdelay $0x3  }
.LBB2_6:
0x47: {  	_ =	sfence.sel $0x180000  }
0x48: {  	s2 =	simm.s32 $0x2;
	[bflag:$0x0] =	sbarrier.arrive $0xFFFF  }
0x49: {  	s30 =	simm.s32 $0x3;
	[sflag:s2] =	ssyncpa.u1 $0x1  }
0x4a: {  	s31 =	simm.s32 $0x1;
	[sflag:s30] =	ssyncpa.u1 $0x1  }
0x4b: {  	[sflag:s31] =	ssyncpa.u1 $0x1  }
0x4c: {  	p0 =	sne.s32 s0, $0x0;
	_ =	strace $0x9000005F  }
0x4d: {  	s0 =	sadd.s32 @!p0 $0x100000, s1;
	[bflag:$0x2] =	sbarrier.arrive $0xFFFF  }
0x4e: {  	[sflag:s0] =	ssyncadd.tile.s32 @!p0 $0x1;
	_ =	shalt  }
.Lfunc_end2:
_tile_overlayer_lowered:
.L_overlay_start_2:
0x4f: {  	(tag) =	ssettag $0x2  }
0x50: {  	s0 =	rddreg [dreg:$0x0];
	s2 =	stileid.u32  }
0x51: {  	s1 =	rddreg [dreg:$0x1];
	p0 =	sne.s32 s2, $0x0  }
0x52: {  	s3 =	rddreg [dreg:$0x2];
	[bflag:$0x3] =	sbarrier.arrive $0xFFFF;
	s2 =	simm.s32 @!p0 $0x1C01  }
0x53: {  	[timem:s3], [sflag:s2] =	dma.local @!p0 [hbm:s0], s1  }
0x54: {  	s0 =	simm.s32 @!p0 $0x1  }
0x55: {  	_ =	swait.ge @!p0 [sflag:s0], s1  }
0x56: {  	s1 =	ssub.s32 @!p0 $0x0, s1;
	[sflag:s0] =	ssyncset.done @!p0 $0x0  }
0x57: {  	[sflag:s0] =	ssyncadd.s32 @!p0 s1  }
0x58: {  	[bflag:$0x3] =	sbarrier.arrive $0xFFFF  }
0x59: {  	_ =	shalt  }

// kernel: gather_offload_async_start.5
scs
__scs_entry_jumppad:
0x0: {  	(pc) =	sbr.rel $0x88, $3  }
0x1: {  	(tag) =	ssettag $0x0;
	lr =	simm.s32 $0x1  }
0x2: {  	[smem:$0x3F9C] =	sst lr;
	_ =	strace $0xD0000000  }
0x3: {  	_ = 	snop  }
0x4: {  	_ = 	snop  }
0x5: {  	_ = 	snop  }
0x6: {  	_ = 	snop  }
0x7: {  	_ = 	snop  }
__scs_overlays_trampoline_lowered:
0x8: {  	[smem:$0x3FAB] =	sst s0  }
0x9: {  	[smem:$0x3FAC] =	sst s1  }
0xa: {  	[smem:$0x3FAD] =	sst s2  }
0xb: {  	[smem:$0x3FAE] =	sst s3  }
0xc: {  	[smem:$0x3FAF] =	sst s4  }
0xd: {  	[smem:$0x3FB0] =	sst s5  }
0xe: {  	[smem:$0x3FB1] =	sst s6  }
0xf: {  	[smem:$0x3FB2] =	sst s7  }
0x10: {  	[smem:$0x3FB3] =	sst s8  }
0x11: {  	[smem:$0x3FB4] =	sst s9;
	s0 =	simm.s32 @!p0 $0x0  }
0x12: {  	s1 =	sld [smem:$0x3F9A];
	s0 =	simm.s32 @p0 $0x1  }
0x13: {  	[smem:$0x3FB5] =	sst s0;
	s0 =	simm.s32 @!p1 $0x0  }
0x14: {  	s2 =	sld [smem:$0x3F99];
	s0 =	simm.s32 @p1 $0x1  }
0x15: {  	[smem:$0x3FB6] =	sst s0;
	s0 =	simm.s32 @!p2 $0x0  }
0x16: {  	s3 =	sld [smem:$0x3FDB];
	s0 =	simm.s32 @p2 $0x1  }
0x17: {  	s4 =	simm.s32 $0x1BF5;
	[smem:$0x3FB8] =	sst s0  }
0x18: {  	s0 =	sld [smem:$0x3F9B];
	_ =	swait.ge [sflag:s4], $0x0  }
0x19: {  	s7 =	sld [smem:$0x3F9C]  }
0x1a: {  	s8 =	sadd.s32 $0xFFFFE003, lr  }
0x1b: {  	s9 =	sadd.s32 $0xFFFFFEF7, lr;
	s5 =	simm.s32 $0xFFFFFFFF;
	p2 =	slt.u32 s8, $0xFFFFF086  }
0x1c: {  	p1 =	slt.u32 s9, $0xF7A;
	s5 =	simm.s32 @!p2 $0x0  }
0x1d: {  	s5 =	simm.s32 @p1 $0x1;
	p0 =	seq.s32 s7, s2  }
0x1e: {  	s7 =	smul.u32 @!p0 $0xF7A, s2;
	p2 =	seq.s32 @!p0 s5, $0x0  }
0x1f: {  	s9 =	smul.u32 $0xF7A, s1;
	s8 =	simm.s32 @!p0 $0x1BF5;
	p2 =	por !p2, p0  }
0x20: {  	[sflag:s8] =	ssyncset.s32 @!p0 $0xFFFFF086;
	s6 =	sadd.s32 @!p0 s3, s7;
	s7 =	simm.s32 @!p0 $0x108  }
0x21: {  	s3 =	sadd.s32 s3, s9;
	s6 =	sadd.s32 @!p0 $0x88, s6;
	s7 =	simm.s32 @p2 $0x1082  }
0x22: {  	[simem:s7], [sflag:s8] =	dma.local @!p0 [hbm:s6], $0xF7A  }
0x23: {  	s9 =	sor.u32 $0xD0000000, s2;
	s6 =	simm.s32 $0x108;
	_ =	swait.ge @!p0 [sflag:s8], $0x0  }
0x24: {  	s3 =	sadd.s32 $0x88, s3;
	s6 =	simm.s32 @!p1 $0x1082;
	[sflag:s4] =	ssyncset.s32 $0xFFFFF086  }
0x25: {  	[simem:s6], [sflag:s4] =	dma.local [hbm:s3], $0xF7A  }
0x26: {  	[smem:$0x3F9C] =	sst s1;
	(tag) =	ssettag s2;
	_ =	strace s9  }
0x27: {  	s1 =	sld [smem:$0x3FAC]  }
0x28: {  	s2 =	sld [smem:$0x3FAD]  }
0x29: {  	s4 =	sld [smem:$0x3FAF]  }
0x2a: {  	p0 =	seq.s32 s5, $0x0;
	s5 =	sld [smem:$0x3FB0]  }
0x2b: {  	s6 =	sld [smem:$0x3FB1]  }
0x2c: {  	s7 =	sld [smem:$0x3FB2]  }
0x2d: {  	s3 =	simm.s32 $0x108;
	s8 =	sld [smem:$0x3FB3]  }
0x2e: {  	s3 =	simm.s32 @!p0 $0x1082;
	s9 =	sld [smem:$0x3FB4]  }
0x2f: {  	lr =	sadd.s32 s0, s3;
	s0 =	sld [smem:$0x3FAB]  }
0x30: {  	s3 =	sld [smem:$0x3FAE]  }
0x31: {  	[smem:$0x3FB7] =	sst s10  }
0x32: {  	s10 =	sld [smem:$0x3FB5];
	_ =	sdelay $0x3  }
0x33: {  	p0 =	seq.s32 s10, $0x1;
	s10 =	sld [smem:$0x3FB7];
	_ =	sdelay $0x3  }
0x34: {  	[smem:$0x3FB7] =	sst s10  }
0x35: {  	s10 =	sld [smem:$0x3FB6];
	_ =	sdelay $0x3  }
0x36: {  	p1 =	seq.s32 s10, $0x1;
	s10 =	sld [smem:$0x3FB7];
	_ =	sdelay $0x3  }
0x37: {  	[smem:$0x3FB7] =	sst s10  }
0x38: {  	s10 =	sld [smem:$0x3FB8]  }
0x39: {  	_ = 	snop;
	(pc) =	sbr.ind lr, $3  }
0x3a: {  	_ = 	snop  }
0x3b: {  	_ = 	snop  }
0x3c: {  	p2 =	seq.s32 s10, $0x1;
	s10 =	sld [smem:$0x3FB7]  }
0x3d: {  	_ =	shalt  }
0x3e: {  	_ =	shalt  }
0x3f: {  	_ =	shalt  }
0x40: {  	_ =	shalt  }
0x41: {  	_ =	shalt  }
0x42: {  	_ =	shalt  }
0x43: {  	_ =	shalt  }
0x44: {  	_ =	shalt  }
0x45: {  	_ =	shalt  }
0x46: {  	_ =	shalt  }
0x47: {  	_ =	shalt  }
0x48: {  	_ =	shalt  }
0x49: {  	_ =	shalt  }
0x4a: {  	_ =	shalt  }
0x4b: {  	_ =	shalt  }
0x4c: {  	_ =	shalt  }
0x4d: {  	_ =	shalt  }
0x4e: {  	_ =	shalt  }
0x4f: {  	_ =	shalt  }
0x50: {  	_ =	shalt  }
0x51: {  	_ =	shalt  }
0x52: {  	_ =	shalt  }
0x53: {  	_ =	shalt  }
0x54: {  	_ =	shalt  }
0x55: {  	_ =	shalt  }
0x56: {  	_ =	shalt  }
0x57: {  	_ =	shalt  }
0x58: {  	_ =	shalt  }
0x59: {  	_ =	shalt  }
0x5a: {  	_ =	shalt  }
0x5b: {  	_ =	shalt  }
0x5c: {  	_ =	shalt  }
0x5d: {  	_ =	shalt  }
0x5e: {  	_ =	shalt  }
0x5f: {  	_ =	shalt  }
0x60: {  	_ =	shalt  }
0x61: {  	_ =	shalt  }
0x62: {  	_ =	shalt  }
0x63: {  	_ =	shalt  }
0x64: {  	_ =	shalt  }
0x65: {  	_ =	shalt  }
0x66: {  	_ =	shalt  }
0x67: {  	_ =	shalt  }
0x68: {  	_ =	shalt  }
0x69: {  	_ =	shalt  }
0x6a: {  	_ =	shalt  }
0x6b: {  	_ =	shalt  }
0x6c: {  	_ =	shalt  }
0x6d: {  	_ =	shalt  }
0x6e: {  	_ =	shalt  }
0x6f: {  	_ =	shalt  }
0x70: {  	_ =	shalt  }
0x71: {  	_ =	shalt  }
0x72: {  	_ =	shalt  }
0x73: {  	_ =	shalt  }
0x74: {  	_ =	shalt  }
0x75: {  	_ =	shalt  }
0x76: {  	_ =	shalt  }
0x77: {  	_ =	shalt  }
0x78: {  	_ =	shalt  }
0x79: {  	_ =	shalt  }
0x7a: {  	_ =	shalt  }
0x7b: {  	_ =	shalt  }
0x7c: {  	_ =	shalt  }
0x7d: {  	_ =	shalt  }
0x7e: {  	_ =	shalt  }
0x7f: {  	_ =	shalt  }
0x80: {  	_ =	shalt  }
0x81: {  	_ =	shalt  }
0x82: {  	_ =	shalt  }
0x83: {  	_ =	shalt  }
0x84: {  	_ =	shalt  }
0x85: {  	_ =	shalt  }
0x86: {  	_ =	shalt  }
0x87: {  	_ =	shalt  }
.Lfunc_end0:
.L_simem_size_0:
called_computation.6_lowered:
.L_overlay_start_0:
0x88: {  	s2 =	sld [smem:$0x3FD9]  }
0x89: {  	s3 =	sld [smem:$0x3FFE];
	_ =	sdelay $0x1  }
0x8a: {  	s1 =	srdreg.scid  }
0x8b: {  	s0 =	sand.u32 $0x1, s1  }
0x8c: {  	s16 =	sshll.u32 s0, $0xA;
	s2 =	sadd.s32 s3, s2  }
0x8d: {  	s2 =	sadd.s32 s2, s16  }
0x8e: {  	[smem:$0x3FC3] =	sst s2  }
0x8f: {  	_ = 	snop  }
0x90: {  	(tm) =	ssettm $0x1  }
0x91: {  	s17 =	sld [smem:$0x3FFB];
	_ =	sdelay $0x3  }
0x92: {  	_ =	strace s17  }
0x93: {  	s2 =	sld [smem:$0x3FFC];
	_ =	sdelay $0x3  }
0x94: {  	_ =	strace s2  }
0x95: {  	s2 =	sld [smem:$0x3FFD];
	_ =	sdelay $0x3  }
0x96: {  	_ =	strace s2  }
0x97: {  	_ =	strace $0x8FFFFFFF  }
0x98: {  	s18 =	sld [smem:$0x3FDB];
	_ =	sdelay $0x1  }
0x99: {  	s19 =	simm.s32 $_scs_section_size  }
0x9a: {  	s4 =	simm.s32 $_size__tile_overlayer_lowered;
	s5 =	simm.s32 $_tile_overlayer_lowered  }
0x9b: {  	s22 =	simm.s32 $0x1BFF;
	s21 =	sshll.u32 s5, $0x1;
	s2 =	sadd.s32 s19, s18  }
0x9c: {  	s6 =	simm.s32 $0x0;
	s20 =	sshll.u32 s4, $0x1;
	s4 =	sadd.s32 s21, s2  }
0x9d: {  	[timem:s6], [sflag:s22] =	dma.local [hbm:s4], s20  }
0x9e: {  	_ =	swait.ge [sflag:s22], s20  }
0x9f: {  	s3 =	ssub.s32 $0x0, s20;
	[sflag:s22] =	ssyncset.done $0x0  }
0xa0: {  	[sflag:s22] =	ssyncadd.s32 s3;
	_ =	sdelay $0x1  }
0xa1: {  	s23 =	simm.s32 $0x1B8B  }
0xa2: {  	_ =	swait.ge [sflag:s23], $0x1  }
0xa3: {  	[sflag:s23] =	ssyncset.done $0x0  }
0xa4: {  	s25 =	simm.s32 $0x1B8E;
	s24 =	sld [smem:$0x3FFE];
	[sflag:s23] =	ssyncadd.s32 $0xFFFFFFFF  }
0xa5: {  	s26 =	simm.s32 $execute0_lowered;
	[smem:$0x3FD2] =	sst s25  }
0xa6: {  	s4 =	sshll.u32 s26, $0x1;
	_ =	strace $0x8000004F;
	[dreg:$0x1] =	wrdreg $0xFFFFFFFF  }
0xa7: {  	s28 =	simm.s32 $_size_execute0_lowered;
	s2 =	sadd.s32 s2, s4;
	[dreg:$0x0] =	wrdreg $0x0  }
0xa8: {  	s4 =	sshll.u32 s28, $0x1;
	[dreg:$0x2] =	wrdreg s2  }
0xa9: {  	[dreg:$0x3] =	wrdreg s4  }
0xaa: {  	[dreg:$0x4] =	wrdreg $0xC0  }
0xab: {  	_ =	task [dreg:s6], $0x5FFFF  }
0xac: {  	[dreg:$0x1] =	wrdreg $0xFFFFFFFF  }
0xad: {  	[dreg:$0x0] =	wrdreg $0x60  }
0xae: {  	[dreg:$0x2] =	wrdreg s24  }
0xaf: {  	[dreg:$0x3] =	wrdreg $0x9  }
0xb0: {  	_ =	task.clear_ibuf [dreg:s6], $0x4FFFF;
	_ =	strace $0x9000004F  }
0xb1: {  	s29 =	simm.s32 $0x9;
	_ =	strace $0x80000051  }
0xb2: {  	_ =	swait.ge [sflag:s29], $0x1  }
0xb3: {  	[sflag:s29] =	ssyncadd.s32 $0xFFFFFFFF  }
0xb4: {  	_ =	strace $0x90000051  }
0xb5: {  	_ =	sfence  }
0xb6: {  	s30 =	sld [smem:$0x0];
	_ =	sdelay $0x2  }
0xb7: {  	s31 =	sshll.u32 s1, $0xD;
	s1 =	sshrl.u32 s1, $0x2  }
0xb8: {  	s3 =	sand.u32 $0x4000, s31;
	s1 =	sadd.s32 s1, s30  }
0xb9: {  	s0 =	sor.u32 s3, s0;
	s1 =	sshll.u32 s1, $0x11  }
0xba: {  	s0 =	sor.u32 s1, s0  }
0xbb: {  	s0 =	sadd.s32 $0x8F2B, s0  }
0xbc: {  	[sflag:s0] =	ssyncadd.remote.s32 $0x1  }
0xbd: {  	_ =	sfence.sel $0xFFFF  }
0xbe: {  	[dreg:$0x0] =	wrdreg $0xFFFFFFFF;
	(pc) =	sbr.abs _section_cstart, $3  }
0xbf: {  	[dreg:$0x1] =	wrdreg $0xFFFFFFFF  }
0xc0: {  	_ =	task.clear_ibuf [dreg:s6], $0x2FFFF;
	_ =	strace $0x9FFFFFFF  }
0xc1: {  	(tm) =	ssettm $0x7FFFFFFF  }
tec
execute0_lowered:
.L_overlay_start_1:
0x0: {  	(tag) =	ssettag $0x1  }
0x1: {  	s0 =	stileid.u32  }
0x2: {  	s1 =	srdreg.scid;
	s2 =	rddreg [dreg:$0x0]  }
0x3: {  	s5 =	simm.s32 $0x1;
	s8 =	simm.s32 $0x1;
	s9 =	simm.s32 $0x3  }
0x4: {  	s10 =	simm.s32 $0x0;
	s3 =	sand.u32 $0x1, s1;
	s4 =	sshll.u32 s0, $0x1  }
0x5: {  	s13 =	simm.s32 $0x0;
	s12 =	simm.s32 $0x0;
	s6 =	sor.u32 s4, s3  }
0x6: {  	s1 =	rddreg [dreg:$0x1];
	_ =	strace $0x80000050;
	s4 =	smul.u32 $0xB00, s6  }
0x7: {  	s3 =	sadd.s32 $0x12800, s2;
	p0 =	slt.u32 s6, $0x9;
	s6 =	simm.s32 $0x16000  }
.Ltmp0:
0x8: {  	s6 =	simm.s32 @!p0 $0x0;
	s7 =	ssub.s32 $0x1B800, s4;
	(pc) =	sbr.rel .LBB2_1-.Ltmp0, $4  }
0x9: {  	s8 =	simm.s32 @!p0 $0x0;
	p0 =	sne.s32 s7, s6;
	s7 =	simm.s32 $0x1  }
0xa: {  	[sflag:s5] =	ssyncpa.u1 $0x0;
	s6 =	simm.s32 $0x2;
	s7 =	simm.s32 @!p0 $0x0  }
0xb: {  	s11 =	smov.u32 s4;
	[sflag:s6] =	ssyncpa.u1 $0x0;
	s7 =	sadd.s32 s8, s7  }
0xc: {  	vm0 =	vmmov $0xffff;
	s8 =	sadd.s32 $0x16000, s2;
	[sflag:s9] =	ssyncpa.u1 $0x0;
	s9 =	sadd.s32 $0x1, s7  }
.LBB2_4:
0xd: {  	v5 =	vshrl.u32 v1, $0xA;
	v6 =	vshll.u32 v1, $0x7  }
0xe: {  	vm1 =	veq.s32 v1, $0x80000000;
	v58 =	vand.u32 $0x7F, v5;
	v59 =	vand.u32 $0x1FF80, v6  }
0xf: {  	v1 =	vsel vm1, $0xFFFFFFFF, v58;
	v5 =	vsel vm1, $0xFFFFFF80, v59  }
0x10: {  	v3 =	vor.u32 v4, v3;
	v60 =	vand.u32 $0xFFFFFC00, v5;
	v61 =	vand.u32 $0xFFFFFC00, v1  }
0x11: {  	v2 =	vor.u32 v2, v3;
	v63 =	vand.u32 $0x380, v5;
	v62 =	vadd.s32 v61, v60  }
0x12: {  	v1 =	vand.u32 $0x7F, v1;
	v3 =	vor.u32 v63, v62  }
0x13: {  	v1 =	vor.u32 v1, v3  }
0x14: {  	[tilespmem:s17], [sflag:$0x1] =	stream.indirect_vreg.gather [hbm4b:s2+s10], $0x1, v0, vm0, $0x4038;
	[tilespmem:$0x2C00] =	vst v63  }
0x15: {  	(ifvalue) =	ssetifvalue $0x7FFFFFFF  }
0x16: {  	[tilespmem:s15], [sflag:$0x1] =	stream.indirect_vreg.gather [hbm4b:s2+s10], $0x1, v2, vm0, $0x4038;
	[tilespmem:$0x2C00] =	vst v63  }
0x17: {  	s29 =	sadd.s32 $0x10, s15;
	(ifvalue) =	ssetifvalue $0x7FFFFFFF  }
0x18: {  	[tilespmem:s29], [sflag:$0x1] =	stream.indirect_vreg.gather [hbm4b:s2+s10], $0x1, v1, vm0, $0x4038;
	[tilespmem:$0x2C00] =	vst v63  }
0x19: {  	_ =	swait.ge [sflag:s5], $0xB00  }
0x1a: {  	s30 =	sshrl.u32 s13, $0x3;
	[sflag:s5] =	ssyncset.done $0x0  }
0x1b: {  	s31 =	sand.u32 $0x7, s13;
	s15 =	sadd.s32 s8, s30;
	[sflag:s5] =	ssyncadd.s32 $0xFFFFF500  }
0x1c: {  	[hbm4b:s15+s31] =	stream.linear.scatter [tilespmem:s14], [sflag:$0x3], $0xB00, $0x38;
	[tilespmem:$0x2C00] =	vst v63  }
.LBB2_5:
0x1d: {  	s15 =	sadd.s32 $0x16000, s11  }
0x1e: {  	p1 =	sgt.s32 s15, $0x1B7FF  }
0x1f: {  	s15 =	smov.u32 @p1 s4;
	p1 =	sne.s32 s12, s9  }
.Ltmp1:
0x20: {  	p0 =	slt.u32 s12, $0x2;
	(pc) =	sbr.rel @!p1 .LBB2_6-.Ltmp1, $4  }
0x21: {  	s14 =	simm.s32 @!p0 $0x3  }
0x22: {  	_ =	swait.ge @!p0 [sflag:s14], $0xB00  }
0x23: {  	s16 =	sadd.s32 $0x1, s12;
	s13 =	smov.u32 s11;
	[sflag:s14] =	ssyncset.done @!p0 $0x0  }
0x24: {  	s12 =	smov.u32 s16;
	s11 =	smov.u32 s15;
	[sflag:s14] =	ssyncadd.s32 @!p0 $0xFFFFF500  }
.LBB2_1:
0x25: {  	p0 =	sge.u32 s12, s7  }
0x26: {  	s14 =	sxor.u32 @!p0 $0x1, s12  }
0x27: {  	s14 =	smul.u32 @!p0 $0x2C00, s14  }
0x28: {  	s31 =	sadd.s32 $0xFFFFFFFF, s12;
	s15 =	sshrl.u32 @!p0 s11, $0x3  }
0x29: {  	s16 =	sand.u32 @!p0 $0x7, s11;
	s15 =	sadd.s32 @!p0 s3, s15;
	s14 =	sshra.s32 @!p0 s14, $0x2  }
0x2a: {  	[tilespmem:s14], [sflag:$0x2] =	stream.linear.gather @!p0 [hbm4b:s15+s16], $0xB00, $0x38;
	[tilespmem:$0x2C00] =	vst v63  }
0x2b: {  	p0 =	sge.u32 s31, s7  }
.Ltmp2:
0x2c: {  	_ = 	snop;
	(pc) =	sbr.rel @p0 .LBB2_5-.Ltmp2, $1  }
0x2d: {  	_ =	sdelay $0x3  }
0x2e: {  	s14 =	sand.u32 $0x1, s12  }
0x2f: {  	_ =	swait.ge [sflag:s6], $0xB00;
	p0 =	seq.s32 s14, $0x1;
	s14 =	simm.s32 $0xB00  }
0x30: {  	[sflag:s6] =	ssyncset.done $0x0;
	s14 =	simm.s32 @!p0 $0x0  }
0x31: {  	[sflag:s6] =	ssyncadd.s32 $0xFFFFF500;
	(ifvalue) =	ssetifvalue $0x7FFFFFFF;
	v0 =	vld.msk [tilespmem:s14+$0x0 ss:$0x1], $0xffff;
	_ =	sdelay $0x4  }
0x32: {  	s15 =	sadd.s32 $0x10, s14;
	v2 =	vshrl.u32 v0, $0xA;
	v3 =	vshll.u32 v0, $0x7  }
0x33: {  	v1 =	vld.msk [tilespmem:s15+$0x0 ss:$0x1], $0xffff;
	vm1 =	veq.s32 v0, $0x80000000;
	v0 =	vand.u32 $0x7F, v2;
	v2 =	vand.u32 $0x1FF80, v3  }
0x34: {  	v0 =	vsel vm1, $0xFFFFFFFF, v0;
	v2 =	vsel vm1, $0xFFFFFF80, v2  }
0x35: {  	v3 =	vand.u32 $0xFFFFFC00, v2;
	v4 =	vand.u32 $0xFFFFFC00, v0  }
0x36: {  	v2 =	vand.u32 $0x380, v2;
	v3 =	vadd.s32 v4, v3  }
0x37: {  	v0 =	vand.u32 $0x7F, v0;
	v2 =	vor.u32 v2, v3  }
0x38: {  	v5 =	vshll.u32 v1, $0x7;
	v4 =	vshrl.u32 v1, $0xA;
	v0 =	vor.u32 v0, v2  }
0x39: {  	vm1 =	veq.s32 v1, $0x80000000;
	v1 =	vand.u32 $0x7F, v4;
	v4 =	vand.u32 $0x1FF80, v5  }
0x3a: {  	s14 =	sadd.s32 $0x1600, s14;
	s15 =	sadd.s32 $0x10, s15;
	v3 =	vsel vm1, $0xFFFFFFFF, v1;
	v4 =	vsel vm1, $0xFFFFFF80, v4  }
0x3b: {  	s16 =	simm.s32 $0x20;
	s17 =	smov.u32 s14;
	v1 =	vld.msk [tilespmem:s15+$0x0 ss:$0x1], $0xffff;
	v5 =	vand.u32 $0xFFFFFC00, v4;
	v6 =	vand.u32 $0xFFFFFC00, v3  }
0x3c: {  	s18 =	sadd.s32 $0x10, s15;
	(ifvalue) =	ssetifvalue $0x7FFFFFFF;
	s15 =	sadd.s32 $0x10, s14;
	v2 =	vand.u32 $0x7F, v3;
	v4 =	vand.u32 $0x380, v4;
	v3 =	vadd.s32 v6, v5  }
.LBB2_3:
0x3d: {  	[tilespmem:s17], [sflag:$0x1] =	stream.indirect_vreg.gather [hbm4b:s2+s10], $0x1, v0, vm0, $0x4038;
	[tilespmem:$0x2C00] =	vst v63  }
0x3e: {  	s16 =	sadd.s32 $0x10, s16  }
0x3f: {  	v3 =	vor.u32 v4, v3;
	p0 =	slt.u32 s16, $0xAF0  }
.Ltmp3:
0x40: {  	v4 =	vshrl.u32 v1, $0xA;
	v5 =	vshll.u32 v1, $0x7;
	s17 =	smov.u32 s15;
	v0 =	vor.u32 v2, v3;
	v2 =	vmovc v1;
	v1 =	vld.msk [tilespmem:s18+$0x0 ss:$0x1], $0xffff;
	(pc) =	sbr.rel @p0 .LBB2_3-.Ltmp3, $4  }
0x41: {  	v3 =	vand.u32 $0x1FF80, v5;
	vm1 =	veq.s32 v2, $0x80000000;
	v2 =	vand.u32 $0x7F, v4  }
0x42: {  	v4 =	vsel vm1, $0xFFFFFFFF, v2;
	v5 =	vsel vm1, $0xFFFFFF80, v3  }
0x43: {  	v2 =	vand.u32 $0x7F, v4;
	v3 =	vand.u32 $0xFFFFFC00, v5;
	v4 =	vand.u32 $0xFFFFFC00, v4  }
0x44: {  	s15 =	sadd.s32 $0x10, s15;
	s18 =	sadd.s32 $0x10, s18;
	v3 =	vadd.s32 v4, v3;
	v4 =	vand.u32 $0x380, v5;
	(ifvalue) =	ssetifvalue $0x7FFFFFFF  }
.Ltmp4:
0x45: {  	_ = 	snop;
	(pc) =	sbr.rel .LBB2_4-.Ltmp4, $1  }
0x46: {  	_ =	sdelay $0x3  }
.LBB2_6:
0x47: {  	_ =	sfence.sel $0x180000  }
0x48: {  	s2 =	simm.s32 $0x2;
	[bflag:$0x0] =	sbarrier.arrive $0xFFFF  }
0x49: {  	s30 =	simm.s32 $0x3;
	[sflag:s2] =	ssyncpa.u1 $0x1  }
0x4a: {  	s31 =	simm.s32 $0x1;
	[sflag:s30] =	ssyncpa.u1 $0x1  }
0x4b: {  	[sflag:s31] =	ssyncpa.u1 $0x1  }
0x4c: {  	p0 =	sne.s32 s0, $0x0;
	_ =	strace $0x90000050  }
0x4d: {  	s0 =	sadd.s32 @!p0 $0x100000, s1;
	[bflag:$0x2] =	sbarrier.arrive $0xFFFF  }
0x4e: {  	[sflag:s0] =	ssyncadd.tile.s32 @!p0 $0x1;
	_ =	shalt  }
.Lfunc_end2:
_tile_overlayer_lowered:
.L_overlay_start_2:
0x4f: {  	(tag) =	ssettag $0x2  }
0x50: {  	s0 =	rddreg [dreg:$0x0];
	s2 =	stileid.u32  }
0x51: {  	s1 =	rddreg [dreg:$0x1];
	p0 =	sne.s32 s2, $0x0  }
0x52: {  	s3 =	rddreg [dreg:$0x2];
	[bflag:$0x3] =	sbarrier.arrive $0xFFFF;
	s2 =	simm.s32 @!p0 $0x1C01  }
0x53: {  	[timem:s3], [sflag:s2] =	dma.local @!p0 [hbm:s0], s1  }
0x54: {  	s0 =	simm.s32 @!p0 $0x1  }
0x55: {  	_ =	swait.ge @!p0 [sflag:s0], s1  }
0x56: {  	s1 =	ssub.s32 @!p0 $0x0, s1;
	[sflag:s0] =	ssyncset.done @!p0 $0x0  }
0x57: {  	[sflag:s0] =	ssyncadd.s32 @!p0 s1  }
0x58: {  	[bflag:$0x3] =	sbarrier.arrive $0xFFFF  }
0x59: {  	_ =	shalt  }

// kernel: gather_offload_async_start.6
scs
__scs_entry_jumppad:
0x0: {  	(pc) =	sbr.rel $0x88, $3  }
0x1: {  	(tag) =	ssettag $0x0;
	lr =	simm.s32 $0x1  }
0x2: {  	[smem:$0x3F9C] =	sst lr;
	_ =	strace $0xD0000000  }
0x3: {  	_ = 	snop  }
0x4: {  	_ = 	snop  }
0x5: {  	_ = 	snop  }
0x6: {  	_ = 	snop  }
0x7: {  	_ = 	snop  }
__scs_overlays_trampoline_lowered:
0x8: {  	[smem:$0x3FAB] =	sst s0  }
0x9: {  	[smem:$0x3FAC] =	sst s1  }
0xa: {  	[smem:$0x3FAD] =	sst s2  }
0xb: {  	[smem:$0x3FAE] =	sst s3  }
0xc: {  	[smem:$0x3FAF] =	sst s4  }
0xd: {  	[smem:$0x3FB0] =	sst s5  }
0xe: {  	[smem:$0x3FB1] =	sst s6  }
0xf: {  	[smem:$0x3FB2] =	sst s7  }
0x10: {  	[smem:$0x3FB3] =	sst s8  }
0x11: {  	[smem:$0x3FB4] =	sst s9;
	s0 =	simm.s32 @!p0 $0x0  }
0x12: {  	s1 =	sld [smem:$0x3F9A];
	s0 =	simm.s32 @p0 $0x1  }
0x13: {  	[smem:$0x3FB5] =	sst s0;
	s0 =	simm.s32 @!p1 $0x0  }
0x14: {  	s2 =	sld [smem:$0x3F99];
	s0 =	simm.s32 @p1 $0x1  }
0x15: {  	[smem:$0x3FB6] =	sst s0;
	s0 =	simm.s32 @!p2 $0x0  }
0x16: {  	s3 =	sld [smem:$0x3FDB];
	s0 =	simm.s32 @p2 $0x1  }
0x17: {  	s4 =	simm.s32 $0x1BF5;
	[smem:$0x3FB8] =	sst s0  }
0x18: {  	s0 =	sld [smem:$0x3F9B];
	_ =	swait.ge [sflag:s4], $0x0  }
0x19: {  	s7 =	sld [smem:$0x3F9C]  }
0x1a: {  	s8 =	sadd.s32 $0xFFFFE003, lr  }
0x1b: {  	s9 =	sadd.s32 $0xFFFFFEF7, lr;
	s5 =	simm.s32 $0xFFFFFFFF;
	p2 =	slt.u32 s8, $0xFFFFF086  }
0x1c: {  	p1 =	slt.u32 s9, $0xF7A;
	s5 =	simm.s32 @!p2 $0x0  }
0x1d: {  	s5 =	simm.s32 @p1 $0x1;
	p0 =	seq.s32 s7, s2  }
0x1e: {  	s7 =	smul.u32 @!p0 $0xF7A, s2;
	p2 =	seq.s32 @!p0 s5, $0x0  }
0x1f: {  	s9 =	smul.u32 $0xF7A, s1;
	s8 =	simm.s32 @!p0 $0x1BF5;
	p2 =	por !p2, p0  }
0x20: {  	[sflag:s8] =	ssyncset.s32 @!p0 $0xFFFFF086;
	s6 =	sadd.s32 @!p0 s3, s7;
	s7 =	simm.s32 @!p0 $0x108  }
0x21: {  	s3 =	sadd.s32 s3, s9;
	s6 =	sadd.s32 @!p0 $0x88, s6;
	s7 =	simm.s32 @p2 $0x1082  }
0x22: {  	[simem:s7], [sflag:s8] =	dma.local @!p0 [hbm:s6], $0xF7A  }
0x23: {  	s9 =	sor.u32 $0xD0000000, s2;
	s6 =	simm.s32 $0x108;
	_ =	swait.ge @!p0 [sflag:s8], $0x0  }
0x24: {  	s3 =	sadd.s32 $0x88, s3;
	s6 =	simm.s32 @!p1 $0x1082;
	[sflag:s4] =	ssyncset.s32 $0xFFFFF086  }
0x25: {  	[simem:s6], [sflag:s4] =	dma.local [hbm:s3], $0xF7A  }
0x26: {  	[smem:$0x3F9C] =	sst s1;
	(tag) =	ssettag s2;
	_ =	strace s9  }
0x27: {  	s1 =	sld [smem:$0x3FAC]  }
0x28: {  	s2 =	sld [smem:$0x3FAD]  }
0x29: {  	s4 =	sld [smem:$0x3FAF]  }
0x2a: {  	p0 =	seq.s32 s5, $0x0;
	s5 =	sld [smem:$0x3FB0]  }
0x2b: {  	s6 =	sld [smem:$0x3FB1]  }
0x2c: {  	s7 =	sld [smem:$0x3FB2]  }
0x2d: {  	s3 =	simm.s32 $0x108;
	s8 =	sld [smem:$0x3FB3]  }
0x2e: {  	s3 =	simm.s32 @!p0 $0x1082;
	s9 =	sld [smem:$0x3FB4]  }
0x2f: {  	lr =	sadd.s32 s0, s3;
	s0 =	sld [smem:$0x3FAB]  }
0x30: {  	s3 =	sld [smem:$0x3FAE]  }
0x31: {  	[smem:$0x3FB7] =	sst s10  }
0x32: {  	s10 =	sld [smem:$0x3FB5];
	_ =	sdelay $0x3  }
0x33: {  	p0 =	seq.s32 s10, $0x1;
	s10 =	sld [smem:$0x3FB7];
	_ =	sdelay $0x3  }
0x34: {  	[smem:$0x3FB7] =	sst s10  }
0x35: {  	s10 =	sld [smem:$0x3FB6];
	_ =	sdelay $0x3  }
0x36: {  	p1 =	seq.s32 s10, $0x1;
	s10 =	sld [smem:$0x3FB7];
	_ =	sdelay $0x3  }
0x37: {  	[smem:$0x3FB7] =	sst s10  }
0x38: {  	s10 =	sld [smem:$0x3FB8]  }
0x39: {  	_ = 	snop;
	(pc) =	sbr.ind lr, $3  }
0x3a: {  	_ = 	snop  }
0x3b: {  	_ = 	snop  }
0x3c: {  	p2 =	seq.s32 s10, $0x1;
	s10 =	sld [smem:$0x3FB7]  }
0x3d: {  	_ =	shalt  }
0x3e: {  	_ =	shalt  }
0x3f: {  	_ =	shalt  }
0x40: {  	_ =	shalt  }
0x41: {  	_ =	shalt  }
0x42: {  	_ =	shalt  }
0x43: {  	_ =	shalt  }
0x44: {  	_ =	shalt  }
0x45: {  	_ =	shalt  }
0x46: {  	_ =	shalt  }
0x47: {  	_ =	shalt  }
0x48: {  	_ =	shalt  }
0x49: {  	_ =	shalt  }
0x4a: {  	_ =	shalt  }
0x4b: {  	_ =	shalt  }
0x4c: {  	_ =	shalt  }
0x4d: {  	_ =	shalt  }
0x4e: {  	_ =	shalt  }
0x4f: {  	_ =	shalt  }
0x50: {  	_ =	shalt  }
0x51: {  	_ =	shalt  }
0x52: {  	_ =	shalt  }
0x53: {  	_ =	shalt  }
0x54: {  	_ =	shalt  }
0x55: {  	_ =	shalt  }
0x56: {  	_ =	shalt  }
0x57: {  	_ =	shalt  }
0x58: {  	_ =	shalt  }
0x59: {  	_ =	shalt  }
0x5a: {  	_ =	shalt  }
0x5b: {  	_ =	shalt  }
0x5c: {  	_ =	shalt  }
0x5d: {  	_ =	shalt  }
0x5e: {  	_ =	shalt  }
0x5f: {  	_ =	shalt  }
0x60: {  	_ =	shalt  }
0x61: {  	_ =	shalt  }
0x62: {  	_ =	shalt  }
0x63: {  	_ =	shalt  }
0x64: {  	_ =	shalt  }
0x65: {  	_ =	shalt  }
0x66: {  	_ =	shalt  }
0x67: {  	_ =	shalt  }
0x68: {  	_ =	shalt  }
0x69: {  	_ =	shalt  }
0x6a: {  	_ =	shalt  }
0x6b: {  	_ =	shalt  }
0x6c: {  	_ =	shalt  }
0x6d: {  	_ =	shalt  }
0x6e: {  	_ =	shalt  }
0x6f: {  	_ =	shalt  }
0x70: {  	_ =	shalt  }
0x71: {  	_ =	shalt  }
0x72: {  	_ =	shalt  }
0x73: {  	_ =	shalt  }
0x74: {  	_ =	shalt  }
0x75: {  	_ =	shalt  }
0x76: {  	_ =	shalt  }
0x77: {  	_ =	shalt  }
0x78: {  	_ =	shalt  }
0x79: {  	_ =	shalt  }
0x7a: {  	_ =	shalt  }
0x7b: {  	_ =	shalt  }
0x7c: {  	_ =	shalt  }
0x7d: {  	_ =	shalt  }
0x7e: {  	_ =	shalt  }
0x7f: {  	_ =	shalt  }
0x80: {  	_ =	shalt  }
0x81: {  	_ =	shalt  }
0x82: {  	_ =	shalt  }
0x83: {  	_ =	shalt  }
0x84: {  	_ =	shalt  }
0x85: {  	_ =	shalt  }
0x86: {  	_ =	shalt  }
0x87: {  	_ =	shalt  }
.Lfunc_end0:
.L_simem_size_0:
called_computation.7_lowered:
.L_overlay_start_0:
0x88: {  	s2 =	sld [smem:$0x3FD9]  }
0x89: {  	s3 =	sld [smem:$0x3FFE];
	_ =	sdelay $0x1  }
0x8a: {  	s1 =	srdreg.scid  }
0x8b: {  	s0 =	sand.u32 $0x1, s1  }
0x8c: {  	s16 =	sshll.u32 s0, $0xA;
	s2 =	sadd.s32 s3, s2  }
0x8d: {  	s2 =	sadd.s32 s2, s16  }
0x8e: {  	[smem:$0x3FC3] =	sst s2  }
0x8f: {  	_ = 	snop  }
0x90: {  	(tm) =	ssettm $0x1  }
0x91: {  	s17 =	sld [smem:$0x3FFB];
	_ =	sdelay $0x3  }
0x92: {  	_ =	strace s17  }
0x93: {  	s2 =	sld [smem:$0x3FFC];
	_ =	sdelay $0x3  }
0x94: {  	_ =	strace s2  }
0x95: {  	s2 =	sld [smem:$0x3FFD];
	_ =	sdelay $0x3  }
0x96: {  	_ =	strace s2  }
0x97: {  	_ =	strace $0x8FFFFFFF  }
0x98: {  	s18 =	sld [smem:$0x3FDB];
	_ =	sdelay $0x1  }
0x99: {  	s19 =	simm.s32 $_scs_section_size  }
0x9a: {  	s4 =	simm.s32 $_size__tile_overlayer_lowered;
	s5 =	simm.s32 $_tile_overlayer_lowered  }
0x9b: {  	s22 =	simm.s32 $0x1BFF;
	s21 =	sshll.u32 s5, $0x1;
	s2 =	sadd.s32 s19, s18  }
0x9c: {  	s6 =	simm.s32 $0x0;
	s20 =	sshll.u32 s4, $0x1;
	s4 =	sadd.s32 s21, s2  }
0x9d: {  	[timem:s6], [sflag:s22] =	dma.local [hbm:s4], s20  }
0x9e: {  	_ =	swait.ge [sflag:s22], s20  }
0x9f: {  	s3 =	ssub.s32 $0x0, s20;
	[sflag:s22] =	ssyncset.done $0x0  }
0xa0: {  	[sflag:s22] =	ssyncadd.s32 s3;
	_ =	sdelay $0x1  }
0xa1: {  	s23 =	simm.s32 $0x1B8B  }
0xa2: {  	_ =	swait.ge [sflag:s23], $0x1  }
0xa3: {  	[sflag:s23] =	ssyncset.done $0x0  }
0xa4: {  	s25 =	simm.s32 $0x1B8E;
	s24 =	sld [smem:$0x3FFE];
	[sflag:s23] =	ssyncadd.s32 $0xFFFFFFFF  }
0xa5: {  	s26 =	simm.s32 $execute0_lowered;
	[smem:$0x3FD2] =	sst s25  }
0xa6: {  	s4 =	sshll.u32 s26, $0x1;
	_ =	strace $0x80000052;
	[dreg:$0x1] =	wrdreg $0xFFFFFFFF  }
0xa7: {  	s28 =	simm.s32 $_size_execute0_lowered;
	s2 =	sadd.s32 s2, s4;
	[dreg:$0x0] =	wrdreg $0x0  }
0xa8: {  	s4 =	sshll.u32 s28, $0x1;
	[dreg:$0x2] =	wrdreg s2  }
0xa9: {  	[dreg:$0x3] =	wrdreg s4  }
0xaa: {  	[dreg:$0x4] =	wrdreg $0xC0  }
0xab: {  	_ =	task [dreg:s6], $0x5FFFF  }
0xac: {  	[dreg:$0x1] =	wrdreg $0xFFFFFFFF  }
0xad: {  	[dreg:$0x0] =	wrdreg $0x60  }
0xae: {  	[dreg:$0x2] =	wrdreg s24  }
0xaf: {  	[dreg:$0x3] =	wrdreg $0x9  }
0xb0: {  	_ =	task.clear_ibuf [dreg:s6], $0x4FFFF;
	_ =	strace $0x90000052  }
0xb1: {  	s29 =	simm.s32 $0x9;
	_ =	strace $0x80000054  }
0xb2: {  	_ =	swait.ge [sflag:s29], $0x1  }
0xb3: {  	[sflag:s29] =	ssyncadd.s32 $0xFFFFFFFF  }
0xb4: {  	_ =	strace $0x90000054  }
0xb5: {  	_ =	sfence  }
0xb6: {  	s30 =	sld [smem:$0x0];
	_ =	sdelay $0x2  }
0xb7: {  	s31 =	sshll.u32 s1, $0xD;
	s1 =	sshrl.u32 s1, $0x2  }
0xb8: {  	s3 =	sand.u32 $0x4000, s31;
	s1 =	sadd.s32 s1, s30  }
0xb9: {  	s0 =	sor.u32 s3, s0;
	s1 =	sshll.u32 s1, $0x11  }
0xba: {  	s0 =	sor.u32 s1, s0  }
0xbb: {  	s0 =	sadd.s32 $0x8F2B, s0  }
0xbc: {  	[sflag:s0] =	ssyncadd.remote.s32 $0x1  }
0xbd: {  	_ =	sfence.sel $0xFFFF  }
0xbe: {  	[dreg:$0x0] =	wrdreg $0xFFFFFFFF;
	(pc) =	sbr.abs _section_cstart, $3  }
0xbf: {  	[dreg:$0x1] =	wrdreg $0xFFFFFFFF  }
0xc0: {  	_ =	task.clear_ibuf [dreg:s6], $0x2FFFF;
	_ =	strace $0x9FFFFFFF  }
0xc1: {  	(tm) =	ssettm $0x7FFFFFFF  }
tec
execute0_lowered:
.L_overlay_start_1:
0x0: {  	(tag) =	ssettag $0x1  }
0x1: {  	s8 =	rddreg [dreg:$0x0];
	s1 =	stileid.u32  }
0x2: {  	s2 =	srdreg.scid;
	s0 =	rddreg [dreg:$0x1]  }
0x3: {  	_ =	strace $0x80000053;
	s5 =	simm.s32 $0x1;
	s9 =	simm.s32 $0x1  }
0x4: {  	s10 =	simm.s32 $0x3;
	s2 =	sand.u32 $0x1, s2;
	s3 =	sshll.u32 s1, $0x1  }
0x5: {  	s13 =	simm.s32 $0x0;
	s12 =	simm.s32 $0x0;
	s6 =	sor.u32 s3, s2  }
0x6: {  	[sflag:s5] =	ssyncpa.u1 $0x0;
	s2 =	sadd.s32 $0x83800, s8;
	s4 =	smul.u32 $0xB00, s6  }
0x7: {  	s3 =	sadd.s32 $0xF000, s8;
	p0 =	slt.u32 s6, $0x9;
	s6 =	simm.s32 $0x16000  }
.Ltmp0:
0x8: {  	s6 =	simm.s32 @!p0 $0x0;
	s7 =	ssub.s32 $0x1B800, s4;
	(pc) =	sbr.rel .LBB2_1-.Ltmp0, $4  }
0x9: {  	s9 =	simm.s32 @!p0 $0x0;
	p0 =	sne.s32 s7, s6;
	s7 =	simm.s32 $0x1  }
0xa: {  	s8 =	sadd.s32 $0x12800, s8;
	s6 =	simm.s32 $0x2;
	s7 =	simm.s32 @!p0 $0x0  }
0xb: {  	s11 =	smov.u32 s4;
	[sflag:s6] =	ssyncpa.u1 $0x0;
	s7 =	sadd.s32 s9, s7  }
0xc: {  	vm0 =	vmmov $0xffff;
	[sflag:s10] =	ssyncpa.u1 $0x0;
	s10 =	simm.s32 $0x0;
	s9 =	sadd.s32 $0x1, s7  }
.LBB2_4:
0xd: {  	v5 =	vshrl.u32 v1, $0xA;
	v6 =	vshll.u32 v1, $0x7  }
0xe: {  	vm1 =	veq.s32 v1, $0x80000000;
	v58 =	vand.u32 $0x7F, v5;
	v59 =	vand.u32 $0x1FF80, v6  }
0xf: {  	v1 =	vsel vm1, $0xFFFFFFFF, v58;
	v5 =	vsel vm1, $0xFFFFFF80, v59  }
0x10: {  	v3 =	vor.u32 v4, v3;
	v60 =	vand.u32 $0xFFFFFC00, v5;
	v61 =	vand.u32 $0xFFFFFC00, v1  }
0x11: {  	v2 =	vor.u32 v2, v3;
	v63 =	vand.u32 $0x380, v5;
	v62 =	vadd.s32 v61, v60  }
0x12: {  	v1 =	vand.u32 $0x7F, v1;
	v3 =	vor.u32 v63, v62  }
0x13: {  	v1 =	vor.u32 v1, v3  }
0x14: {  	[tilespmem:s17], [sflag:$0x1] =	stream.indirect_vreg.gather [hbm4b:s2+s10], $0x1, v0, vm0, $0x4038;
	[tilespmem:$0x2C00] =	vst v63  }
0x15: {  	(ifvalue) =	ssetifvalue $0x7FFFFFFF  }
0x16: {  	[tilespmem:s15], [sflag:$0x1] =	stream.indirect_vreg.gather [hbm4b:s2+s10], $0x1, v2, vm0, $0x4038;
	[tilespmem:$0x2C00] =	vst v63  }
0x17: {  	s29 =	sadd.s32 $0x10, s15;
	(ifvalue) =	ssetifvalue $0x7FFFFFFF  }
0x18: {  	[tilespmem:s29], [sflag:$0x1] =	stream.indirect_vreg.gather [hbm4b:s2+s10], $0x1, v1, vm0, $0x4038;
	[tilespmem:$0x2C00] =	vst v63  }
0x19: {  	_ =	swait.ge [sflag:s5], $0xB00  }
0x1a: {  	s30 =	sshrl.u32 s13, $0x3;
	[sflag:s5] =	ssyncset.done $0x0  }
0x1b: {  	s31 =	sand.u32 $0x7, s13;
	s15 =	sadd.s32 s8, s30;
	[sflag:s5] =	ssyncadd.s32 $0xFFFFF500  }
0x1c: {  	[hbm4b:s15+s31] =	stream.linear.scatter [tilespmem:s14], [sflag:$0x3], $0xB00, $0x38;
	[tilespmem:$0x2C00] =	vst v63  }
.LBB2_5:
0x1d: {  	s15 =	sadd.s32 $0x16000, s11  }
0x1e: {  	p1 =	sgt.s32 s15, $0x1B7FF  }
0x1f: {  	s15 =	smov.u32 @p1 s4;
	p1 =	sne.s32 s12, s9  }
.Ltmp1:
0x20: {  	p0 =	slt.u32 s12, $0x2;
	(pc) =	sbr.rel @!p1 .LBB2_6-.Ltmp1, $4  }
0x21: {  	s14 =	simm.s32 @!p0 $0x3  }
0x22: {  	_ =	swait.ge @!p0 [sflag:s14], $0xB00  }
0x23: {  	s16 =	sadd.s32 $0x1, s12;
	s13 =	smov.u32 s11;
	[sflag:s14] =	ssyncset.done @!p0 $0x0  }
0x24: {  	s12 =	smov.u32 s16;
	s11 =	smov.u32 s15;
	[sflag:s14] =	ssyncadd.s32 @!p0 $0xFFFFF500  }
.LBB2_1:
0x25: {  	p0 =	sge.u32 s12, s7  }
0x26: {  	s14 =	sxor.u32 @!p0 $0x1, s12  }
0x27: {  	s14 =	smul.u32 @!p0 $0x2C00, s14  }
0x28: {  	s31 =	sadd.s32 $0xFFFFFFFF, s12;
	s15 =	sshrl.u32 @!p0 s11, $0x3  }
0x29: {  	s16 =	sand.u32 @!p0 $0x7, s11;
	s15 =	sadd.s32 @!p0 s3, s15;
	s14 =	sshra.s32 @!p0 s14, $0x2  }
0x2a: {  	[tilespmem:s14], [sflag:$0x2] =	stream.linear.gather @!p0 [hbm4b:s15+s16], $0xB00, $0x38;
	[tilespmem:$0x2C00] =	vst v63  }
0x2b: {  	p0 =	sge.u32 s31, s7  }
.Ltmp2:
0x2c: {  	_ = 	snop;
	(pc) =	sbr.rel @p0 .LBB2_5-.Ltmp2, $1  }
0x2d: {  	_ =	sdelay $0x3  }
0x2e: {  	s14 =	sand.u32 $0x1, s12  }
0x2f: {  	_ =	swait.ge [sflag:s6], $0xB00;
	p0 =	seq.s32 s14, $0x1;
	s14 =	simm.s32 $0xB00  }
0x30: {  	[sflag:s6] =	ssyncset.done $0x0;
	s14 =	simm.s32 @!p0 $0x0  }
0x31: {  	[sflag:s6] =	ssyncadd.s32 $0xFFFFF500;
	(ifvalue) =	ssetifvalue $0x7FFFFFFF;
	v0 =	vld.msk [tilespmem:s14+$0x0 ss:$0x1], $0xffff;
	_ =	sdelay $0x4  }
0x32: {  	s15 =	sadd.s32 $0x10, s14;
	v2 =	vshrl.u32 v0, $0xA;
	v3 =	vshll.u32 v0, $0x7  }
0x33: {  	v1 =	vld.msk [tilespmem:s15+$0x0 ss:$0x1], $0xffff;
	vm1 =	veq.s32 v0, $0x80000000;
	v0 =	vand.u32 $0x7F, v2;
	v2 =	vand.u32 $0x1FF80, v3  }
0x34: {  	v0 =	vsel vm1, $0xFFFFFFFF, v0;
	v2 =	vsel vm1, $0xFFFFFF80, v2  }
0x35: {  	v3 =	vand.u32 $0xFFFFFC00, v2;
	v4 =	vand.u32 $0xFFFFFC00, v0  }
0x36: {  	v2 =	vand.u32 $0x380, v2;
	v3 =	vadd.s32 v4, v3  }
0x37: {  	v0 =	vand.u32 $0x7F, v0;
	v2 =	vor.u32 v2, v3  }
0x38: {  	v5 =	vshll.u32 v1, $0x7;
	v4 =	vshrl.u32 v1, $0xA;
	v0 =	vor.u32 v0, v2  }
0x39: {  	vm1 =	veq.s32 v1, $0x80000000;
	v1 =	vand.u32 $0x7F, v4;
	v4 =	vand.u32 $0x1FF80, v5  }
0x3a: {  	s14 =	sadd.s32 $0x1600, s14;
	s15 =	sadd.s32 $0x10, s15;
	v3 =	vsel vm1, $0xFFFFFFFF, v1;
	v4 =	vsel vm1, $0xFFFFFF80, v4  }
0x3b: {  	s16 =	simm.s32 $0x20;
	s17 =	smov.u32 s14;
	v1 =	vld.msk [tilespmem:s15+$0x0 ss:$0x1], $0xffff;
	v5 =	vand.u32 $0xFFFFFC00, v4;
	v6 =	vand.u32 $0xFFFFFC00, v3  }
0x3c: {  	s18 =	sadd.s32 $0x10, s15;
	(ifvalue) =	ssetifvalue $0x7FFFFFFF;
	s15 =	sadd.s32 $0x10, s14;
	v2 =	vand.u32 $0x7F, v3;
	v4 =	vand.u32 $0x380, v4;
	v3 =	vadd.s32 v6, v5  }
.LBB2_3:
0x3d: {  	[tilespmem:s17], [sflag:$0x1] =	stream.indirect_vreg.gather [hbm4b:s2+s10], $0x1, v0, vm0, $0x4038;
	[tilespmem:$0x2C00] =	vst v63  }
0x3e: {  	s16 =	sadd.s32 $0x10, s16  }
0x3f: {  	v3 =	vor.u32 v4, v3;
	p0 =	slt.u32 s16, $0xAF0  }
.Ltmp3:
0x40: {  	v4 =	vshrl.u32 v1, $0xA;
	v5 =	vshll.u32 v1, $0x7;
	s17 =	smov.u32 s15;
	v0 =	vor.u32 v2, v3;
	v2 =	vmovc v1;
	v1 =	vld.msk [tilespmem:s18+$0x0 ss:$0x1], $0xffff;
	(pc) =	sbr.rel @p0 .LBB2_3-.Ltmp3, $4  }
0x41: {  	v3 =	vand.u32 $0x1FF80, v5;
	vm1 =	veq.s32 v2, $0x80000000;
	v2 =	vand.u32 $0x7F, v4  }
0x42: {  	v4 =	vsel vm1, $0xFFFFFFFF, v2;
	v5 =	vsel vm1, $0xFFFFFF80, v3  }
0x43: {  	v2 =	vand.u32 $0x7F, v4;
	v3 =	vand.u32 $0xFFFFFC00, v5;
	v4 =	vand.u32 $0xFFFFFC00, v4  }
0x44: {  	s15 =	sadd.s32 $0x10, s15;
	s18 =	sadd.s32 $0x10, s18;
	v3 =	vadd.s32 v4, v3;
	v4 =	vand.u32 $0x380, v5;
	(ifvalue) =	ssetifvalue $0x7FFFFFFF  }
.Ltmp4:
0x45: {  	_ = 	snop;
	(pc) =	sbr.rel .LBB2_4-.Ltmp4, $1  }
0x46: {  	_ =	sdelay $0x3  }
.LBB2_6:
0x47: {  	_ =	sfence.sel $0x180000  }
0x48: {  	s2 =	simm.s32 $0x2;
	[bflag:$0x0] =	sbarrier.arrive $0xFFFF  }
0x49: {  	s30 =	simm.s32 $0x3;
	[sflag:s2] =	ssyncpa.u1 $0x1  }
0x4a: {  	s31 =	simm.s32 $0x1;
	[sflag:s30] =	ssyncpa.u1 $0x1  }
0x4b: {  	[sflag:s31] =	ssyncpa.u1 $0x1  }
0x4c: {  	p0 =	sne.s32 s1, $0x0;
	_ =	strace $0x90000053  }
0x4d: {  	s0 =	sadd.s32 @!p0 $0x100000, s0;
	[bflag:$0x2] =	sbarrier.arrive $0xFFFF  }
0x4e: {  	[sflag:s0] =	ssyncadd.tile.s32 @!p0 $0x1;
	_ =	shalt  }
.Lfunc_end2:
_tile_overlayer_lowered:
.L_overlay_start_2:
0x4f: {  	(tag) =	ssettag $0x2  }
0x50: {  	s0 =	rddreg [dreg:$0x0];
	s2 =	stileid.u32  }
0x51: {  	s1 =	rddreg [dreg:$0x1];
	p0 =	sne.s32 s2, $0x0  }
0x52: {  	s3 =	rddreg [dreg:$0x2];
	[bflag:$0x3] =	sbarrier.arrive $0xFFFF;
	s2 =	simm.s32 @!p0 $0x1C01  }
0x53: {  	[timem:s3], [sflag:s2] =	dma.local @!p0 [hbm:s0], s1  }
0x54: {  	s0 =	simm.s32 @!p0 $0x1  }
0x55: {  	_ =	swait.ge @!p0 [sflag:s0], s1  }
0x56: {  	s1 =	ssub.s32 @!p0 $0x0, s1;
	[sflag:s0] =	ssyncset.done @!p0 $0x0  }
0x57: {  	[sflag:s0] =	ssyncadd.s32 @!p0 s1  }
0x58: {  	[bflag:$0x3] =	sbarrier.arrive $0xFFFF  }
0x59: {  	_ =	shalt  }

// kernel: gather_offload_async_start.7
scs
__scs_entry_jumppad:
0x0: {  	(pc) =	sbr.rel $0x88, $3  }
0x1: {  	(tag) =	ssettag $0x0;
	lr =	simm.s32 $0x1  }
0x2: {  	[smem:$0x3F9C] =	sst lr;
	_ =	strace $0xD0000000  }
0x3: {  	_ = 	snop  }
0x4: {  	_ = 	snop  }
0x5: {  	_ = 	snop  }
0x6: {  	_ = 	snop  }
0x7: {  	_ = 	snop  }
__scs_overlays_trampoline_lowered:
0x8: {  	[smem:$0x3FAB] =	sst s0  }
0x9: {  	[smem:$0x3FAC] =	sst s1  }
0xa: {  	[smem:$0x3FAD] =	sst s2  }
0xb: {  	[smem:$0x3FAE] =	sst s3  }
0xc: {  	[smem:$0x3FAF] =	sst s4  }
0xd: {  	[smem:$0x3FB0] =	sst s5  }
0xe: {  	[smem:$0x3FB1] =	sst s6  }
0xf: {  	[smem:$0x3FB2] =	sst s7  }
0x10: {  	[smem:$0x3FB3] =	sst s8  }
0x11: {  	[smem:$0x3FB4] =	sst s9;
	s0 =	simm.s32 @!p0 $0x0  }
0x12: {  	s1 =	sld [smem:$0x3F9A];
	s0 =	simm.s32 @p0 $0x1  }
0x13: {  	[smem:$0x3FB5] =	sst s0;
	s0 =	simm.s32 @!p1 $0x0  }
0x14: {  	s2 =	sld [smem:$0x3F99];
	s0 =	simm.s32 @p1 $0x1  }
0x15: {  	[smem:$0x3FB6] =	sst s0;
	s0 =	simm.s32 @!p2 $0x0  }
0x16: {  	s3 =	sld [smem:$0x3FDB];
	s0 =	simm.s32 @p2 $0x1  }
0x17: {  	s4 =	simm.s32 $0x1BF5;
	[smem:$0x3FB8] =	sst s0  }
0x18: {  	s0 =	sld [smem:$0x3F9B];
	_ =	swait.ge [sflag:s4], $0x0  }
0x19: {  	s7 =	sld [smem:$0x3F9C]  }
0x1a: {  	s8 =	sadd.s32 $0xFFFFE003, lr  }
0x1b: {  	s9 =	sadd.s32 $0xFFFFFEF7, lr;
	s5 =	simm.s32 $0xFFFFFFFF;
	p2 =	slt.u32 s8, $0xFFFFF086  }
0x1c: {  	p1 =	slt.u32 s9, $0xF7A;
	s5 =	simm.s32 @!p2 $0x0  }
0x1d: {  	s5 =	simm.s32 @p1 $0x1;
	p0 =	seq.s32 s7, s2  }
0x1e: {  	s7 =	smul.u32 @!p0 $0xF7A, s2;
	p2 =	seq.s32 @!p0 s5, $0x0  }
0x1f: {  	s9 =	smul.u32 $0xF7A, s1;
	s8 =	simm.s32 @!p0 $0x1BF5;
	p2 =	por !p2, p0  }
0x20: {  	[sflag:s8] =	ssyncset.s32 @!p0 $0xFFFFF086;
	s6 =	sadd.s32 @!p0 s3, s7;
	s7 =	simm.s32 @!p0 $0x108  }
0x21: {  	s3 =	sadd.s32 s3, s9;
	s6 =	sadd.s32 @!p0 $0x88, s6;
	s7 =	simm.s32 @p2 $0x1082  }
0x22: {  	[simem:s7], [sflag:s8] =	dma.local @!p0 [hbm:s6], $0xF7A  }
0x23: {  	s9 =	sor.u32 $0xD0000000, s2;
	s6 =	simm.s32 $0x108;
	_ =	swait.ge @!p0 [sflag:s8], $0x0  }
0x24: {  	s3 =	sadd.s32 $0x88, s3;
	s6 =	simm.s32 @!p1 $0x1082;
	[sflag:s4] =	ssyncset.s32 $0xFFFFF086  }
0x25: {  	[simem:s6], [sflag:s4] =	dma.local [hbm:s3], $0xF7A  }
0x26: {  	[smem:$0x3F9C] =	sst s1;
	(tag) =	ssettag s2;
	_ =	strace s9  }
0x27: {  	s1 =	sld [smem:$0x3FAC]  }
0x28: {  	s2 =	sld [smem:$0x3FAD]  }
0x29: {  	s4 =	sld [smem:$0x3FAF]  }
0x2a: {  	p0 =	seq.s32 s5, $0x0;
	s5 =	sld [smem:$0x3FB0]  }
0x2b: {  	s6 =	sld [smem:$0x3FB1]  }
0x2c: {  	s7 =	sld [smem:$0x3FB2]  }
0x2d: {  	s3 =	simm.s32 $0x108;
	s8 =	sld [smem:$0x3FB3]  }
0x2e: {  	s3 =	simm.s32 @!p0 $0x1082;
	s9 =	sld [smem:$0x3FB4]  }
0x2f: {  	lr =	sadd.s32 s0, s3;
	s0 =	sld [smem:$0x3FAB]  }
0x30: {  	s3 =	sld [smem:$0x3FAE]  }
0x31: {  	[smem:$0x3FB7] =	sst s10  }
0x32: {  	s10 =	sld [smem:$0x3FB5];
	_ =	sdelay $0x3  }
0x33: {  	p0 =	seq.s32 s10, $0x1;
	s10 =	sld [smem:$0x3FB7];
	_ =	sdelay $0x3  }
0x34: {  	[smem:$0x3FB7] =	sst s10  }
0x35: {  	s10 =	sld [smem:$0x3FB6];
	_ =	sdelay $0x3  }
0x36: {  	p1 =	seq.s32 s10, $0x1;
	s10 =	sld [smem:$0x3FB7];
	_ =	sdelay $0x3  }
0x37: {  	[smem:$0x3FB7] =	sst s10  }
0x38: {  	s10 =	sld [smem:$0x3FB8]  }
0x39: {  	_ = 	snop;
	(pc) =	sbr.ind lr, $3  }
0x3a: {  	_ = 	snop  }
0x3b: {  	_ = 	snop  }
0x3c: {  	p2 =	seq.s32 s10, $0x1;
	s10 =	sld [smem:$0x3FB7]  }
0x3d: {  	_ =	shalt  }
0x3e: {  	_ =	shalt  }
0x3f: {  	_ =	shalt  }
0x40: {  	_ =	shalt  }
0x41: {  	_ =	shalt  }
0x42: {  	_ =	shalt  }
0x43: {  	_ =	shalt  }
0x44: {  	_ =	shalt  }
0x45: {  	_ =	shalt  }
0x46: {  	_ =	shalt  }
0x47: {  	_ =	shalt  }
0x48: {  	_ =	shalt  }
0x49: {  	_ =	shalt  }
0x4a: {  	_ =	shalt  }
0x4b: {  	_ =	shalt  }
0x4c: {  	_ =	shalt  }
0x4d: {  	_ =	shalt  }
0x4e: {  	_ =	shalt  }
0x4f: {  	_ =	shalt  }
0x50: {  	_ =	shalt  }
0x51: {  	_ =	shalt  }
0x52: {  	_ =	shalt  }
0x53: {  	_ =	shalt  }
0x54: {  	_ =	shalt  }
0x55: {  	_ =	shalt  }
0x56: {  	_ =	shalt  }
0x57: {  	_ =	shalt  }
0x58: {  	_ =	shalt  }
0x59: {  	_ =	shalt  }
0x5a: {  	_ =	shalt  }
0x5b: {  	_ =	shalt  }
0x5c: {  	_ =	shalt  }
0x5d: {  	_ =	shalt  }
0x5e: {  	_ =	shalt  }
0x5f: {  	_ =	shalt  }
0x60: {  	_ =	shalt  }
0x61: {  	_ =	shalt  }
0x62: {  	_ =	shalt  }
0x63: {  	_ =	shalt  }
0x64: {  	_ =	shalt  }
0x65: {  	_ =	shalt  }
0x66: {  	_ =	shalt  }
0x67: {  	_ =	shalt  }
0x68: {  	_ =	shalt  }
0x69: {  	_ =	shalt  }
0x6a: {  	_ =	shalt  }
0x6b: {  	_ =	shalt  }
0x6c: {  	_ =	shalt  }
0x6d: {  	_ =	shalt  }
0x6e: {  	_ =	shalt  }
0x6f: {  	_ =	shalt  }
0x70: {  	_ =	shalt  }
0x71: {  	_ =	shalt  }
0x72: {  	_ =	shalt  }
0x73: {  	_ =	shalt  }
0x74: {  	_ =	shalt  }
0x75: {  	_ =	shalt  }
0x76: {  	_ =	shalt  }
0x77: {  	_ =	shalt  }
0x78: {  	_ =	shalt  }
0x79: {  	_ =	shalt  }
0x7a: {  	_ =	shalt  }
0x7b: {  	_ =	shalt  }
0x7c: {  	_ =	shalt  }
0x7d: {  	_ =	shalt  }
0x7e: {  	_ =	shalt  }
0x7f: {  	_ =	shalt  }
0x80: {  	_ =	shalt  }
0x81: {  	_ =	shalt  }
0x82: {  	_ =	shalt  }
0x83: {  	_ =	shalt  }
0x84: {  	_ =	shalt  }
0x85: {  	_ =	shalt  }
0x86: {  	_ =	shalt  }
0x87: {  	_ =	shalt  }
.Lfunc_end0:
.L_simem_size_0:
called_computation.8_lowered:
.L_overlay_start_0:
0x88: {  	s2 =	sld [smem:$0x3FD9]  }
0x89: {  	s3 =	sld [smem:$0x3FFE];
	_ =	sdelay $0x1  }
0x8a: {  	s1 =	srdreg.scid  }
0x8b: {  	s0 =	sand.u32 $0x1, s1  }
0x8c: {  	s16 =	sshll.u32 s0, $0xA;
	s2 =	sadd.s32 s3, s2  }
0x8d: {  	s2 =	sadd.s32 s2, s16  }
0x8e: {  	[smem:$0x3FC3] =	sst s2  }
0x8f: {  	_ = 	snop  }
0x90: {  	(tm) =	ssettm $0x1  }
0x91: {  	s17 =	sld [smem:$0x3FFB];
	_ =	sdelay $0x3  }
0x92: {  	_ =	strace s17  }
0x93: {  	s2 =	sld [smem:$0x3FFC];
	_ =	sdelay $0x3  }
0x94: {  	_ =	strace s2  }
0x95: {  	s2 =	sld [smem:$0x3FFD];
	_ =	sdelay $0x3  }
0x96: {  	_ =	strace s2  }
0x97: {  	_ =	strace $0x8FFFFFFF  }
0x98: {  	s18 =	sld [smem:$0x3FDB];
	_ =	sdelay $0x1  }
0x99: {  	s19 =	simm.s32 $_scs_section_size  }
0x9a: {  	s4 =	simm.s32 $_size__tile_overlayer_lowered;
	s5 =	simm.s32 $_tile_overlayer_lowered  }
0x9b: {  	s22 =	simm.s32 $0x1BFF;
	s21 =	sshll.u32 s5, $0x1;
	s2 =	sadd.s32 s19, s18  }
0x9c: {  	s6 =	simm.s32 $0x0;
	s20 =	sshll.u32 s4, $0x1;
	s4 =	sadd.s32 s21, s2  }
0x9d: {  	[timem:s6], [sflag:s22] =	dma.local [hbm:s4], s20  }
0x9e: {  	_ =	swait.ge [sflag:s22], s20  }
0x9f: {  	s3 =	ssub.s32 $0x0, s20;
	[sflag:s22] =	ssyncset.done $0x0  }
0xa0: {  	[sflag:s22] =	ssyncadd.s32 s3;
	_ =	sdelay $0x1  }
0xa1: {  	s23 =	simm.s32 $0x1B8B  }
0xa2: {  	_ =	swait.ge [sflag:s23], $0x1  }
0xa3: {  	[sflag:s23] =	ssyncset.done $0x0  }
0xa4: {  	s25 =	simm.s32 $0x1B8E;
	s24 =	sld [smem:$0x3FFE];
	[sflag:s23] =	ssyncadd.s32 $0xFFFFFFFF  }
0xa5: {  	s26 =	simm.s32 $execute0_lowered;
	[smem:$0x3FD2] =	sst s25  }
0xa6: {  	s4 =	sshll.u32 s26, $0x1;
	_ =	strace $0x80000058;
	[dreg:$0x1] =	wrdreg $0xFFFFFFFF  }
0xa7: {  	s28 =	simm.s32 $_size_execute0_lowered;
	s2 =	sadd.s32 s2, s4;
	[dreg:$0x0] =	wrdreg $0x0  }
0xa8: {  	s4 =	sshll.u32 s28, $0x1;
	[dreg:$0x2] =	wrdreg s2  }
0xa9: {  	[dreg:$0x3] =	wrdreg s4  }
0xaa: {  	[dreg:$0x4] =	wrdreg $0xC0  }
0xab: {  	_ =	task [dreg:s6], $0x5FFFF  }
0xac: {  	[dreg:$0x1] =	wrdreg $0xFFFFFFFF  }
0xad: {  	[dreg:$0x0] =	wrdreg $0x60  }
0xae: {  	[dreg:$0x2] =	wrdreg s24  }
0xaf: {  	[dreg:$0x3] =	wrdreg $0x9  }
0xb0: {  	_ =	task.clear_ibuf [dreg:s6], $0x4FFFF;
	_ =	strace $0x90000058  }
0xb1: {  	s29 =	simm.s32 $0x9;
	_ =	strace $0x8000005A  }
0xb2: {  	_ =	swait.ge [sflag:s29], $0x1  }
0xb3: {  	[sflag:s29] =	ssyncadd.s32 $0xFFFFFFFF  }
0xb4: {  	_ =	strace $0x9000005A  }
0xb5: {  	_ =	sfence  }
0xb6: {  	s30 =	sld [smem:$0x0];
	_ =	sdelay $0x2  }
0xb7: {  	s31 =	sshll.u32 s1, $0xD;
	s1 =	sshrl.u32 s1, $0x2  }
0xb8: {  	s3 =	sand.u32 $0x4000, s31;
	s1 =	sadd.s32 s1, s30  }
0xb9: {  	s0 =	sor.u32 s3, s0;
	s1 =	sshll.u32 s1, $0x11  }
0xba: {  	s0 =	sor.u32 s1, s0  }
0xbb: {  	s0 =	sadd.s32 $0x8F2B, s0  }
0xbc: {  	[sflag:s0] =	ssyncadd.remote.s32 $0x1  }
0xbd: {  	_ =	sfence.sel $0xFFFF  }
0xbe: {  	[dreg:$0x0] =	wrdreg $0xFFFFFFFF;
	(pc) =	sbr.abs _section_cstart, $3  }
0xbf: {  	[dreg:$0x1] =	wrdreg $0xFFFFFFFF  }
0xc0: {  	_ =	task.clear_ibuf [dreg:s6], $0x2FFFF;
	_ =	strace $0x9FFFFFFF  }
0xc1: {  	(tm) =	ssettm $0x7FFFFFFF  }
tec
execute0_lowered:
.L_overlay_start_1:
0x0: {  	(tag) =	ssettag $0x1  }
0x1: {  	s0 =	stileid.u32  }
0x2: {  	s1 =	srdreg.scid;
	s2 =	rddreg [dreg:$0x0]  }
0x3: {  	s5 =	simm.s32 $0x1;
	s8 =	simm.s32 $0x1;
	s9 =	simm.s32 $0x3  }
0x4: {  	s10 =	simm.s32 $0x0;
	s3 =	sand.u32 $0x1, s1;
	s4 =	sshll.u32 s0, $0x1  }
0x5: {  	s13 =	simm.s32 $0x0;
	s12 =	simm.s32 $0x0;
	s6 =	sor.u32 s4, s3  }
0x6: {  	s1 =	rddreg [dreg:$0x1];
	_ =	strace $0x80000059;
	s4 =	smul.u32 $0xB00, s6  }
0x7: {  	s3 =	sadd.s32 $0xF000, s2;
	p0 =	slt.u32 s6, $0x9;
	s6 =	simm.s32 $0x16000  }
.Ltmp0:
0x8: {  	s6 =	simm.s32 @!p0 $0x0;
	s7 =	ssub.s32 $0x1B800, s4;
	(pc) =	sbr.rel .LBB2_1-.Ltmp0, $4  }
0x9: {  	s8 =	simm.s32 @!p0 $0x0;
	p0 =	sne.s32 s7, s6;
	s7 =	simm.s32 $0x1  }
0xa: {  	[sflag:s5] =	ssyncpa.u1 $0x0;
	s6 =	simm.s32 $0x2;
	s7 =	simm.s32 @!p0 $0x0  }
0xb: {  	s11 =	smov.u32 s4;
	[sflag:s6] =	ssyncpa.u1 $0x0;
	s7 =	sadd.s32 s8, s7  }
0xc: {  	vm0 =	vmmov $0xffff;
	s8 =	sadd.s32 $0x12800, s2;
	[sflag:s9] =	ssyncpa.u1 $0x0;
	s9 =	sadd.s32 $0x1, s7  }
.LBB2_4:
0xd: {  	v5 =	vshrl.u32 v1, $0xA;
	v6 =	vshll.u32 v1, $0x7  }
0xe: {  	vm1 =	veq.s32 v1, $0x80000000;
	v58 =	vand.u32 $0x7F, v5;
	v59 =	vand.u32 $0x1FF80, v6  }
0xf: {  	v1 =	vsel vm1, $0xFFFFFFFF, v58;
	v5 =	vsel vm1, $0xFFFFFF80, v59  }
0x10: {  	v3 =	vor.u32 v4, v3;
	v60 =	vand.u32 $0xFFFFFC00, v5;
	v61 =	vand.u32 $0xFFFFFC00, v1  }
0x11: {  	v2 =	vor.u32 v2, v3;
	v63 =	vand.u32 $0x380, v5;
	v62 =	vadd.s32 v61, v60  }
0x12: {  	v1 =	vand.u32 $0x7F, v1;
	v3 =	vor.u32 v63, v62  }
0x13: {  	v1 =	vor.u32 v1, v3  }
0x14: {  	[tilespmem:s17], [sflag:$0x1] =	stream.indirect_vreg.gather [hbm4b:s2+s10], $0x1, v0, vm0, $0x4038;
	[tilespmem:$0x2C00] =	vst v63  }
0x15: {  	(ifvalue) =	ssetifvalue $0x7FFFFFFF  }
0x16: {  	[tilespmem:s15], [sflag:$0x1] =	stream.indirect_vreg.gather [hbm4b:s2+s10], $0x1, v2, vm0, $0x4038;
	[tilespmem:$0x2C00] =	vst v63  }
0x17: {  	s29 =	sadd.s32 $0x10, s15;
	(ifvalue) =	ssetifvalue $0x7FFFFFFF  }
0x18: {  	[tilespmem:s29], [sflag:$0x1] =	stream.indirect_vreg.gather [hbm4b:s2+s10], $0x1, v1, vm0, $0x4038;
	[tilespmem:$0x2C00] =	vst v63  }
0x19: {  	_ =	swait.ge [sflag:s5], $0xB00  }
0x1a: {  	s30 =	sshrl.u32 s13, $0x3;
	[sflag:s5] =	ssyncset.done $0x0  }
0x1b: {  	s31 =	sand.u32 $0x7, s13;
	s15 =	sadd.s32 s8, s30;
	[sflag:s5] =	ssyncadd.s32 $0xFFFFF500  }
0x1c: {  	[hbm4b:s15+s31] =	stream.linear.scatter [tilespmem:s14], [sflag:$0x3], $0xB00, $0x38;
	[tilespmem:$0x2C00] =	vst v63  }
.LBB2_5:
0x1d: {  	s15 =	sadd.s32 $0x16000, s11  }
0x1e: {  	p1 =	sgt.s32 s15, $0x1B7FF  }
0x1f: {  	s15 =	smov.u32 @p1 s4;
	p1 =	sne.s32 s12, s9  }
.Ltmp1:
0x20: {  	p0 =	slt.u32 s12, $0x2;
	(pc) =	sbr.rel @!p1 .LBB2_6-.Ltmp1, $4  }
0x21: {  	s14 =	simm.s32 @!p0 $0x3  }
0x22: {  	_ =	swait.ge @!p0 [sflag:s14], $0xB00  }
0x23: {  	s16 =	sadd.s32 $0x1, s12;
	s13 =	smov.u32 s11;
	[sflag:s14] =	ssyncset.done @!p0 $0x0  }
0x24: {  	s12 =	smov.u32 s16;
	s11 =	smov.u32 s15;
	[sflag:s14] =	ssyncadd.s32 @!p0 $0xFFFFF500  }
.LBB2_1:
0x25: {  	p0 =	sge.u32 s12, s7  }
0x26: {  	s14 =	sxor.u32 @!p0 $0x1, s12  }
0x27: {  	s14 =	smul.u32 @!p0 $0x2C00, s14  }
0x28: {  	s31 =	sadd.s32 $0xFFFFFFFF, s12;
	s15 =	sshrl.u32 @!p0 s11, $0x3  }
0x29: {  	s16 =	sand.u32 @!p0 $0x7, s11;
	s15 =	sadd.s32 @!p0 s3, s15;
	s14 =	sshra.s32 @!p0 s14, $0x2  }
0x2a: {  	[tilespmem:s14], [sflag:$0x2] =	stream.linear.gather @!p0 [hbm4b:s15+s16], $0xB00, $0x38;
	[tilespmem:$0x2C00] =	vst v63  }
0x2b: {  	p0 =	sge.u32 s31, s7  }
.Ltmp2:
0x2c: {  	_ = 	snop;
	(pc) =	sbr.rel @p0 .LBB2_5-.Ltmp2, $1  }
0x2d: {  	_ =	sdelay $0x3  }
0x2e: {  	s14 =	sand.u32 $0x1, s12  }
0x2f: {  	_ =	swait.ge [sflag:s6], $0xB00;
	p0 =	seq.s32 s14, $0x1;
	s14 =	simm.s32 $0xB00  }
0x30: {  	[sflag:s6] =	ssyncset.done $0x0;
	s14 =	simm.s32 @!p0 $0x0  }
0x31: {  	[sflag:s6] =	ssyncadd.s32 $0xFFFFF500;
	(ifvalue) =	ssetifvalue $0x7FFFFFFF;
	v0 =	vld.msk [tilespmem:s14+$0x0 ss:$0x1], $0xffff;
	_ =	sdelay $0x4  }
0x32: {  	s15 =	sadd.s32 $0x10, s14;
	v2 =	vshrl.u32 v0, $0xA;
	v3 =	vshll.u32 v0, $0x7  }
0x33: {  	v1 =	vld.msk [tilespmem:s15+$0x0 ss:$0x1], $0xffff;
	vm1 =	veq.s32 v0, $0x80000000;
	v0 =	vand.u32 $0x7F, v2;
	v2 =	vand.u32 $0x1FF80, v3  }
0x34: {  	v0 =	vsel vm1, $0xFFFFFFFF, v0;
	v2 =	vsel vm1, $0xFFFFFF80, v2  }
0x35: {  	v3 =	vand.u32 $0xFFFFFC00, v2;
	v4 =	vand.u32 $0xFFFFFC00, v0  }
0x36: {  	v2 =	vand.u32 $0x380, v2;
	v3 =	vadd.s32 v4, v3  }
0x37: {  	v0 =	vand.u32 $0x7F, v0;
	v2 =	vor.u32 v2, v3  }
0x38: {  	v5 =	vshll.u32 v1, $0x7;
	v4 =	vshrl.u32 v1, $0xA;
	v0 =	vor.u32 v0, v2  }
0x39: {  	vm1 =	veq.s32 v1, $0x80000000;
	v1 =	vand.u32 $0x7F, v4;
	v4 =	vand.u32 $0x1FF80, v5  }
0x3a: {  	s14 =	sadd.s32 $0x1600, s14;
	s15 =	sadd.s32 $0x10, s15;
	v3 =	vsel vm1, $0xFFFFFFFF, v1;
	v4 =	vsel vm1, $0xFFFFFF80, v4  }
0x3b: {  	s16 =	simm.s32 $0x20;
	s17 =	smov.u32 s14;
	v1 =	vld.msk [tilespmem:s15+$0x0 ss:$0x1], $0xffff;
	v5 =	vand.u32 $0xFFFFFC00, v4;
	v6 =	vand.u32 $0xFFFFFC00, v3  }
0x3c: {  	s18 =	sadd.s32 $0x10, s15;
	(ifvalue) =	ssetifvalue $0x7FFFFFFF;
	s15 =	sadd.s32 $0x10, s14;
	v2 =	vand.u32 $0x7F, v3;
	v4 =	vand.u32 $0x380, v4;
	v3 =	vadd.s32 v6, v5  }
.LBB2_3:
0x3d: {  	[tilespmem:s17], [sflag:$0x1] =	stream.indirect_vreg.gather [hbm4b:s2+s10], $0x1, v0, vm0, $0x4038;
	[tilespmem:$0x2C00] =	vst v63  }
0x3e: {  	s16 =	sadd.s32 $0x10, s16  }
0x3f: {  	v3 =	vor.u32 v4, v3;
	p0 =	slt.u32 s16, $0xAF0  }
.Ltmp3:
0x40: {  	v4 =	vshrl.u32 v1, $0xA;
	v5 =	vshll.u32 v1, $0x7;
	s17 =	smov.u32 s15;
	v0 =	vor.u32 v2, v3;
	v2 =	vmovc v1;
	v1 =	vld.msk [tilespmem:s18+$0x0 ss:$0x1], $0xffff;
	(pc) =	sbr.rel @p0 .LBB2_3-.Ltmp3, $4  }
0x41: {  	v3 =	vand.u32 $0x1FF80, v5;
	vm1 =	veq.s32 v2, $0x80000000;
	v2 =	vand.u32 $0x7F, v4  }
0x42: {  	v4 =	vsel vm1, $0xFFFFFFFF, v2;
	v5 =	vsel vm1, $0xFFFFFF80, v3  }
0x43: {  	v2 =	vand.u32 $0x7F, v4;
	v3 =	vand.u32 $0xFFFFFC00, v5;
	v4 =	vand.u32 $0xFFFFFC00, v4  }
0x44: {  	s15 =	sadd.s32 $0x10, s15;
	s18 =	sadd.s32 $0x10, s18;
	v3 =	vadd.s32 v4, v3;
	v4 =	vand.u32 $0x380, v5;
	(ifvalue) =	ssetifvalue $0x7FFFFFFF  }
.Ltmp4:
0x45: {  	_ = 	snop;
	(pc) =	sbr.rel .LBB2_4-.Ltmp4, $1  }
0x46: {  	_ =	sdelay $0x3  }
.LBB2_6:
0x47: {  	_ =	sfence.sel $0x180000  }
0x48: {  	s2 =	simm.s32 $0x2;
	[bflag:$0x0] =	sbarrier.arrive $0xFFFF  }
0x49: {  	s30 =	simm.s32 $0x3;
	[sflag:s2] =	ssyncpa.u1 $0x1  }
0x4a: {  	s31 =	simm.s32 $0x1;
	[sflag:s30] =	ssyncpa.u1 $0x1  }
0x4b: {  	[sflag:s31] =	ssyncpa.u1 $0x1  }
0x4c: {  	p0 =	sne.s32 s0, $0x0;
	_ =	strace $0x90000059  }
0x4d: {  	s0 =	sadd.s32 @!p0 $0x100000, s1;
	[bflag:$0x2] =	sbarrier.arrive $0xFFFF  }
0x4e: {  	[sflag:s0] =	ssyncadd.tile.s32 @!p0 $0x1;
	_ =	shalt  }
.Lfunc_end2:
_tile_overlayer_lowered:
.L_overlay_start_2:
0x4f: {  	(tag) =	ssettag $0x2  }
0x50: {  	s0 =	rddreg [dreg:$0x0];
	s2 =	stileid.u32  }
0x51: {  	s1 =	rddreg [dreg:$0x1];
	p0 =	sne.s32 s2, $0x0  }
0x52: {  	s3 =	rddreg [dreg:$0x2];
	[bflag:$0x3] =	sbarrier.arrive $0xFFFF;
	s2 =	simm.s32 @!p0 $0x1C01  }
0x53: {  	[timem:s3], [sflag:s2] =	dma.local @!p0 [hbm:s0], s1  }
0x54: {  	s0 =	simm.s32 @!p0 $0x1  }
0x55: {  	_ =	swait.ge @!p0 [sflag:s0], s1  }
0x56: {  	s1 =	ssub.s32 @!p0 $0x0, s1;
	[sflag:s0] =	ssyncset.done @!p0 $0x0  }
0x57: {  	[sflag:s0] =	ssyncadd.s32 @!p0 s1  }
0x58: {  	[bflag:$0x3] =	sbarrier.arrive $0xFFFF  }
0x59: {  	_ =	shalt  }

// kernel: gather_offload_async_start.8
scs
__scs_entry_jumppad:
0x0: {  	(pc) =	sbr.rel $0x88, $3  }
0x1: {  	(tag) =	ssettag $0x0;
	lr =	simm.s32 $0x1  }
0x2: {  	[smem:$0x3F9C] =	sst lr;
	_ =	strace $0xD0000000  }
0x3: {  	_ = 	snop  }
0x4: {  	_ = 	snop  }
0x5: {  	_ = 	snop  }
0x6: {  	_ = 	snop  }
0x7: {  	_ = 	snop  }
__scs_overlays_trampoline_lowered:
0x8: {  	[smem:$0x3FAB] =	sst s0  }
0x9: {  	[smem:$0x3FAC] =	sst s1  }
0xa: {  	[smem:$0x3FAD] =	sst s2  }
0xb: {  	[smem:$0x3FAE] =	sst s3  }
0xc: {  	[smem:$0x3FAF] =	sst s4  }
0xd: {  	[smem:$0x3FB0] =	sst s5  }
0xe: {  	[smem:$0x3FB1] =	sst s6  }
0xf: {  	[smem:$0x3FB2] =	sst s7  }
0x10: {  	[smem:$0x3FB3] =	sst s8  }
0x11: {  	[smem:$0x3FB4] =	sst s9;
	s0 =	simm.s32 @!p0 $0x0  }
0x12: {  	s1 =	sld [smem:$0x3F9A];
	s0 =	simm.s32 @p0 $0x1  }
0x13: {  	[smem:$0x3FB5] =	sst s0;
	s0 =	simm.s32 @!p1 $0x0  }
0x14: {  	s2 =	sld [smem:$0x3F99];
	s0 =	simm.s32 @p1 $0x1  }
0x15: {  	[smem:$0x3FB6] =	sst s0;
	s0 =	simm.s32 @!p2 $0x0  }
0x16: {  	s3 =	sld [smem:$0x3FDB];
	s0 =	simm.s32 @p2 $0x1  }
0x17: {  	s4 =	simm.s32 $0x1BF5;
	[smem:$0x3FB8] =	sst s0  }
0x18: {  	s0 =	sld [smem:$0x3F9B];
	_ =	swait.ge [sflag:s4], $0x0  }
0x19: {  	s7 =	sld [smem:$0x3F9C]  }
0x1a: {  	s8 =	sadd.s32 $0xFFFFE003, lr  }
0x1b: {  	s9 =	sadd.s32 $0xFFFFFEF7, lr;
	s5 =	simm.s32 $0xFFFFFFFF;
	p2 =	slt.u32 s8, $0xFFFFF086  }
0x1c: {  	p1 =	slt.u32 s9, $0xF7A;
	s5 =	simm.s32 @!p2 $0x0  }
0x1d: {  	s5 =	simm.s32 @p1 $0x1;
	p0 =	seq.s32 s7, s2  }
0x1e: {  	s7 =	smul.u32 @!p0 $0xF7A, s2;
	p2 =	seq.s32 @!p0 s5, $0x0  }
0x1f: {  	s9 =	smul.u32 $0xF7A, s1;
	s8 =	simm.s32 @!p0 $0x1BF5;
	p2 =	por !p2, p0  }
0x20: {  	[sflag:s8] =	ssyncset.s32 @!p0 $0xFFFFF086;
	s6 =	sadd.s32 @!p0 s3, s7;
	s7 =	simm.s32 @!p0 $0x108  }
0x21: {  	s3 =	sadd.s32 s3, s9;
	s6 =	sadd.s32 @!p0 $0x88, s6;
	s7 =	simm.s32 @p2 $0x1082  }
0x22: {  	[simem:s7], [sflag:s8] =	dma.local @!p0 [hbm:s6], $0xF7A  }
0x23: {  	s9 =	sor.u32 $0xD0000000, s2;
	s6 =	simm.s32 $0x108;
	_ =	swait.ge @!p0 [sflag:s8], $0x0  }
0x24: {  	s3 =	sadd.s32 $0x88, s3;
	s6 =	simm.s32 @!p1 $0x1082;
	[sflag:s4] =	ssyncset.s32 $0xFFFFF086  }
0x25: {  	[simem:s6], [sflag:s4] =	dma.local [hbm:s3], $0xF7A  }
0x26: {  	[smem:$0x3F9C] =	sst s1;
	(tag) =	ssettag s2;
	_ =	strace s9  }
0x27: {  	s1 =	sld [smem:$0x3FAC]  }
0x28: {  	s2 =	sld [smem:$0x3FAD]  }
0x29: {  	s4 =	sld [smem:$0x3FAF]  }
0x2a: {  	p0 =	seq.s32 s5, $0x0;
	s5 =	sld [smem:$0x3FB0]  }
0x2b: {  	s6 =	sld [smem:$0x3FB1]  }
0x2c: {  	s7 =	sld [smem:$0x3FB2]  }
0x2d: {  	s3 =	simm.s32 $0x108;
	s8 =	sld [smem:$0x3FB3]  }
0x2e: {  	s3 =	simm.s32 @!p0 $0x1082;
	s9 =	sld [smem:$0x3FB4]  }
0x2f: {  	lr =	sadd.s32 s0, s3;
	s0 =	sld [smem:$0x3FAB]  }
0x30: {  	s3 =	sld [smem:$0x3FAE]  }
0x31: {  	[smem:$0x3FB7] =	sst s10  }
0x32: {  	s10 =	sld [smem:$0x3FB5];
	_ =	sdelay $0x3  }
0x33: {  	p0 =	seq.s32 s10, $0x1;
	s10 =	sld [smem:$0x3FB7];
	_ =	sdelay $0x3  }
0x34: {  	[smem:$0x3FB7] =	sst s10  }
0x35: {  	s10 =	sld [smem:$0x3FB6];
	_ =	sdelay $0x3  }
0x36: {  	p1 =	seq.s32 s10, $0x1;
	s10 =	sld [smem:$0x3FB7];
	_ =	sdelay $0x3  }
0x37: {  	[smem:$0x3FB7] =	sst s10  }
0x38: {  	s10 =	sld [smem:$0x3FB8]  }
0x39: {  	_ = 	snop;
	(pc) =	sbr.ind lr, $3  }
0x3a: {  	_ = 	snop  }
0x3b: {  	_ = 	snop  }
0x3c: {  	p2 =	seq.s32 s10, $0x1;
	s10 =	sld [smem:$0x3FB7]  }
0x3d: {  	_ =	shalt  }
0x3e: {  	_ =	shalt  }
0x3f: {  	_ =	shalt  }
0x40: {  	_ =	shalt  }
0x41: {  	_ =	shalt  }
0x42: {  	_ =	shalt  }
0x43: {  	_ =	shalt  }
0x44: {  	_ =	shalt  }
0x45: {  	_ =	shalt  }
0x46: {  	_ =	shalt  }
0x47: {  	_ =	shalt  }
0x48: {  	_ =	shalt  }
0x49: {  	_ =	shalt  }
0x4a: {  	_ =	shalt  }
0x4b: {  	_ =	shalt  }
0x4c: {  	_ =	shalt  }
0x4d: {  	_ =	shalt  }
0x4e: {  	_ =	shalt  }
0x4f: {  	_ =	shalt  }
0x50: {  	_ =	shalt  }
0x51: {  	_ =	shalt  }
0x52: {  	_ =	shalt  }
0x53: {  	_ =	shalt  }
0x54: {  	_ =	shalt  }
0x55: {  	_ =	shalt  }
0x56: {  	_ =	shalt  }
0x57: {  	_ =	shalt  }
0x58: {  	_ =	shalt  }
0x59: {  	_ =	shalt  }
0x5a: {  	_ =	shalt  }
0x5b: {  	_ =	shalt  }
0x5c: {  	_ =	shalt  }
0x5d: {  	_ =	shalt  }
0x5e: {  	_ =	shalt  }
0x5f: {  	_ =	shalt  }
0x60: {  	_ =	shalt  }
0x61: {  	_ =	shalt  }
0x62: {  	_ =	shalt  }
0x63: {  	_ =	shalt  }
0x64: {  	_ =	shalt  }
0x65: {  	_ =	shalt  }
0x66: {  	_ =	shalt  }
0x67: {  	_ =	shalt  }
0x68: {  	_ =	shalt  }
0x69: {  	_ =	shalt  }
0x6a: {  	_ =	shalt  }
0x6b: {  	_ =	shalt  }
0x6c: {  	_ =	shalt  }
0x6d: {  	_ =	shalt  }
0x6e: {  	_ =	shalt  }
0x6f: {  	_ =	shalt  }
0x70: {  	_ =	shalt  }
0x71: {  	_ =	shalt  }
0x72: {  	_ =	shalt  }
0x73: {  	_ =	shalt  }
0x74: {  	_ =	shalt  }
0x75: {  	_ =	shalt  }
0x76: {  	_ =	shalt  }
0x77: {  	_ =	shalt  }
0x78: {  	_ =	shalt  }
0x79: {  	_ =	shalt  }
0x7a: {  	_ =	shalt  }
0x7b: {  	_ =	shalt  }
0x7c: {  	_ =	shalt  }
0x7d: {  	_ =	shalt  }
0x7e: {  	_ =	shalt  }
0x7f: {  	_ =	shalt  }
0x80: {  	_ =	shalt  }
0x81: {  	_ =	shalt  }
0x82: {  	_ =	shalt  }
0x83: {  	_ =	shalt  }
0x84: {  	_ =	shalt  }
0x85: {  	_ =	shalt  }
0x86: {  	_ =	shalt  }
0x87: {  	_ =	shalt  }
.Lfunc_end0:
.L_simem_size_0:
called_computation.9_lowered:
.L_overlay_start_0:
0x88: {  	s2 =	sld [smem:$0x3FD9]  }
0x89: {  	s3 =	sld [smem:$0x3FFE];
	_ =	sdelay $0x1  }
0x8a: {  	s1 =	srdreg.scid  }
0x8b: {  	s0 =	sand.u32 $0x1, s1  }
0x8c: {  	s16 =	sshll.u32 s0, $0xA;
	s2 =	sadd.s32 s3, s2  }
0x8d: {  	s2 =	sadd.s32 s2, s16  }
0x8e: {  	[smem:$0x3FC3] =	sst s2  }
0x8f: {  	_ = 	snop  }
0x90: {  	(tm) =	ssettm $0x1  }
0x91: {  	s17 =	sld [smem:$0x3FFB];
	_ =	sdelay $0x3  }
0x92: {  	_ =	strace s17  }
0x93: {  	s2 =	sld [smem:$0x3FFC];
	_ =	sdelay $0x3  }
0x94: {  	_ =	strace s2  }
0x95: {  	s2 =	sld [smem:$0x3FFD];
	_ =	sdelay $0x3  }
0x96: {  	_ =	strace s2  }
0x97: {  	_ =	strace $0x8FFFFFFF  }
0x98: {  	s18 =	sld [smem:$0x3FDB];
	_ =	sdelay $0x1  }
0x99: {  	s19 =	simm.s32 $_scs_section_size  }
0x9a: {  	s4 =	simm.s32 $_size__tile_overlayer_lowered;
	s5 =	simm.s32 $_tile_overlayer_lowered  }
0x9b: {  	s22 =	simm.s32 $0x1BFF;
	s21 =	sshll.u32 s5, $0x1;
	s2 =	sadd.s32 s19, s18  }
0x9c: {  	s6 =	simm.s32 $0x0;
	s20 =	sshll.u32 s4, $0x1;
	s4 =	sadd.s32 s21, s2  }
0x9d: {  	[timem:s6], [sflag:s22] =	dma.local [hbm:s4], s20  }
0x9e: {  	_ =	swait.ge [sflag:s22], s20  }
0x9f: {  	s3 =	ssub.s32 $0x0, s20;
	[sflag:s22] =	ssyncset.done $0x0  }
0xa0: {  	[sflag:s22] =	ssyncadd.s32 s3;
	_ =	sdelay $0x1  }
0xa1: {  	s23 =	simm.s32 $0x1B8B  }
0xa2: {  	_ =	swait.ge [sflag:s23], $0x1  }
0xa3: {  	[sflag:s23] =	ssyncset.done $0x0  }
0xa4: {  	s25 =	simm.s32 $0x1B8E;
	s24 =	sld [smem:$0x3FFE];
	[sflag:s23] =	ssyncadd.s32 $0xFFFFFFFF  }
0xa5: {  	s26 =	simm.s32 $execute0_lowered;
	[smem:$0x3FD2] =	sst s25  }
0xa6: {  	s4 =	sshll.u32 s26, $0x1;
	_ =	strace $0x80000055;
	[dreg:$0x1] =	wrdreg $0xFFFFFFFF  }
0xa7: {  	s28 =	simm.s32 $_size_execute0_lowered;
	s2 =	sadd.s32 s2, s4;
	[dreg:$0x0] =	wrdreg $0x0  }
0xa8: {  	s4 =	sshll.u32 s28, $0x1;
	[dreg:$0x2] =	wrdreg s2  }
0xa9: {  	[dreg:$0x3] =	wrdreg s4  }
0xaa: {  	[dreg:$0x4] =	wrdreg $0xC0  }
0xab: {  	_ =	task [dreg:s6], $0x5FFFF  }
0xac: {  	[dreg:$0x1] =	wrdreg $0xFFFFFFFF  }
0xad: {  	[dreg:$0x0] =	wrdreg $0x60  }
0xae: {  	[dreg:$0x2] =	wrdreg s24  }
0xaf: {  	[dreg:$0x3] =	wrdreg $0x9  }
0xb0: {  	_ =	task.clear_ibuf [dreg:s6], $0x4FFFF;
	_ =	strace $0x90000055  }
0xb1: {  	s29 =	simm.s32 $0x9;
	_ =	strace $0x80000057  }
0xb2: {  	_ =	swait.ge [sflag:s29], $0x1  }
0xb3: {  	[sflag:s29] =	ssyncadd.s32 $0xFFFFFFFF  }
0xb4: {  	_ =	strace $0x90000057  }
0xb5: {  	_ =	sfence  }
0xb6: {  	s30 =	sld [smem:$0x0];
	_ =	sdelay $0x2  }
0xb7: {  	s31 =	sshll.u32 s1, $0xD;
	s1 =	sshrl.u32 s1, $0x2  }
0xb8: {  	s3 =	sand.u32 $0x4000, s31;
	s1 =	sadd.s32 s1, s30  }
0xb9: {  	s0 =	sor.u32 s3, s0;
	s1 =	sshll.u32 s1, $0x11  }
0xba: {  	s0 =	sor.u32 s1, s0  }
0xbb: {  	s0 =	sadd.s32 $0x8F2B, s0  }
0xbc: {  	[sflag:s0] =	ssyncadd.remote.s32 $0x1  }
0xbd: {  	_ =	sfence.sel $0xFFFF  }
0xbe: {  	[dreg:$0x0] =	wrdreg $0xFFFFFFFF;
	(pc) =	sbr.abs _section_cstart, $3  }
0xbf: {  	[dreg:$0x1] =	wrdreg $0xFFFFFFFF  }
0xc0: {  	_ =	task.clear_ibuf [dreg:s6], $0x2FFFF;
	_ =	strace $0x9FFFFFFF  }
0xc1: {  	(tm) =	ssettm $0x7FFFFFFF  }
tec
execute0_lowered:
.L_overlay_start_1:
0x0: {  	(tag) =	ssettag $0x1  }
0x1: {  	s8 =	rddreg [dreg:$0x0];
	s1 =	stileid.u32  }
0x2: {  	s2 =	srdreg.scid;
	s0 =	rddreg [dreg:$0x1]  }
0x3: {  	_ =	strace $0x80000056;
	s5 =	simm.s32 $0x1;
	s9 =	simm.s32 $0x1  }
0x4: {  	s10 =	simm.s32 $0x3;
	s2 =	sand.u32 $0x1, s2;
	s3 =	sshll.u32 s1, $0x1  }
0x5: {  	s13 =	simm.s32 $0x0;
	s12 =	simm.s32 $0x0;
	s6 =	sor.u32 s3, s2  }
0x6: {  	[sflag:s5] =	ssyncpa.u1 $0x0;
	s2 =	sadd.s32 $0x7800, s8;
	s4 =	smul.u32 $0xB00, s6  }
0x7: {  	s3 =	sadd.s32 $0xF000, s8;
	p0 =	slt.u32 s6, $0x9;
	s6 =	simm.s32 $0x16000  }
.Ltmp0:
0x8: {  	s6 =	simm.s32 @!p0 $0x0;
	s7 =	ssub.s32 $0x1B800, s4;
	(pc) =	sbr.rel .LBB2_1-.Ltmp0, $4  }
0x9: {  	s9 =	simm.s32 @!p0 $0x0;
	p0 =	sne.s32 s7, s6;
	s7 =	simm.s32 $0x1  }
0xa: {  	s8 =	sadd.s32 $0x12800, s8;
	s6 =	simm.s32 $0x2;
	s7 =	simm.s32 @!p0 $0x0  }
0xb: {  	s11 =	smov.u32 s4;
	[sflag:s6] =	ssyncpa.u1 $0x0;
	s7 =	sadd.s32 s9, s7  }
0xc: {  	vm0 =	vmmov $0xffff;
	[sflag:s10] =	ssyncpa.u1 $0x0;
	s10 =	simm.s32 $0x0;
	s9 =	sadd.s32 $0x1, s7  }
.LBB2_4:
0xd: {  	vm1 =	veq.s32 v0, $0x80000000;
	v63 =	vand.u32 $0x3FF, v0;
	v2 =	vand.u32 $0x7F, v2  }
0xe: {  	v0 =	vsel vm1, $0xFFFFFFFF, v63;
	v2 =	vsel vm1, $0xFFFFFFFF, v2  }
0xf: {  	v3 =	vshll.u32 v2, $0xA;
	v4 =	vshll.u32 v0, $0x3  }
0x10: {  	v2 =	vshll.u32 v2, $0x7;
	v3 =	vand.u32 $0xFFFFE000, v3;
	v4 =	vand.u32 $0xFFFFFC00, v4  }
0x11: {  	v2 =	vand.u32 $0x380, v2;
	v3 =	vadd.s32 v4, v3  }
0x12: {  	v0 =	vand.u32 $0x7F, v0;
	v2 =	vor.u32 v2, v3  }
0x13: {  	v0 =	vor.u32 v0, v2;
	_ =	sdelay $0x1  }
0x14: {  	(ifvalue) =	ssetifvalue $0x7FFFFFFF;
	s15 =	sadd.s32 $0x10, s15  }
0x15: {  	[tilespmem:s15], [sflag:$0x1] =	stream.indirect_vreg.gather [hbm4b:s2+s10], $0x1, v1, vm0, $0x4038;
	[tilespmem:$0x2C00] =	vst v63  }
0x16: {  	(ifvalue) =	ssetifvalue $0x7FFFFFFF;
	s15 =	sadd.s32 $0x10, s15  }
0x17: {  	[tilespmem:s15], [sflag:$0x1] =	stream.indirect_vreg.gather [hbm4b:s2+s10], $0x1, v0, vm0, $0x4038;
	[tilespmem:$0x2C00] =	vst v63  }
0x18: {  	_ =	swait.ge [sflag:s5], $0xB00  }
0x19: {  	s30 =	sshrl.u32 s13, $0x3;
	[sflag:s5] =	ssyncset.done $0x0  }
0x1a: {  	s31 =	sand.u32 $0x7, s13;
	s15 =	sadd.s32 s8, s30;
	[sflag:s5] =	ssyncadd.s32 $0xFFFFF500  }
0x1b: {  	[hbm4b:s15+s31] =	stream.linear.scatter [tilespmem:s14], [sflag:$0x3], $0xB00, $0x38;
	[tilespmem:$0x2C00] =	vst v63  }
.LBB2_5:
0x1c: {  	s15 =	sadd.s32 $0x16000, s11  }
0x1d: {  	p1 =	sgt.s32 s15, $0x1B7FF  }
0x1e: {  	s15 =	smov.u32 @p1 s4;
	p1 =	sne.s32 s12, s9  }
.Ltmp1:
0x1f: {  	p0 =	slt.u32 s12, $0x2;
	(pc) =	sbr.rel @!p1 .LBB2_6-.Ltmp1, $4  }
0x20: {  	s14 =	simm.s32 @!p0 $0x3  }
0x21: {  	_ =	swait.ge @!p0 [sflag:s14], $0xB00  }
0x22: {  	s16 =	sadd.s32 $0x1, s12;
	s13 =	smov.u32 s11;
	[sflag:s14] =	ssyncset.done @!p0 $0x0  }
0x23: {  	s12 =	smov.u32 s16;
	s11 =	smov.u32 s15;
	[sflag:s14] =	ssyncadd.s32 @!p0 $0xFFFFF500  }
.LBB2_1:
0x24: {  	p0 =	sge.u32 s12, s7  }
0x25: {  	s14 =	sxor.u32 @!p0 $0x1, s12  }
0x26: {  	s14 =	smul.u32 @!p0 $0x2C00, s14  }
0x27: {  	s31 =	sadd.s32 $0xFFFFFFFF, s12;
	s15 =	sshrl.u32 @!p0 s11, $0x3  }
0x28: {  	s16 =	sand.u32 @!p0 $0x7, s11;
	s15 =	sadd.s32 @!p0 s3, s15;
	s14 =	sshra.s32 @!p0 s14, $0x2  }
0x29: {  	[tilespmem:s14], [sflag:$0x2] =	stream.linear.gather @!p0 [hbm4b:s15+s16], $0xB00, $0x38;
	[tilespmem:$0x2C00] =	vst v63  }
0x2a: {  	p0 =	sge.u32 s31, s7  }
.Ltmp2:
0x2b: {  	_ = 	snop;
	(pc) =	sbr.rel @p0 .LBB2_5-.Ltmp2, $1  }
0x2c: {  	_ =	sdelay $0x3  }
0x2d: {  	s14 =	sand.u32 $0x1, s12  }
0x2e: {  	_ =	swait.ge [sflag:s6], $0xB00;
	p0 =	seq.s32 s14, $0x1;
	s14 =	simm.s32 $0xB00  }
0x2f: {  	[sflag:s6] =	ssyncset.done $0x0;
	s14 =	simm.s32 @!p0 $0x0  }
0x30: {  	[sflag:s6] =	ssyncadd.s32 $0xFFFFF500;
	(ifvalue) =	ssetifvalue $0x7FFFFFFF;
	v0 =	vld.msk [tilespmem:s14+$0x0 ss:$0x1], $0xffff;
	_ =	sdelay $0x4  }
0x31: {  	s15 =	sadd.s32 $0x10, s14;
	v1 =	vshrl.u32 v0, $0xA  }
0x32: {  	v2 =	vld.msk [tilespmem:s15+$0x0 ss:$0x1], $0xffff;
	vm1 =	veq.s32 v0, $0x80000000;
	v0 =	vand.u32 $0x3FF, v0;
	v1 =	vand.u32 $0x7F, v1  }
0x33: {  	v0 =	vsel vm1, $0xFFFFFFFF, v0;
	v1 =	vsel vm1, $0xFFFFFFFF, v1  }
0x34: {  	v4 =	vshll.u32 v0, $0x3;
	v3 =	vshll.u32 v1, $0xA  }
0x35: {  	v4 =	vand.u32 $0xFFFFFC00, v4;
	v1 =	vshll.u32 v1, $0x7;
	v3 =	vand.u32 $0xFFFFE000, v3  }
0x36: {  	v0 =	vand.u32 $0x7F, v0;
	v1 =	vand.u32 $0x380, v1;
	v3 =	vadd.s32 v4, v3  }
0x37: {  	vm1 =	veq.s32 v2, $0x80000000;
	v1 =	vor.u32 v1, v3;
	v3 =	vshrl.u32 v2, $0xA  }
0x38: {  	s15 =	sadd.s32 $0x10, s15;
	v2 =	vand.u32 $0x3FF, v2;
	v1 =	vor.u32 v0, v1;
	v3 =	vand.u32 $0x7F, v3  }
0x39: {  	v0 =	vld.msk [tilespmem:s15+$0x0 ss:$0x1], $0xffff;
	v2 =	vsel vm1, $0xFFFFFFFF, v2;
	v3 =	vsel vm1, $0xFFFFFFFF, v3  }
0x3a: {  	v5 =	vshll.u32 v2, $0x3;
	v63 =	vshll.u32 v3, $0xA  }
0x3b: {  	v5 =	vand.u32 $0xFFFFFC00, v5;
	v3 =	vshll.u32 v3, $0x7;
	v4 =	vand.u32 $0xFFFFE000, v63  }
0x3c: {  	s14 =	sadd.s32 $0x1600, s14;
	(ifvalue) =	ssetifvalue $0x7FFFFFFF;
	v3 =	vand.u32 $0x380, v3;
	v4 =	vadd.s32 v5, v4  }
0x3d: {  	[tilespmem:s14], [sflag:$0x1] =	stream.indirect_vreg.gather [hbm4b:s2+s10], $0x1, v1, vm0, $0x4038;
	v1 =	vand.u32 $0x7F, v2;
	v3 =	vor.u32 v3, v4;
	[tilespmem:$0x2C00] =	vst v63  }
0x3e: {  	s16 =	simm.s32 $0x20;
	s17 =	sadd.s32 $0x10, s15;
	s15 =	smov.u32 s14;
	v2 =	vshrl.u32 v0, $0xA;
	v1 =	vor.u32 v1, v3  }
.LBB2_3:
0x3f: {  	s16 =	sadd.s32 $0x10, s16;
	vm1 =	veq.s32 v0, $0x80000000;
	v3 =	vand.u32 $0x3FF, v0;
	v0 =	vld.msk [tilespmem:s17+$0x0 ss:$0x1], $0xffff;
	v2 =	vand.u32 $0x7F, v2  }
0x40: {  	p0 =	slt.u32 s16, $0xAF0;
	v3 =	vsel vm1, $0xFFFFFFFF, v3;
	v2 =	vsel vm1, $0xFFFFFFFF, v2  }
.Ltmp3:
0x41: {  	v4 =	vshll.u32 v2, $0xA;
	v5 =	vshll.u32 v3, $0x3;
	(pc) =	sbr.rel @p0 .LBB2_3-.Ltmp3, $4  }
0x42: {  	s15 =	sadd.s32 $0x10, s15;
	v2 =	vshll.u32 v2, $0x7;
	v4 =	vand.u32 $0xFFFFE000, v4;
	v5 =	vand.u32 $0xFFFFFC00, v5;
	(ifvalue) =	ssetifvalue $0x7FFFFFFF  }
0x43: {  	v2 =	vand.u32 $0x380, v2;
	v4 =	vadd.s32 v5, v4;
	[tilespmem:s15], [sflag:$0x1] =	stream.indirect_vreg.gather [hbm4b:s2+s10], $0x1, v1, vm0, $0x4038;
	[tilespmem:$0x2C00] =	vst v63  }
0x44: {  	v1 =	vand.u32 $0x7F, v3;
	v3 =	vor.u32 v2, v4  }
0x45: {  	s17 =	sadd.s32 $0x10, s17;
	v2 =	vshrl.u32 v0, $0xA;
	v1 =	vor.u32 v1, v3  }
.Ltmp4:
0x46: {  	_ = 	snop;
	(pc) =	sbr.rel .LBB2_4-.Ltmp4, $1  }
0x47: {  	_ =	sdelay $0x3  }
.LBB2_6:
0x48: {  	_ =	sfence.sel $0x180000  }
0x49: {  	s2 =	simm.s32 $0x2;
	[bflag:$0x0] =	sbarrier.arrive $0xFFFF  }
0x4a: {  	s30 =	simm.s32 $0x3;
	[sflag:s2] =	ssyncpa.u1 $0x1  }
0x4b: {  	s31 =	simm.s32 $0x1;
	[sflag:s30] =	ssyncpa.u1 $0x1  }
0x4c: {  	[sflag:s31] =	ssyncpa.u1 $0x1  }
0x4d: {  	p0 =	sne.s32 s1, $0x0;
	_ =	strace $0x90000056  }
0x4e: {  	s0 =	sadd.s32 @!p0 $0x100000, s0;
	[bflag:$0x2] =	sbarrier.arrive $0xFFFF  }
0x4f: {  	[sflag:s0] =	ssyncadd.tile.s32 @!p0 $0x1;
	_ =	shalt  }
.Lfunc_end2:
_tile_overlayer_lowered:
.L_overlay_start_2:
0x50: {  	(tag) =	ssettag $0x2  }
0x51: {  	s0 =	rddreg [dreg:$0x0];
	s2 =	stileid.u32  }
0x52: {  	s1 =	rddreg [dreg:$0x1];
	p0 =	sne.s32 s2, $0x0  }
0x53: {  	s3 =	rddreg [dreg:$0x2];
	[bflag:$0x3] =	sbarrier.arrive $0xFFFF;
	s2 =	simm.s32 @!p0 $0x1C01  }
0x54: {  	[timem:s3], [sflag:s2] =	dma.local @!p0 [hbm:s0], s1  }
0x55: {  	s0 =	simm.s32 @!p0 $0x1  }
0x56: {  	_ =	swait.ge @!p0 [sflag:s0], s1  }
0x57: {  	s1 =	ssub.s32 @!p0 $0x0, s1;
	[sflag:s0] =	ssyncset.done @!p0 $0x0  }
0x58: {  	[sflag:s0] =	ssyncadd.s32 @!p0 s1  }
0x59: {  	[bflag:$0x3] =	sbarrier.arrive $0xFFFF  }
0x5a: {  	_ =	shalt  }

// kernel: gather_offload_async_start
scs
__scs_entry_jumppad:
0x0: {  	(pc) =	sbr.rel $0x88, $3  }
0x1: {  	(tag) =	ssettag $0x0;
	lr =	simm.s32 $0x1  }
0x2: {  	[smem:$0x3F9C] =	sst lr;
	_ =	strace $0xD0000000  }
0x3: {  	_ = 	snop  }
0x4: {  	_ = 	snop  }
0x5: {  	_ = 	snop  }
0x6: {  	_ = 	snop  }
0x7: {  	_ = 	snop  }
__scs_overlays_trampoline_lowered:
0x8: {  	[smem:$0x3FAB] =	sst s0  }
0x9: {  	[smem:$0x3FAC] =	sst s1  }
0xa: {  	[smem:$0x3FAD] =	sst s2  }
0xb: {  	[smem:$0x3FAE] =	sst s3  }
0xc: {  	[smem:$0x3FAF] =	sst s4  }
0xd: {  	[smem:$0x3FB0] =	sst s5  }
0xe: {  	[smem:$0x3FB1] =	sst s6  }
0xf: {  	[smem:$0x3FB2] =	sst s7  }
0x10: {  	[smem:$0x3FB3] =	sst s8  }
0x11: {  	[smem:$0x3FB4] =	sst s9;
	s0 =	simm.s32 @!p0 $0x0  }
0x12: {  	s1 =	sld [smem:$0x3F9A];
	s0 =	simm.s32 @p0 $0x1  }
0x13: {  	[smem:$0x3FB5] =	sst s0;
	s0 =	simm.s32 @!p1 $0x0  }
0x14: {  	s2 =	sld [smem:$0x3F99];
	s0 =	simm.s32 @p1 $0x1  }
0x15: {  	[smem:$0x3FB6] =	sst s0;
	s0 =	simm.s32 @!p2 $0x0  }
0x16: {  	s3 =	sld [smem:$0x3FDB];
	s0 =	simm.s32 @p2 $0x1  }
0x17: {  	s4 =	simm.s32 $0x1BF5;
	[smem:$0x3FB8] =	sst s0  }
0x18: {  	s0 =	sld [smem:$0x3F9B];
	_ =	swait.ge [sflag:s4], $0x0  }
0x19: {  	s7 =	sld [smem:$0x3F9C]  }
0x1a: {  	s8 =	sadd.s32 $0xFFFFE003, lr  }
0x1b: {  	s9 =	sadd.s32 $0xFFFFFEF7, lr;
	s5 =	simm.s32 $0xFFFFFFFF;
	p2 =	slt.u32 s8, $0xFFFFF086  }
0x1c: {  	p1 =	slt.u32 s9, $0xF7A;
	s5 =	simm.s32 @!p2 $0x0  }
0x1d: {  	s5 =	simm.s32 @p1 $0x1;
	p0 =	seq.s32 s7, s2  }
0x1e: {  	s7 =	smul.u32 @!p0 $0xF7A, s2;
	p2 =	seq.s32 @!p0 s5, $0x0  }
0x1f: {  	s9 =	smul.u32 $0xF7A, s1;
	s8 =	simm.s32 @!p0 $0x1BF5;
	p2 =	por !p2, p0  }
0x20: {  	[sflag:s8] =	ssyncset.s32 @!p0 $0xFFFFF086;
	s6 =	sadd.s32 @!p0 s3, s7;
	s7 =	simm.s32 @!p0 $0x108  }
0x21: {  	s3 =	sadd.s32 s3, s9;
	s6 =	sadd.s32 @!p0 $0x88, s6;
	s7 =	simm.s32 @p2 $0x1082  }
0x22: {  	[simem:s7], [sflag:s8] =	dma.local @!p0 [hbm:s6], $0xF7A  }
0x23: {  	s9 =	sor.u32 $0xD0000000, s2;
	s6 =	simm.s32 $0x108;
	_ =	swait.ge @!p0 [sflag:s8], $0x0  }
0x24: {  	s3 =	sadd.s32 $0x88, s3;
	s6 =	simm.s32 @!p1 $0x1082;
	[sflag:s4] =	ssyncset.s32 $0xFFFFF086  }
0x25: {  	[simem:s6], [sflag:s4] =	dma.local [hbm:s3], $0xF7A  }
0x26: {  	[smem:$0x3F9C] =	sst s1;
	(tag) =	ssettag s2;
	_ =	strace s9  }
0x27: {  	s1 =	sld [smem:$0x3FAC]  }
0x28: {  	s2 =	sld [smem:$0x3FAD]  }
0x29: {  	s4 =	sld [smem:$0x3FAF]  }
0x2a: {  	p0 =	seq.s32 s5, $0x0;
	s5 =	sld [smem:$0x3FB0]  }
0x2b: {  	s6 =	sld [smem:$0x3FB1]  }
0x2c: {  	s7 =	sld [smem:$0x3FB2]  }
0x2d: {  	s3 =	simm.s32 $0x108;
	s8 =	sld [smem:$0x3FB3]  }
0x2e: {  	s3 =	simm.s32 @!p0 $0x1082;
	s9 =	sld [smem:$0x3FB4]  }
0x2f: {  	lr =	sadd.s32 s0, s3;
	s0 =	sld [smem:$0x3FAB]  }
0x30: {  	s3 =	sld [smem:$0x3FAE]  }
0x31: {  	[smem:$0x3FB7] =	sst s10  }
0x32: {  	s10 =	sld [smem:$0x3FB5];
	_ =	sdelay $0x3  }
0x33: {  	p0 =	seq.s32 s10, $0x1;
	s10 =	sld [smem:$0x3FB7];
	_ =	sdelay $0x3  }
0x34: {  	[smem:$0x3FB7] =	sst s10  }
0x35: {  	s10 =	sld [smem:$0x3FB6];
	_ =	sdelay $0x3  }
0x36: {  	p1 =	seq.s32 s10, $0x1;
	s10 =	sld [smem:$0x3FB7];
	_ =	sdelay $0x3  }
0x37: {  	[smem:$0x3FB7] =	sst s10  }
0x38: {  	s10 =	sld [smem:$0x3FB8]  }
0x39: {  	_ = 	snop;
	(pc) =	sbr.ind lr, $3  }
0x3a: {  	_ = 	snop  }
0x3b: {  	_ = 	snop  }
0x3c: {  	p2 =	seq.s32 s10, $0x1;
	s10 =	sld [smem:$0x3FB7]  }
0x3d: {  	_ =	shalt  }
0x3e: {  	_ =	shalt  }
0x3f: {  	_ =	shalt  }
0x40: {  	_ =	shalt  }
0x41: {  	_ =	shalt  }
0x42: {  	_ =	shalt  }
0x43: {  	_ =	shalt  }
0x44: {  	_ =	shalt  }
0x45: {  	_ =	shalt  }
0x46: {  	_ =	shalt  }
0x47: {  	_ =	shalt  }
0x48: {  	_ =	shalt  }
0x49: {  	_ =	shalt  }
0x4a: {  	_ =	shalt  }
0x4b: {  	_ =	shalt  }
0x4c: {  	_ =	shalt  }
0x4d: {  	_ =	shalt  }
0x4e: {  	_ =	shalt  }
0x4f: {  	_ =	shalt  }
0x50: {  	_ =	shalt  }
0x51: {  	_ =	shalt  }
0x52: {  	_ =	shalt  }
0x53: {  	_ =	shalt  }
0x54: {  	_ =	shalt  }
0x55: {  	_ =	shalt  }
0x56: {  	_ =	shalt  }
0x57: {  	_ =	shalt  }
0x58: {  	_ =	shalt  }
0x59: {  	_ =	shalt  }
0x5a: {  	_ =	shalt  }
0x5b: {  	_ =	shalt  }
0x5c: {  	_ =	shalt  }
0x5d: {  	_ =	shalt  }
0x5e: {  	_ =	shalt  }
0x5f: {  	_ =	shalt  }
0x60: {  	_ =	shalt  }
0x61: {  	_ =	shalt  }
0x62: {  	_ =	shalt  }
0x63: {  	_ =	shalt  }
0x64: {  	_ =	shalt  }
0x65: {  	_ =	shalt  }
0x66: {  	_ =	shalt  }
0x67: {  	_ =	shalt  }
0x68: {  	_ =	shalt  }
0x69: {  	_ =	shalt  }
0x6a: {  	_ =	shalt  }
0x6b: {  	_ =	shalt  }
0x6c: {  	_ =	shalt  }
0x6d: {  	_ =	shalt  }
0x6e: {  	_ =	shalt  }
0x6f: {  	_ =	shalt  }
0x70: {  	_ =	shalt  }
0x71: {  	_ =	shalt  }
0x72: {  	_ =	shalt  }
0x73: {  	_ =	shalt  }
0x74: {  	_ =	shalt  }
0x75: {  	_ =	shalt  }
0x76: {  	_ =	shalt  }
0x77: {  	_ =	shalt  }
0x78: {  	_ =	shalt  }
0x79: {  	_ =	shalt  }
0x7a: {  	_ =	shalt  }
0x7b: {  	_ =	shalt  }
0x7c: {  	_ =	shalt  }
0x7d: {  	_ =	shalt  }
0x7e: {  	_ =	shalt  }
0x7f: {  	_ =	shalt  }
0x80: {  	_ =	shalt  }
0x81: {  	_ =	shalt  }
0x82: {  	_ =	shalt  }
0x83: {  	_ =	shalt  }
0x84: {  	_ =	shalt  }
0x85: {  	_ =	shalt  }
0x86: {  	_ =	shalt  }
0x87: {  	_ =	shalt  }
.Lfunc_end0:
.L_simem_size_0:
called_computation.1_lowered:
.L_overlay_start_0:
0x88: {  	s2 =	sld [smem:$0x3FD9]  }
0x89: {  	s3 =	sld [smem:$0x3FFE];
	_ =	sdelay $0x1  }
0x8a: {  	s1 =	srdreg.scid  }
0x8b: {  	s0 =	sand.u32 $0x1, s1  }
0x8c: {  	s14 =	sshll.u32 s0, $0xA;
	s2 =	sadd.s32 s3, s2  }
0x8d: {  	s2 =	sadd.s32 s2, s14  }
0x8e: {  	[smem:$0x3FC3] =	sst s2  }
0x8f: {  	_ = 	snop  }
0x90: {  	s2 =	sld [smem:$0x3FD0];
	_ =	sdelay $0x2  }
0x91: {  	s15 =	simm.s32 $0xA;
	s4 =	simm.s32 $0x10  }
0x92: {  	[smem:s4], [sflag:s15] =	dma.local [hbm:s2], $0x1  }
0x93: {  	_ =	swait.eq [sflag:s15], $0x1  }
0x94: {  	[sflag:s15] =	ssyncset.done $0x0  }
0x95: {  	[sflag:s15] =	ssyncadd.s32 $0xFFFFFFFF  }
0x96: {  	s16 =	sld [smem:$0x10];
	(tm) =	ssettm $0x1  }
0x97: {  	s17 =	sld [smem:$0x3FFB];
	_ =	sdelay $0x3  }
0x98: {  	_ =	strace s17  }
0x99: {  	s3 =	sld [smem:$0x3FFC];
	_ =	sdelay $0x3  }
0x9a: {  	_ =	strace s3  }
0x9b: {  	s3 =	sld [smem:$0x3FFD];
	_ =	sdelay $0x3  }
0x9c: {  	_ =	strace s3  }
0x9d: {  	_ =	strace $0x8FFFFFFF  }
0x9e: {  	s18 =	sld [smem:$0x3FDB];
	_ =	sdelay $0x1  }
0x9f: {  	s19 =	simm.s32 $_scs_section_size  }
0xa0: {  	s5 =	simm.s32 $_size__tile_overlayer_lowered;
	s6 =	simm.s32 $_tile_overlayer_lowered  }
0xa1: {  	s22 =	simm.s32 $0x1BFF;
	s21 =	sshll.u32 s6, $0x1;
	s3 =	sadd.s32 s19, s18  }
0xa2: {  	s7 =	simm.s32 $0x0;
	s20 =	sshll.u32 s5, $0x1;
	s5 =	sadd.s32 s21, s3  }
0xa3: {  	[timem:s7], [sflag:s22] =	dma.local [hbm:s5], s20  }
0xa4: {  	_ =	swait.ge [sflag:s22], s20  }
0xa5: {  	s4 =	ssub.s32 $0x0, s20;
	[sflag:s22] =	ssyncset.done $0x0  }
0xa6: {  	[sflag:s22] =	ssyncadd.s32 s4;
	_ =	sdelay $0x1  }
0xa7: {  	s23 =	simm.s32 $0x1B8B  }
0xa8: {  	_ =	swait.ge [sflag:s23], $0x1  }
0xa9: {  	[sflag:s23] =	ssyncset.done $0x0  }
0xaa: {  	s25 =	simm.s32 $0x1B8E;
	s24 =	sld [smem:$0x3FFE];
	[sflag:s23] =	ssyncadd.s32 $0xFFFFFFFF  }
0xab: {  	s26 =	simm.s32 $execute0_lowered;
	[smem:$0x3FD2] =	sst s25  }
0xac: {  	s5 =	sshll.u32 s26, $0x1;
	_ =	strace $0x8000005B;
	[dreg:$0x1] =	wrdreg $0xFFFFFFFF  }
0xad: {  	s28 =	simm.s32 $_size_execute0_lowered;
	s3 =	sadd.s32 s3, s5;
	[dreg:$0x0] =	wrdreg $0x0  }
0xae: {  	s5 =	sshll.u32 s28, $0x1;
	[dreg:$0x2] =	wrdreg s3  }
0xaf: {  	[dreg:$0x3] =	wrdreg s5  }
0xb0: {  	[dreg:$0x4] =	wrdreg $0xC0  }
0xb1: {  	_ =	task [dreg:s7], $0x5FFFF  }
0xb2: {  	[dreg:$0x1] =	wrdreg $0xFFFFFFFF  }
0xb3: {  	[dreg:$0x0] =	wrdreg $0x60  }
0xb4: {  	[dreg:$0x2] =	wrdreg s16  }
0xb5: {  	[dreg:$0x3] =	wrdreg s24  }
0xb6: {  	[dreg:$0x4] =	wrdreg $0x9  }
0xb7: {  	_ =	task.clear_ibuf [dreg:s7], $0x5FFFF;
	_ =	strace $0x9000005B  }
0xb8: {  	s29 =	simm.s32 $0x9;
	_ =	strace $0x8000005D  }
0xb9: {  	_ =	swait.ge [sflag:s29], $0x1  }
0xba: {  	[sflag:s29] =	ssyncadd.s32 $0xFFFFFFFF  }
0xbb: {  	_ =	strace $0x9000005D  }
0xbc: {  	_ =	sfence  }
0xbd: {  	s30 =	sld [smem:$0x0];
	_ =	sdelay $0x2  }
0xbe: {  	s31 =	sshll.u32 s1, $0xD;
	s1 =	sshrl.u32 s1, $0x2  }
0xbf: {  	s3 =	sand.u32 $0x4000, s31;
	s1 =	sadd.s32 s1, s30  }
0xc0: {  	s0 =	sor.u32 s3, s0;
	s1 =	sshll.u32 s1, $0x11  }
0xc1: {  	s0 =	sor.u32 s1, s0  }
0xc2: {  	s0 =	sadd.s32 $0x8F2B, s0  }
0xc3: {  	[sflag:s0] =	ssyncadd.remote.s32 $0x1  }
0xc4: {  	_ =	sfence.sel $0xFFFF  }
0xc5: {  	[dreg:$0x0] =	wrdreg $0xFFFFFFFF;
	(pc) =	sbr.abs _section_cstart, $3  }
0xc6: {  	[dreg:$0x1] =	wrdreg $0xFFFFFFFF  }
0xc7: {  	_ =	task.clear_ibuf [dreg:s7], $0x2FFFF;
	_ =	strace $0x9FFFFFFF  }
0xc8: {  	(tm) =	ssettm $0x7FFFFFFF  }
0xc9: {  	_ =	shalt  }
tec
execute0_lowered:
.L_overlay_start_1:
0x0: {  	(tag) =	ssettag $0x1  }
0x1: {  	s2 =	rddreg [dreg:$0x0];
	s0 =	stileid.u32  }
0x2: {  	s1 =	srdreg.scid;
	s8 =	rddreg [dreg:$0x1]  }
0x3: {  	s5 =	simm.s32 $0x1;
	s9 =	simm.s32 $0x1;
	s10 =	simm.s32 $0x3  }
0x4: {  	s13 =	simm.s32 $0x0;
	s3 =	sand.u32 $0x1, s1;
	s4 =	sshll.u32 s0, $0x1  }
0x5: {  	s12 =	simm.s32 $0x0;
	s1 =	rddreg [dreg:$0x2];
	s6 =	sor.u32 s4, s3  }
0x6: {  	_ =	strace $0x8000005C;
	s3 =	sadd.s32 $0xB800, s8;
	s4 =	smul.u32 $0xB00, s6  }
0x7: {  	[sflag:s5] =	ssyncpa.u1 $0x0;
	p0 =	slt.u32 s6, $0x9;
	s6 =	simm.s32 $0x16000  }
.Ltmp0:
0x8: {  	s6 =	simm.s32 @!p0 $0x0;
	s7 =	ssub.s32 $0x1B800, s4;
	(pc) =	sbr.rel .LBB2_1-.Ltmp0, $4  }
0x9: {  	s9 =	simm.s32 @!p0 $0x0;
	p0 =	sne.s32 s7, s6;
	s7 =	simm.s32 $0x1  }
0xa: {  	s8 =	sadd.s32 $0xF000, s8;
	s6 =	simm.s32 $0x2;
	s7 =	simm.s32 @!p0 $0x0  }
0xb: {  	s11 =	smov.u32 s4;
	[sflag:s6] =	ssyncpa.u1 $0x0;
	s7 =	sadd.s32 s9, s7  }
0xc: {  	vm0 =	vmmov $0xffff;
	[sflag:s10] =	ssyncpa.u1 $0x0;
	s10 =	simm.s32 $0x0;
	s9 =	sadd.s32 $0x1, s7  }
.LBB2_4:
0xd: {  	v2 =	vnsel vm1, $0x0, v2  }
0xe: {  	vm1 =	vgt.s32 v0, $0x0;
	v2 =	vmin.u32 v2, $0x1869F  }
0xf: {  	v0 =	vnsel vm1, $0x0, v0  }
0x10: {  	v0 =	vmin.u32 v0, $0x1869F  }
0x11: {  	[tilespmem:s18], [sflag:$0x1] =	stream.indirect_vreg.gather [hbm4b:s2+s10], $0x1, v1, vm0, $0x4038;
	[tilespmem:$0x2C00] =	vst v63  }
0x12: {  	(ifvalue) =	ssetifvalue $0x7FFFFFFF  }
0x13: {  	[tilespmem:s15], [sflag:$0x1] =	stream.indirect_vreg.gather [hbm4b:s2+s10], $0x1, v2, vm0, $0x4038;
	[tilespmem:$0x2C00] =	vst v63  }
0x14: {  	s29 =	sadd.s32 $0x10, s15;
	(ifvalue) =	ssetifvalue $0x7FFFFFFF  }
0x15: {  	[tilespmem:s29], [sflag:$0x1] =	stream.indirect_vreg.gather [hbm4b:s2+s10], $0x1, v0, vm0, $0x4038;
	[tilespmem:$0x2C00] =	vst v63  }
0x16: {  	_ =	swait.ge [sflag:s5], $0xB00  }
0x17: {  	s30 =	sshrl.u32 s13, $0x3;
	[sflag:s5] =	ssyncset.done $0x0  }
0x18: {  	s31 =	sand.u32 $0x7, s13;
	s15 =	sadd.s32 s8, s30;
	[sflag:s5] =	ssyncadd.s32 $0xFFFFF500  }
0x19: {  	[hbm4b:s15+s31] =	stream.linear.scatter [tilespmem:s14], [sflag:$0x3], $0xB00, $0x38;
	[tilespmem:$0x2C00] =	vst v63  }
.LBB2_5:
0x1a: {  	s15 =	sadd.s32 $0x16000, s11  }
0x1b: {  	p1 =	sgt.s32 s15, $0x1B7FF  }
0x1c: {  	s15 =	smov.u32 @p1 s4;
	p1 =	sne.s32 s12, s9  }
.Ltmp1:
0x1d: {  	p0 =	slt.u32 s12, $0x2;
	(pc) =	sbr.rel @!p1 .LBB2_6-.Ltmp1, $4  }
0x1e: {  	s14 =	simm.s32 @!p0 $0x3  }
0x1f: {  	_ =	swait.ge @!p0 [sflag:s14], $0xB00  }
0x20: {  	s16 =	sadd.s32 $0x1, s12;
	s13 =	smov.u32 s11;
	[sflag:s14] =	ssyncset.done @!p0 $0x0  }
0x21: {  	s12 =	smov.u32 s16;
	s11 =	smov.u32 s15;
	[sflag:s14] =	ssyncadd.s32 @!p0 $0xFFFFF500  }
.LBB2_1:
0x22: {  	p0 =	sge.u32 s12, s7  }
0x23: {  	s14 =	sxor.u32 @!p0 $0x1, s12  }
0x24: {  	s14 =	smul.u32 @!p0 $0x2C00, s14  }
0x25: {  	s31 =	sadd.s32 $0xFFFFFFFF, s12;
	s15 =	sshrl.u32 @!p0 s11, $0x3  }
0x26: {  	s16 =	sand.u32 @!p0 $0x7, s11;
	s15 =	sadd.s32 @!p0 s3, s15;
	s14 =	sshra.s32 @!p0 s14, $0x2  }
0x27: {  	[tilespmem:s14], [sflag:$0x2] =	stream.linear.gather @!p0 [hbm4b:s15+s16], $0xB00, $0x38;
	[tilespmem:$0x2C00] =	vst v63  }
0x28: {  	p0 =	sge.u32 s31, s7  }
.Ltmp2:
0x29: {  	_ = 	snop;
	(pc) =	sbr.rel @p0 .LBB2_5-.Ltmp2, $1  }
0x2a: {  	_ =	sdelay $0x3  }
0x2b: {  	s14 =	sand.u32 $0x1, s12  }
0x2c: {  	_ =	swait.ge [sflag:s6], $0xB00;
	p0 =	seq.s32 s14, $0x1;
	s14 =	simm.s32 $0xB00  }
0x2d: {  	[sflag:s6] =	ssyncset.done $0x0;
	s14 =	simm.s32 @!p0 $0x0  }
0x2e: {  	[sflag:s6] =	ssyncadd.s32 $0xFFFFF500;
	(ifvalue) =	ssetifvalue $0x7FFFFFFF;
	v0 =	vld.msk [tilespmem:s14+$0x0 ss:$0x1], $0xffff;
	_ =	sdelay $0x4  }
0x2f: {  	s15 =	sadd.s32 $0x10, s14;
	vm1 =	vgt.s32 v0, $0x0  }
0x30: {  	v2 =	vld.msk [tilespmem:s15+$0x0 ss:$0x1], $0xffff;
	v1 =	vnsel vm1, $0x0, v0  }
0x31: {  	v1 =	vmin.u32 v1, $0x1869F;
	_ =	sdelay $0x2  }
0x32: {  	s17 =	simm.s32 $0x20;
	s14 =	sadd.s32 $0x1600, s14;
	s16 =	sadd.s32 $0x10, s15  }
0x33: {  	s15 =	sadd.s32 $0x10, s14;
	s18 =	smov.u32 s14;
	v0 =	vld.msk [tilespmem:s16+$0x0 ss:$0x1], $0xffff;
	vm1 =	vgt.s32 v2, $0x0;
	(ifvalue) =	ssetifvalue $0x7FFFFFFF  }
.LBB2_3:
0x34: {  	[tilespmem:s18], [sflag:$0x1] =	stream.indirect_vreg.gather [hbm4b:s2+s10], $0x1, v1, vm0, $0x4038;
	[tilespmem:$0x2C00] =	vst v63  }
0x35: {  	s17 =	sadd.s32 $0x10, s17  }
0x36: {  	v2 =	vnsel vm1, $0x0, v2;
	p0 =	slt.u32 s17, $0xAF0  }
.Ltmp3:
0x37: {  	s18 =	smov.u32 s15;
	v1 =	vmin.u32 v2, $0x1869F;
	(pc) =	sbr.rel @p0 .LBB2_3-.Ltmp3, $3  }
0x38: {  	_ =	sdelay $0x1  }
0x39: {  	s16 =	sadd.s32 $0x10, s16  }
0x3a: {  	vm1 =	vgt.s32 v0, $0x0;
	s15 =	sadd.s32 $0x10, s15;
	v2 =	vmov v0;
	(ifvalue) =	ssetifvalue $0x7FFFFFFF;
	v0 =	vld.msk [tilespmem:s16+$0x0 ss:$0x1], $0xffff  }
.Ltmp4:
0x3b: {  	_ = 	snop;
	(pc) =	sbr.rel .LBB2_4-.Ltmp4, $1  }
0x3c: {  	_ =	sdelay $0x3  }
.LBB2_6:
0x3d: {  	_ =	sfence.sel $0x180000  }
0x3e: {  	s2 =	simm.s32 $0x2;
	[bflag:$0x0] =	sbarrier.arrive $0xFFFF  }
0x3f: {  	s30 =	simm.s32 $0x3;
	[sflag:s2] =	ssyncpa.u1 $0x1  }
0x40: {  	s31 =	simm.s32 $0x1;
	[sflag:s30] =	ssyncpa.u1 $0x1  }
0x41: {  	[sflag:s31] =	ssyncpa.u1 $0x1  }
0x42: {  	p0 =	sne.s32 s0, $0x0;
	_ =	strace $0x9000005C  }
0x43: {  	s0 =	sadd.s32 @!p0 $0x100000, s1;
	[bflag:$0x2] =	sbarrier.arrive $0xFFFF  }
0x44: {  	[sflag:s0] =	ssyncadd.tile.s32 @!p0 $0x1;
	_ =	shalt  }
.Lfunc_end2:
_tile_overlayer_lowered:
.L_overlay_start_2:
0x45: {  	(tag) =	ssettag $0x2  }
0x46: {  	s0 =	rddreg [dreg:$0x0];
	s2 =	stileid.u32  }
0x47: {  	s1 =	rddreg [dreg:$0x1];
	p0 =	sne.s32 s2, $0x0  }
0x48: {  	s3 =	rddreg [dreg:$0x2];
	[bflag:$0x3] =	sbarrier.arrive $0xFFFF;
	s2 =	simm.s32 @!p0 $0x1C01  }
0x49: {  	[timem:s3], [sflag:s2] =	dma.local @!p0 [hbm:s0], s1  }
0x4a: {  	s0 =	simm.s32 @!p0 $0x1  }
0x4b: {  	_ =	swait.ge @!p0 [sflag:s0], s1  }
0x4c: {  	s1 =	ssub.s32 @!p0 $0x0, s1;
	[sflag:s0] =	ssyncset.done @!p0 $0x0  }
0x4d: {  	[sflag:s0] =	ssyncadd.s32 @!p0 s1  }
0x4e: {  	[bflag:$0x3] =	sbarrier.arrive $0xFFFF  }
0x4f: {  	_ =	shalt  }

// kernel: sparse-core-data-format-call.cloned.1.call-start
scs
called_computation_lowered:
.L_overlay_start_0:
0x0: {  	s1 =	sld [smem:$0x3FD9]  }
0x1: {  	s2 =	sld [smem:$0x3FFE];
	_ =	sdelay $0x1  }
0x2: {  	s3 =	srdreg.scid  }
0x3: {  	s0 =	sand.u32 $0x1, s3  }
0x4: {  	s17 =	sshll.u32 s0, $0xA;
	s1 =	sadd.s32 s2, s1  }
0x5: {  	s1 =	sadd.s32 s1, s17  }
0x6: {  	[smem:$0x3FC3] =	sst s1  }
0x7: {  	_ = 	snop  }
0x8: {  	(tm) =	ssettm $0x1  }
0x9: {  	s18 =	sld [smem:$0x3FFB];
	_ =	sdelay $0x3  }
0xa: {  	_ =	strace s18  }
0xb: {  	s1 =	sld [smem:$0x3FFC];
	_ =	sdelay $0x3  }
0xc: {  	_ =	strace s1  }
0xd: {  	s1 =	sld [smem:$0x3FFD];
	_ =	sdelay $0x3  }
0xe: {  	_ =	strace s1  }
0xf: {  	_ =	strace $0x8FFFFFFF  }
0x10: {  	s19 =	sld [smem:$0x3FDB];
	_ =	sdelay $0x1  }
0x11: {  	s20 =	simm.s32 $_scs_section_size  }
0x12: {  	s4 =	simm.s32 $_size__tile_overlayer_lowered;
	s5 =	simm.s32 $_tile_overlayer_lowered  }
0x13: {  	s23 =	simm.s32 $0x1BFF;
	s22 =	sshll.u32 s5, $0x1;
	s1 =	sadd.s32 s20, s19  }
0x14: {  	s6 =	simm.s32 $0x0;
	s21 =	sshll.u32 s4, $0x1;
	s4 =	sadd.s32 s22, s1  }
0x15: {  	[timem:s6], [sflag:s23] =	dma.local [hbm:s4], s21  }
0x16: {  	_ =	swait.ge [sflag:s23], s21  }
0x17: {  	s2 =	ssub.s32 $0x0, s21;
	[sflag:s23] =	ssyncset.done $0x0  }
0x18: {  	[sflag:s23] =	ssyncadd.s32 s2;
	_ =	sdelay $0x1  }
0x19: {  	s24 =	simm.s32 $0x1B8B  }
0x1a: {  	_ =	swait.ge [sflag:s24], $0x1  }
0x1b: {  	[sflag:s24] =	ssyncset.done $0x0  }
0x1c: {  	s26 =	simm.s32 $0x1B8E;
	s25 =	sld [smem:$0x3FFE];
	[sflag:s24] =	ssyncadd.s32 $0xFFFFFFFF  }
0x1d: {  	s27 =	simm.s32 $execute0_lowered;
	[smem:$0x3FD2] =	sst s26  }
0x1e: {  	s4 =	sshll.u32 s27, $0x1;
	_ =	strace $0x80000046;
	[dreg:$0x1] =	wrdreg $0xFFFFFFFF  }
0x1f: {  	s28 =	simm.s32 $_size_execute0_lowered;
	s1 =	sadd.s32 s1, s4;
	[dreg:$0x0] =	wrdreg $0x0  }
0x20: {  	s4 =	sshll.u32 s28, $0x1;
	[dreg:$0x2] =	wrdreg s1  }
0x21: {  	[dreg:$0x3] =	wrdreg s4  }
0x22: {  	[dreg:$0x4] =	wrdreg $0xC0  }
0x23: {  	_ =	task [dreg:s6], $0x5FFFF  }
0x24: {  	[dreg:$0x1] =	wrdreg $0xFFFFFFFF  }
0x25: {  	[dreg:$0x0] =	wrdreg $0x60  }
0x26: {  	[dreg:$0x2] =	wrdreg s25  }
0x27: {  	[dreg:$0x3] =	wrdreg $0x9  }
0x28: {  	_ =	task.clear_ibuf [dreg:s6], $0x4FFFF;
	_ =	strace $0x90000046  }
0x29: {  	s29 =	simm.s32 $0x9;
	_ =	strace $0x80000048  }
0x2a: {  	_ =	swait.ge [sflag:s29], $0x1  }
0x2b: {  	[sflag:s29] =	ssyncadd.s32 $0xFFFFFFFF  }
0x2c: {  	_ =	strace $0x90000048  }
0x2d: {  	_ =	sfence  }
0x2e: {  	s30 =	sld [smem:$0x0];
	_ =	sdelay $0x2  }
0x2f: {  	s31 =	sshll.u32 s3, $0xD;
	s3 =	sshrl.u32 s3, $0x2  }
0x30: {  	s2 =	sand.u32 $0x4000, s31;
	s1 =	sadd.s32 s3, s30  }
0x31: {  	s0 =	sor.u32 s2, s0;
	s1 =	sshll.u32 s1, $0x11  }
0x32: {  	s0 =	sor.u32 s1, s0  }
0x33: {  	s0 =	sadd.s32 $0x8F2B, s0  }
0x34: {  	[sflag:s0] =	ssyncadd.remote.s32 $0x1  }
0x35: {  	_ =	sfence.sel $0xFFFF  }
0x36: {  	[dreg:$0x0] =	wrdreg $0xFFFFFFFF;
	(pc) =	sbr.abs _section_cstart, $3  }
0x37: {  	[dreg:$0x1] =	wrdreg $0xFFFFFFFF  }
0x38: {  	_ =	task.clear_ibuf [dreg:s6], $0x2FFFF;
	_ =	strace $0x9FFFFFFF  }
0x39: {  	(tm) =	ssettm $0x7FFFFFFF  }
tec
execute0_lowered:
.L_overlay_start_1:
0x0: {  	(tag) =	ssettag $0x1  }
0x1: {  	s0 =	srdreg.scid;
	s2 =	rddreg [dreg:$0x0];
	s7 =	simm.s32 $0x2  }
0x2: {  	s13 =	simm.s32 $0x0;
	p0 =	por $0x0, $0x0;
	s0 =	sshll.u32 s0, $0x7  }
0x3: {  	s8 =	simm.s32 $0x18800;
	s15 =	simm.s32 $0x0;
	s1 =	sand.u32 $0x80, s0  }
0x4: {  	s14 =	simm.s32 $0x0;
	s10 =	stileid.u32;
	s3 =	ssub.s32 $0x400, s1  }
0x5: {  	s11 =	simm.s32 $0x0;
	s12 =	simm.s32 $0x0;
	s4 =	sshrl.u32 s3, $0x7  }
.Ltmp0:
0x6: {  	s5 =	sshrl.u32 s3, $0x8;
	s6 =	sand.u32 $0x1, s4;
	(pc) =	sbr.rel .LBB1_1-.Ltmp0, $4  }
0x7: {  	s0 =	rddreg [dreg:$0x1];
	_ =	strace $0x80000047;
	s5 =	sadd.s32 s5, s6  }
0x8: {  	s9 =	smov.u32 s1;
	s4 =	simm.s32 $0x1;
	s5 =	smul.u32 $0x31, s5  }
0x9: {  	s3 =	sadd.s32 $0xF4F000, s2;
	[sflag:s4] =	ssyncpa.u1 $0x0;
	s6 =	sadd.s32 $0xC4000, s2  }
0xa: {  	s2 =	stileid.u32;
	[sflag:s7] =	ssyncpa.u1 $0x0;
	s7 =	sadd.s32 $0x1, s5  }
.LBB1_4:
0xb: {  	s21 =	sshrl.u32 s15, $0x3  }
0xc: {  	s22 =	sshll.u32 s14, $0x3;
	s21 =	smul.u32 $0xC400, s21  }
0xd: {  	s27 =	sshll.u32 s15, $0x7;
	s22 =	sand.u32 $0xFFFFFC00, s22  }
0xe: {  	v5 =	vld [tilespmem:s19+$0xFFFFFFD0];
	[tilespmem:s18+$0x2040 ss:$0x81] =	vst.msk $0xffff, v4;
	s15 =	sand.u32 $0x380, s27;
	s21 =	sadd.s32 s22, s21  }
0xf: {  	v58 =	vld [tilespmem:s19+$0xFFFFFFE0];
	[tilespmem:s18+$0x2850 ss:$0x81] =	vst.msk $0xffff, v3;
	s28 =	sand.u32 $0x7F, s14;
	s15 =	sor.u32 s15, s21  }
0x10: {  	s20 =	sshra.s32 s20, $0x2;
	v59 =	vld [tilespmem:s19+$0xFFFFFFF0];
	[tilespmem:s18+$0x3060 ss:$0x81] =	vst.msk $0xffff, v2;
	s14 =	sor.u32 s28, s15  }
0x11: {  	v60 =	vld [tilespmem:s19+$0x0];
	[tilespmem:s18+$0x0 ss:$0x81] =	vst.msk $0xffff, v0;
	s17 =	sadd.s32 s20, s17;
	s29 =	smulhi.u32 $0x5397829D, s14  }
0x12: {  	v61 =	vld [tilespmem:s19+$0x10];
	[tilespmem:s17+$0x3870 ss:$0x81] =	vst.msk $0xffff, v1;
	s15 =	smulhi.u32 $0x5397829D, s15  }
0x13: {  	v62 =	vld [tilespmem:s19+$0x20];
	[tilespmem:s17+$0x810 ss:$0x81] =	vst.msk $0xffff, v5;
	s18 =	sshrl.u32 s29, $0xB  }
0x14: {  	v63 =	vld [tilespmem:s19+$0xFFFFFFC0];
	[tilespmem:s17+$0x1020 ss:$0x81] =	vst.msk $0xffff, v58;
	s15 =	sshrl.u32 s15, $0xB;
	s18 =	smul.u32 $0x1880, s18  }
0x15: {  	s13 =	smul.u32 $0x3100, s13;
	[tilespmem:s17+$0x1830 ss:$0x81] =	vst.msk $0xffff, v59;
	s15 =	sand.u32 $0xF, s15  }
0x16: {  	[tilespmem:s17+$0x2040 ss:$0x81] =	vst.msk $0xffff, v60;
	s15 =	smul.u32 $0x310, s15;
	s14 =	ssub.s32 s14, s18  }
0x17: {  	s13 =	sadd.s32 s6, s13;
	[tilespmem:s17+$0x2850 ss:$0x81] =	vst.msk $0xffff, v61;
	s18 =	sand.u32 $0x7, s14  }
0x18: {  	[tilespmem:s17+$0x3060 ss:$0x81] =	vst.msk $0xffff, v62;
	s13 =	sadd.s32 s15, s13;
	s14 =	sshrl.u32 s14, $0x3;
	s30 =	sshll.u32 s18, $0x12  }
0x19: {  	[tilespmem:s17+$0x0 ss:$0x81] =	vst.msk $0xffff, v63;
	s13 =	sadd.s32 s14, s13;
	s31 =	sor.u32 $0x80, s30  }
0x1a: {  	[hbm4b:s13+s31] =	stream.strided.scatter [tilespmem:s16], [sflag:$0x2], $0x4000, s8, s31, $0x20;
	[tilespmem:$0x10100] =	vst v63  }
.LBB1_5:
0x1b: {  	s16 =	sadd.s32 $0x100, s9  }
0x1c: {  	s13 =	sadd.s32 $0x10, s10;
	s17 =	smov.u32 s10;
	p2 =	sgt.s32 s16, $0x3FF  }
0x1d: {  	s17 =	smov.u32 @p2 s13  }
0x1e: {  	s19 =	smov.u32 s11;
	s13 =	sadd.s32 $0x80, s11;
	p3 =	sgt.s32 s17, $0xF  }
0x1f: {  	s19 =	smov.u32 @p3 s13  }
0x20: {  	s16 =	smov.u32 @p2 s1;
	p2 =	sgt.s32 s19, $0x187F  }
0x21: {  	p1 =	slt.u32 s12, $0x2;
	s19 =	simm.s32 @p2 $0x0;
	p2 =	sne.s32 s12, s7  }
.Ltmp1:
0x22: {  	s18 =	simm.s32 @!p1 $0x2;
	(pc) =	sbr.rel @!p2 .LBB1_6-.Ltmp1, $4  }
0x23: {  	s15 =	smov.u32 s10;
	s14 =	smov.u32 s11;
	_ =	swait.ge @!p1 [sflag:s18], $0x4000  }
0x24: {  	p0 =	por !p0, !p0;
	[sflag:s18] =	ssyncset.done @!p1 $0x0;
	s17 =	smov.u32 @p3 s2  }
0x25: {  	s13 =	smov.u32 s9;
	[sflag:s18] =	ssyncadd.s32 @!p1 $0xFFFFC000;
	s9 =	smov.u32 s16  }
0x26: {  	s10 =	smov.u32 s17;
	s12 =	sadd.s32 $0x1, s12;
	s11 =	smov.u32 s19  }
.LBB1_1:
0x27: {  	p1 =	sge.u32 s12, s5  }
0x28: {  	s31 =	sadd.s32 $0xFFFFFFFF, s12;
	s16 =	sshll.u32 @!p1 s10, $0x7  }
0x29: {  	s17 =	sxor.u32 @!p1 $0xFFFFFFFF, s12;
	s18 =	sand.u32 @!p1 $0x78, s9;
	s19 =	sand.u32 @!p1 $0x380, s16  }
0x2a: {  	s17 =	sshll.u32 @!p1 s17, $0xE;
	s18 =	sor.u32 @!p1 s18, s19;
	s19 =	sshll.u32 @!p1 s11, $0xB  }
0x2b: {  	s16 =	sand.u32 @!p1 $0x400, s16;
	s18 =	sshrl.u32 @!p1 s18, $0x3;
	s19 =	sadd.s32 @!p1 s3, s19  }
0x2c: {  	s16 =	sadd.s32 @!p1 s9, s16;
	s18 =	sadd.s32 @!p1 s18, s19;
	s19 =	sand.u32 @!p1 $0x7, s9  }
0x2d: {  	s17 =	sand.u32 @!p1 $0x4000, s17;
	s16 =	sand.u32 @!p1 $0x780, s16;
	s19 =	sshll.u32 @!p1 s19, $0x12  }
0x2e: {  	s16 =	sadd.s32 @!p1 s16, s18;
	s18 =	sor.u32 @!p1 $0x80, s19;
	s19 =	simm.s32 @!p1 $0x4000  }
0x2f: {  	[tilespmem:s17], [sflag:$0x1] =	stream.strided.gather @!p1 [hbm4b:s16+s18], $0x4000, s19, s18, $0x38;
	[tilespmem:$0x10100] =	vst v63  }
0x30: {  	p1 =	sge.u32 s31, s5  }
.Ltmp2:
0x31: {  	_ = 	snop;
	(pc) =	sbr.rel @p1 .LBB1_5-.Ltmp2, $1  }
0x32: {  	_ =	sdelay $0x3  }
0x33: {  	s16 =	simm.s32 $0x1  }
0x34: {  	_ =	swait.ge [sflag:s4], $0x4000;
	s16 =	simm.s32 @!p0 $0x0  }
0x35: {  	[sflag:s4] =	ssyncset.done $0x0;
	s17 =	sshll.u32 s16, $0xE  }
0x36: {  	[sflag:s4] =	ssyncadd.s32 $0xFFFFC000;
	s19 =	sor.u32 $0x40, s17  }
0x37: {  	s16 =	smul.u32 $0x10200, s16;
	v0 =	vld [tilespmem:s19+$0x30]  }
0x38: {  	v1 =	vld [tilespmem:s19+$0xFFFFFFD0]  }
0x39: {  	s16 =	sshrl.u32 s16, $0x2;
	v5 =	vld [tilespmem:s19+$0xFFFFFFE0]  }
0x3a: {  	v6 =	vld [tilespmem:s19+$0xFFFFFFF0];
	s17 =	sor.u32 $0x8000, s16  }
0x3b: {  	s31 =	sand.u32 $0x1, s12;
	v4 =	vld [tilespmem:s19+$0x0];
	s18 =	sadd.s32 $0x0, s17  }
0x3c: {  	v3 =	vld [tilespmem:s19+$0x10];
	s16 =	smul.u32 $0x10200, s31;
	[tilespmem:s18+$0x3870 ss:$0x81] =	vst.msk $0xffff, v0  }
0x3d: {  	v2 =	vld [tilespmem:s19+$0x20];
	[tilespmem:s18+$0x810 ss:$0x81] =	vst.msk $0xffff, v1  }
0x3e: {  	s16 =	sshrl.u32 s16, $0x2;
	v0 =	vld [tilespmem:s19+$0xFFFFFFC0];
	[tilespmem:s18+$0x1020 ss:$0x81] =	vst.msk $0xffff, v5;
	s19 =	sadd.s32 $0x80, s19  }
0x3f: {  	s20 =	simm.s32 $0x4;
	s21 =	simm.s32 $0x8;
	s16 =	sor.u32 $0x8000, s16;
	[tilespmem:s18+$0x1830 ss:$0x81] =	vst.msk $0xffff, v6;
	v1 =	vld [tilespmem:s19+$0x30]  }
.LBB1_3:
0x40: {  	p1 =	sne.s32 s21, $0x1FC;
	v5 =	vld [tilespmem:s19+$0xFFFFFFD0];
	[tilespmem:s18+$0x2040 ss:$0x81] =	vst.msk $0xffff, v4  }
0x41: {  	v6 =	vld [tilespmem:s19+$0xFFFFFFE0];
	[tilespmem:s18+$0x2850 ss:$0x81] =	vst.msk $0xffff, v3  }
0x42: {  	s22 =	sshra.s32 s20, $0x2;
	s20 =	smov.u32 s21;
	v7 =	vld [tilespmem:s19+$0xFFFFFFF0];
	[tilespmem:s18+$0x3060 ss:$0x81] =	vst.msk $0xffff, v2  }
.Ltmp3:
0x43: {  	v4 =	vld [tilespmem:s19+$0x0];
	[tilespmem:s18+$0x0 ss:$0x81] =	vst.msk $0xffff, v0;
	s18 =	sadd.s32 s22, s17;
	(pc) =	sbr.rel @p1 .LBB1_3-.Ltmp3, $4  }
0x44: {  	v3 =	vld [tilespmem:s19+$0x10];
	[tilespmem:s18+$0x3870 ss:$0x81] =	vst.msk $0xffff, v1  }
0x45: {  	[tilespmem:s18+$0x810 ss:$0x81] =	vst.msk $0xffff, v5;
	v2 =	vld [tilespmem:s19+$0x20]  }
0x46: {  	v0 =	vld [tilespmem:s19+$0xFFFFFFC0];
	[tilespmem:s18+$0x1020 ss:$0x81] =	vst.msk $0xffff, v6;
	s19 =	sadd.s32 $0x80, s19  }
0x47: {  	s21 =	sadd.s32 $0x4, s21;
	v1 =	vld [tilespmem:s19+$0x30];
	[tilespmem:s18+$0x1830 ss:$0x81] =	vst.msk $0xffff, v7  }
.Ltmp4:
0x48: {  	_ = 	snop;
	(pc) =	sbr.rel .LBB1_4-.Ltmp4, $1  }
0x49: {  	_ =	sdelay $0x3  }
.LBB1_6:
0x4a: {  	_ =	sfence.sel $0x180000  }
0x4b: {  	s1 =	simm.s32 $0x1;
	[bflag:$0x0] =	sbarrier.arrive $0xFFFF  }
0x4c: {  	s31 =	simm.s32 $0x2;
	[sflag:s1] =	ssyncpa.u1 $0x1  }
0x4d: {  	[sflag:s31] =	ssyncpa.u1 $0x1  }
0x4e: {  	p0 =	sne.s32 s2, $0x0;
	_ =	strace $0x90000047  }
0x4f: {  	s0 =	sadd.s32 @!p0 $0x100000, s0;
	[bflag:$0x2] =	sbarrier.arrive $0xFFFF  }
0x50: {  	[sflag:s0] =	ssyncadd.tile.s32 @!p0 $0x1;
	_ =	shalt  }
.Lfunc_end1:
_tile_overlayer_lowered:
.L_overlay_start_2:
0x51: {  	(tag) =	ssettag $0x2  }
0x52: {  	s0 =	rddreg [dreg:$0x0];
	s2 =	stileid.u32  }
0x53: {  	s1 =	rddreg [dreg:$0x1];
	p0 =	sne.s32 s2, $0x0  }
0x54: {  	s3 =	rddreg [dreg:$0x2];
	[bflag:$0x3] =	sbarrier.arrive $0xFFFF;
	s2 =	simm.s32 @!p0 $0x1C01  }
0x55: {  	[timem:s3], [sflag:s2] =	dma.local @!p0 [hbm:s0], s1  }
0x56: {  	s0 =	simm.s32 @!p0 $0x1  }
0x57: {  	_ =	swait.ge @!p0 [sflag:s0], s1  }
0x58: {  	s1 =	ssub.s32 @!p0 $0x0, s1;
	[sflag:s0] =	ssyncset.done @!p0 $0x0  }
0x59: {  	[sflag:s0] =	ssyncadd.s32 @!p0 s1  }
0x5a: {  	[bflag:$0x3] =	sbarrier.arrive $0xFFFF  }
0x5b: {  	_ =	shalt  }

</sc_bundles>
